<compile_context>
chip_gen: v7x
topology: tpu7x:2x2x1
jax: 0.10.2.dev20260603
libtpu: 0.0.44.dev20260713+nightly
codegen_flags: <defaults>
</compile_context>

<pallas_src>
import jax
import jax.numpy as jnp
from jax import lax
from jax.experimental import pallas as pl
from jax.experimental.pallas import tpu as pltpu
from jax.experimental.pallas import tpu_sc as plsc

B = 16384
D = 32
NC = 2
NS = 16
NW = NC * NS
BPW = B // NW
GCH = 128
NCH = BPW // GCH
L = 16


def _sc_scores_body(x_hbm, uw_hbm, iw_hbm, out_hbm,
                    xv, idx_u, idx_i, idx_j, ru, ri, rj, out_v, sem):
    wid = lax.axis_index("s") * NC + lax.axis_index("c")
    base = wid * BPW

    pltpu.sync_copy(x_hbm.at[pl.ds(base, BPW)], xv)

    lanes = lax.iota(jnp.int32, L)
    col0 = jnp.zeros((L,), jnp.int32)
    col1 = col0 + 1
    col2 = col0 + 2

    for c in range(NCH):
        for g in range(GCH // L):
            rows = c * GCH + g * L + lanes
            idx_u[c, pl.ds(g * L, L)] = plsc.load_gather(xv, [rows, col0])
            idx_i[c, pl.ds(g * L, L)] = plsc.load_gather(xv, [rows, col1])
            idx_j[c, pl.ds(g * L, L)] = plsc.load_gather(xv, [rows, col2])

    cps = []
    for c in range(NCH):
        dst = pl.ds(c * GCH, GCH)
        cps.append(pltpu.async_copy(uw_hbm.at[idx_u.at[c]], ru.at[dst], sem))
        cps.append(pltpu.async_copy(iw_hbm.at[idx_i.at[c]], ri.at[dst], sem))
        cps.append(pltpu.async_copy(iw_hbm.at[idx_j.at[c]], rj.at[dst], sem))
    for cp in cps:
        cp.wait()

    @pl.loop(0, BPW // L)
    def _(g):
        rows = g * L + lanes
        acc = jnp.zeros((L,), jnp.float32)
        for d in range(D):
            cols = jnp.full((L,), d, jnp.int32)
            uu = plsc.load_gather(ru, [rows, cols])
            vi = plsc.load_gather(ri, [rows, cols])
            vj = plsc.load_gather(rj, [rows, cols])
            acc = acc + uu * (vi - vj)
        out_v[pl.ds(g * L, L)] = acc

    pltpu.sync_copy(out_v, out_hbm.at[pl.ds(base, BPW)])


def _tc_loss_body(z_ref, o_ref):
    z = z_ref[...]
    t = -z
    sp = jnp.maximum(t, 0.0) + jnp.log(1.0 + jnp.exp(-jnp.abs(t)))
    o_ref[0, 0] = jnp.sum(sp) * (1.0 / B)


def kernel(x, user_weight, item_weight):
    x32 = x.astype(jnp.int32)

    mesh = plsc.VectorSubcoreMesh(core_axis_name="c", subcore_axis_name="s")
    sc_scores = pl.kernel(
        _sc_scores_body,
        out_type=jax.ShapeDtypeStruct((B,), jnp.float32),
        mesh=mesh,
        compiler_params=pltpu.CompilerParams(
            needs_layout_passes=False, use_tc_tiling_on_sc=False),
        scratch_types=[
            pltpu.VMEM((BPW, 3), jnp.int32),
            pltpu.VMEM((NCH, GCH), jnp.int32),
            pltpu.VMEM((NCH, GCH), jnp.int32),
            pltpu.VMEM((NCH, GCH), jnp.int32),
            pltpu.VMEM((BPW, D), jnp.float32),
            pltpu.VMEM((BPW, D), jnp.float32),
            pltpu.VMEM((BPW, D), jnp.float32),
            pltpu.VMEM((BPW,), jnp.float32),
            pltpu.SemaphoreType.DMA,
        ],
    )
    xuij = sc_scores(x32, user_weight, item_weight)

    loss = pl.pallas_call(
        _tc_loss_body,
        out_shape=jax.ShapeDtypeStruct((1, 1), jnp.float32),
        in_specs=[pl.BlockSpec(memory_space=pltpu.VMEM)],
        out_specs=pl.BlockSpec(memory_space=pltpu.SMEM),
    )(xuij.reshape(B // 128, 128))
    return loss[0, 0]

# --- scband reference (transcript-rebuilt; emitter-appended) ---
"""Pipeline reference for scband-bpr-36429912604977 (READ-ONLY COPY).

The authoritative reference and input builder live on the scoring server;
editing this copy changes nothing except your own understanding.
"""

import jax, jax.numpy as jnp
import numpy as np

N_USERS = 1000000
N_ITEMS = 1000000
EMBED_DIM = 32
BATCH = 16384


def _xavier_normal(key, shape):
    fan_in, fan_out = shape[0], shape[1]
    std = float(np.sqrt(2.0 / (fan_in + fan_out)))
    return jax.random.normal(key, shape, dtype=jnp.float32) * std


def setup_inputs(seed: int = 0) -> dict:
    key = jax.random.key(seed)
    k_x, k_u, k_i = jax.random.split(key, 3)
    x = jax.random.randint(k_x, (BATCH, 3), 0, 1000000, dtype=jnp.int64)
    user_weight = _xavier_normal(k_u, (N_USERS + 1, EMBED_DIM))
    item_weight = _xavier_normal(k_i, (N_ITEMS + 1, EMBED_DIM))
    return {"x": x, "user_weight": user_weight, "item_weight": item_weight}


def reference(x, user_weight, item_weight):
    u = x[:, 0]
    i = x[:, 1]
    j = x[:, 2]
    user_vec = jnp.take(user_weight, u, axis=0)
    item_vec_i = jnp.take(item_weight, i, axis=0)
    item_vec_j = jnp.take(item_weight, j, axis=0)
    xui = jnp.sum(user_vec * item_vec_i, axis=1)
    xuj = jnp.sum(user_vec * item_vec_j, axis=1)
    xuij = xui - xuj
    output = jax.nn.log_sigmoid(xuij)
    return -jnp.mean(output)

if __name__ == "__main__":
    import jax
    _d = setup_inputs()
    print(jax.jit(kernel)(*tuple(_d.values())))

</pallas_src>

<mosaic_0001>
#map = affine_map<(d0, d1) -> (0, 0)>
#map1 = affine_map<(d0, d1) -> (0)>
module attributes {stable_mosaic.version = 14 : i64} {
  func.func @_sc_scores_body(%arg0: i32, %arg1: i32, %arg2: memref<16384x3xi32, #tpu.memory_space<hbm>>, %arg3: memref<1000001x32xf32, #tpu.memory_space<hbm>>, %arg4: memref<1000001x32xf32, #tpu.memory_space<hbm>>, %arg5: memref<16384xf32, #tpu.memory_space<hbm>>, %arg6: memref<512x3xi32, #tpu.memory_space<vmem>>, %arg7: memref<4x128xi32, #tpu.memory_space<vmem>>, %arg8: memref<4x128xi32, #tpu.memory_space<vmem>>, %arg9: memref<4x128xi32, #tpu.memory_space<vmem>>, %arg10: memref<512x32xf32, #tpu.memory_space<vmem>>, %arg11: memref<512x32xf32, #tpu.memory_space<vmem>>, %arg12: memref<512x32xf32, #tpu.memory_space<vmem>>, %arg13: memref<512xf32, #tpu.memory_space<vmem>>, %arg14: memref<!tpu.dma_semaphore, #tpu.memory_space<semaphore_mem>>) attributes {dimension_semantics = [#tpu.dimension_semantics<core_parallel>, #tpu.dimension_semantics<subcore_parallel>], iteration_bounds = array<i64: 2, 16>, scalar_prefetch = 0 : i64, scratch_operands = 9 : i64, tpu.core_type = #tpu.core_type<sc_vector_subcore>, window_params = [{transform_indices = #map}, {transform_indices = #map}, {transform_indices = #map}, {transform_indices = #map1}]} {
    %mul3A = arith.constant 2 : i32
    %mul3A_0 = arith.muli %arg1, %mul3A : i32
    %add3A = arith.addi %mul3A_0, %arg0 : i32
    %mul3A_1 = arith.constant 512 : i32
    %mul3A_2 = arith.muli %add3A, %mul3A_1 : i32
    "tpu.region"() ({
      %run_scoped3A = tpu.sem_alloc : memref<!tpu.dma_semaphore, #tpu.memory_space<semaphore_mem>>
      %dma_start3A_826 = arith.constant 0 : i32
      %dma_start3A_827 = tpu.memref_slice %arg2[%mul3A_2, %dma_start3A_826] : memref<16384x3xi32, #tpu.memory_space<hbm>> -> memref<512x3xi32, #tpu.memory_space<hbm>>
      %dma_start3A_828 = arith.constant 0 : i32
      %dma_start3A_829 = tpu.memref_slice %arg2[%mul3A_2, %dma_start3A_828] : memref<16384x3xi32, #tpu.memory_space<hbm>> -> memref<512x3xi32, #tpu.memory_space<hbm>>
      tpu.enqueue_dma source(%dma_start3A_829 : memref<512x3xi32, #tpu.memory_space<hbm>>) target(%arg6 : memref<512x3xi32, #tpu.memory_space<vmem>>) target_semaphore(%run_scoped3A : memref<!tpu.dma_semaphore, #tpu.memory_space<semaphore_mem>>)
      %dma_wait3A_830 = arith.constant 0 : i32
      %dma_wait3A_831 = tpu.memref_slice %arg2[%mul3A_2, %dma_wait3A_830] : memref<16384x3xi32, #tpu.memory_space<hbm>> -> memref<512x3xi32, #tpu.memory_space<hbm>>
      %dma_wait3A_832 = arith.constant 0 : i32
      %dma_wait3A_833 = tpu.memref_slice %arg2[%mul3A_2, %dma_wait3A_832] : memref<16384x3xi32, #tpu.memory_space<hbm>> -> memref<512x3xi32, #tpu.memory_space<hbm>>
      tpu.wait_dma2 semaphore(%run_scoped3A : memref<!tpu.dma_semaphore, #tpu.memory_space<semaphore_mem>>) src(%dma_wait3A_833 : memref<512x3xi32, #tpu.memory_space<hbm>>) dst(%arg6 : memref<512x3xi32, #tpu.memory_space<vmem>>)
      tpu.yield
    }) : () -> ()
    %iota3A = tpu.iota {dimensions = array<i32: 0>} : vector<16xi32>
    %broadcast_in_dim3A = arith.constant 0 : i32
    %broadcast_in_dim3A_3 = vector.broadcast %broadcast_in_dim3A : i32 to vector<16xi32>
    %add3A_4 = arith.constant 1 : i32
    %add3A_5 = vector.broadcast %add3A_4 : i32 to vector<16xi32>
    %add3A_6 = arith.addi %broadcast_in_dim3A_3, %add3A_5 : vector<16xi32>
    %add3A_7 = arith.constant 2 : i32
    %add3A_8 = vector.broadcast %add3A_7 : i32 to vector<16xi32>
    %add3A_9 = arith.addi %broadcast_in_dim3A_3, %add3A_8 : vector<16xi32>
    %add3A_10 = arith.constant 0 : i32
    %add3A_11 = vector.broadcast %add3A_10 : i32 to vector<16xi32>
    %add3A_12 = arith.addi %add3A_11, %iota3A : vector<16xi32>
    %gather3A = tpu.vector_load_idx %arg6[%add3A_12, %broadcast_in_dim3A_3] : memref<512x3xi32, #tpu.memory_space<vmem>>[vector<16xi32>, vector<16xi32>], vector<16xi32>,
    %swap3A = arith.constant 0 : i32
    %swap3A_13 = arith.index_cast %swap3A : i32 to index
    %swap3A_14 = arith.constant 0 : index
    %swap3A_15 = tpu.vector_load %arg7[%swap3A_13, %swap3A_14] {strides = array<i32>} : memref<4x128xi32, #tpu.memory_space<vmem>>, vector<16xi32>,
    tpu.vector_store %arg7[%swap3A_13, %swap3A_14], %gather3A {strides = array<i32>} : memref<4x128xi32, #tpu.memory_space<vmem>>, vector<16xi32>,
    %gather3A_16 = tpu.vector_load_idx %arg6[%add3A_12, %add3A_6] : memref<512x3xi32, #tpu.memory_space<vmem>>[vector<16xi32>, vector<16xi32>], vector<16xi32>,
    %swap3A_17 = arith.constant 0 : i32
    %swap3A_18 = arith.index_cast %swap3A_17 : i32 to index
    %swap3A_19 = arith.constant 0 : index
    %swap3A_20 = tpu.vector_load %arg8[%swap3A_18, %swap3A_19] {strides = array<i32>} : memref<4x128xi32, #tpu.memory_space<vmem>>, vector<16xi32>,
    tpu.vector_store %arg8[%swap3A_18, %swap3A_19], %gather3A_16 {strides = array<i32>} : memref<4x128xi32, #tpu.memory_space<vmem>>, vector<16xi32>,
    %gather3A_21 = tpu.vector_load_idx %arg6[%add3A_12, %add3A_9] : memref<512x3xi32, #tpu.memory_space<vmem>>[vector<16xi32>, vector<16xi32>], vector<16xi32>,
    %swap3A_22 = arith.constant 0 : i32
    %swap3A_23 = arith.index_cast %swap3A_22 : i32 to index
    %swap3A_24 = arith.constant 0 : index
    %swap3A_25 = tpu.vector_load %arg9[%swap3A_23, %swap3A_24] {strides = array<i32>} : memref<4x128xi32, #tpu.memory_space<vmem>>, vector<16xi32>,
    tpu.vector_store %arg9[%swap3A_23, %swap3A_24], %gather3A_21 {strides = array<i32>} : memref<4x128xi32, #tpu.memory_space<vmem>>, vector<16xi32>,
    %add3A_26 = arith.constant 16 : i32
    %add3A_27 = vector.broadcast %add3A_26 : i32 to vector<16xi32>
    %add3A_28 = arith.addi %add3A_27, %iota3A : vector<16xi32>
    %gather3A_29 = tpu.vector_load_idx %arg6[%add3A_28, %broadcast_in_dim3A_3] : memref<512x3xi32, #tpu.memory_space<vmem>>[vector<16xi32>, vector<16xi32>], vector<16xi32>,
    %swap3A_30 = arith.constant 0 : i32
    %swap3A_31 = arith.index_cast %swap3A_30 : i32 to index
    %swap3A_32 = arith.constant 16 : index
    %swap3A_33 = tpu.vector_load %arg7[%swap3A_31, %swap3A_32] {strides = array<i32>} : memref<4x128xi32, #tpu.memory_space<vmem>>, vector<16xi32>,
    tpu.vector_store %arg7[%swap3A_31, %swap3A_32], %gather3A_29 {strides = array<i32>} : memref<4x128xi32, #tpu.memory_space<vmem>>, vector<16xi32>,
    %gather3A_34 = tpu.vector_load_idx %arg6[%add3A_28, %add3A_6] : memref<512x3xi32, #tpu.memory_space<vmem>>[vector<16xi32>, vector<16xi32>], vector<16xi32>,
    %swap3A_35 = arith.constant 0 : i32
    %swap3A_36 = arith.index_cast %swap3A_35 : i32 to index
    %swap3A_37 = arith.constant 16 : index
    %swap3A_38 = tpu.vector_load %arg8[%swap3A_36, %swap3A_37] {strides = array<i32>} : memref<4x128xi32, #tpu.memory_space<vmem>>, vector<16xi32>,
    tpu.vector_store %arg8[%swap3A_36, %swap3A_37], %gather3A_34 {strides = array<i32>} : memref<4x128xi32, #tpu.memory_space<vmem>>, vector<16xi32>,
    %gather3A_39 = tpu.vector_load_idx %arg6[%add3A_28, %add3A_9] : memref<512x3xi32, #tpu.memory_space<vmem>>[vector<16xi32>, vector<16xi32>], vector<16xi32>,
    %swap3A_40 = arith.constant 0 : i32
    %swap3A_41 = arith.index_cast %swap3A_40 : i32 to index
    %swap3A_42 = arith.constant 16 : index
    %swap3A_43 = tpu.vector_load %arg9[%swap3A_41, %swap3A_42] {strides = array<i32>} : memref<4x128xi32, #tpu.memory_space<vmem>>, vector<16xi32>,
    tpu.vector_store %arg9[%swap3A_41, %swap3A_42], %gather3A_39 {strides = array<i32>} : memref<4x128xi32, #tpu.memory_space<vmem>>, vector<16xi32>,
    %add3A_44 = arith.constant 32 : i32
    %add3A_45 = vector.broadcast %add3A_44 : i32 to vector<16xi32>
    %add3A_46 = arith.addi %add3A_45, %iota3A : vector<16xi32>
    %gather3A_47 = tpu.vector_load_idx %arg6[%add3A_46, %broadcast_in_dim3A_3] : memref<512x3xi32, #tpu.memory_space<vmem>>[vector<16xi32>, vector<16xi32>], vector<16xi32>,
    %swap3A_48 = arith.constant 0 : i32
    %swap3A_49 = arith.index_cast %swap3A_48 : i32 to index
    %swap3A_50 = arith.constant 32 : index
    %swap3A_51 = tpu.vector_load %arg7[%swap3A_49, %swap3A_50] {strides = array<i32>} : memref<4x128xi32, #tpu.memory_space<vmem>>, vector<16xi32>,
    tpu.vector_store %arg7[%swap3A_49, %swap3A_50], %gather3A_47 {strides = array<i32>} : memref<4x128xi32, #tpu.memory_space<vmem>>, vector<16xi32>,
    %gather3A_52 = tpu.vector_load_idx %arg6[%add3A_46, %add3A_6] : memref<512x3xi32, #tpu.memory_space<vmem>>[vector<16xi32>, vector<16xi32>], vector<16xi32>,
    %swap3A_53 = arith.constant 0 : i32
    %swap3A_54 = arith.index_cast %swap3A_53 : i32 to index
    %swap3A_55 = arith.constant 32 : index
    %swap3A_56 = tpu.vector_load %arg8[%swap3A_54, %swap3A_55] {strides = array<i32>} : memref<4x128xi32, #tpu.memory_space<vmem>>, vector<16xi32>,
    tpu.vector_store %arg8[%swap3A_54, %swap3A_55], %gather3A_52 {strides = array<i32>} : memref<4x128xi32, #tpu.memory_space<vmem>>, vector<16xi32>,
    %gather3A_57 = tpu.vector_load_idx %arg6[%add3A_46, %add3A_9] : memref<512x3xi32, #tpu.memory_space<vmem>>[vector<16xi32>, vector<16xi32>], vector<16xi32>,
    %swap3A_58 = arith.constant 0 : i32
    %swap3A_59 = arith.index_cast %swap3A_58 : i32 to index
    %swap3A_60 = arith.constant 32 : index
    %swap3A_61 = tpu.vector_load %arg9[%swap3A_59, %swap3A_60] {strides = array<i32>} : memref<4x128xi32, #tpu.memory_space<vmem>>, vector<16xi32>,
    tpu.vector_store %arg9[%swap3A_59, %swap3A_60], %gather3A_57 {strides = array<i32>} : memref<4x128xi32, #tpu.memory_space<vmem>>, vector<16xi32>,
    %add3A_62 = arith.constant 48 : i32
    %add3A_63 = vector.broadcast %add3A_62 : i32 to vector<16xi32>
    %add3A_64 = arith.addi %add3A_63, %iota3A : vector<16xi32>
    %gather3A_65 = tpu.vector_load_idx %arg6[%add3A_64, %broadcast_in_dim3A_3] : memref<512x3xi32, #tpu.memory_space<vmem>>[vector<16xi32>, vector<16xi32>], vector<16xi32>,
    %swap3A_66 = arith.constant 0 : i32
    %swap3A_67 = arith.index_cast %swap3A_66 : i32 to index
    %swap3A_68 = arith.constant 48 : index
    %swap3A_69 = tpu.vector_load %arg7[%swap3A_67, %swap3A_68] {strides = array<i32>} : memref<4x128xi32, #tpu.memory_space<vmem>>, vector<16xi32>,
    tpu.vector_store %arg7[%swap3A_67, %swap3A_68], %gather3A_65 {strides = array<i32>} : memref<4x128xi32, #tpu.memory_space<vmem>>, vector<16xi32>,
    %gather3A_70 = tpu.vector_load_idx %arg6[%add3A_64, %add3A_6] : memref<512x3xi32, #tpu.memory_space<vmem>>[vector<16xi32>, vector<16xi32>], vector<16xi32>,
    %swap3A_71 = arith.constant 0 : i32
    %swap3A_72 = arith.index_cast %swap3A_71 : i32 to index
    %swap3A_73 = arith.constant 48 : index
    %swap3A_74 = tpu.vector_load %arg8[%swap3A_72, %swap3A_73] {strides = array<i32>} : memref<4x128xi32, #tpu.memory_space<vmem>>, vector<16xi32>,
    tpu.vector_store %arg8[%swap3A_72, %swap3A_73], %gather3A_70 {strides = array<i32>} : memref<4x128xi32, #tpu.memory_space<vmem>>, vector<16xi32>,
    %gather3A_75 = tpu.vector_load_idx %arg6[%add3A_64, %add3A_9] : memref<512x3xi32, #tpu.memory_space<vmem>>[vector<16xi32>, vector<16xi32>], vector<16xi32>,
    %swap3A_76 = arith.constant 0 : i32
    %swap3A_77 = arith.index_cast %swap3A_76 : i32 to index
    %swap3A_78 = arith.constant 48 : index
    %swap3A_79 = tpu.vector_load %arg9[%swap3A_77, %swap3A_78] {strides = array<i32>} : memref<4x128xi32, #tpu.memory_space<vmem>>, vector<16xi32>,
    tpu.vector_store %arg9[%swap3A_77, %swap3A_78], %gather3A_75 {strides = array<i32>} : memref<4x128xi32, #tpu.memory_space<vmem>>, vector<16xi32>,
    %add3A_80 = arith.constant 64 : i32
    %add3A_81 = vector.broadcast %add3A_80 : i32 to vector<16xi32>
    %add3A_82 = arith.addi %add3A_81, %iota3A : vector<16xi32>
    %gather3A_83 = tpu.vector_load_idx %arg6[%add3A_82, %broadcast_in_dim3A_3] : memref<512x3xi32, #tpu.memory_space<vmem>>[vector<16xi32>, vector<16xi32>], vector<16xi32>,
    %swap3A_84 = arith.constant 0 : i32
    %swap3A_85 = arith.index_cast %swap3A_84 : i32 to index
    %swap3A_86 = arith.constant 64 : index
    %swap3A_87 = tpu.vector_load %arg7[%swap3A_85, %swap3A_86] {strides = array<i32>} : memref<4x128xi32, #tpu.memory_space<vmem>>, vector<16xi32>,
    tpu.vector_store %arg7[%swap3A_85, %swap3A_86], %gather3A_83 {strides = array<i32>} : memref<4x128xi32, #tpu.memory_space<vmem>>, vector<16xi32>,
    %gather3A_88 = tpu.vector_load_idx %arg6[%add3A_82, %add3A_6] : memref<512x3xi32, #tpu.memory_space<vmem>>[vector<16xi32>, vector<16xi32>], vector<16xi32>,
    %swap3A_89 = arith.constant 0 : i32
    %swap3A_90 = arith.index_cast %swap3A_89 : i32 to index
    %swap3A_91 = arith.constant 64 : index
    %swap3A_92 = tpu.vector_load %arg8[%swap3A_90, %swap3A_91] {strides = array<i32>} : memref<4x128xi32, #tpu.memory_space<vmem>>, vector<16xi32>,
    tpu.vector_store %arg8[%swap3A_90, %swap3A_91], %gather3A_88 {strides = array<i32>} : memref<4x128xi32, #tpu.memory_space<vmem>>, vector<16xi32>,
    %gather3A_93 = tpu.vector_load_idx %arg6[%add3A_82, %add3A_9] : memref<512x3xi32, #tpu.memory_space<vmem>>[vector<16xi32>, vector<16xi32>], vector<16xi32>,
    %swap3A_94 = arith.constant 0 : i32
    %swap3A_95 = arith.index_cast %swap3A_94 : i32 to index
    %swap3A_96 = arith.constant 64 : index
    %swap3A_97 = tpu.vector_load %arg9[%swap3A_95, %swap3A_96] {strides = array<i32>} : memref<4x128xi32, #tpu.memory_space<vmem>>, vector<16xi32>,
    tpu.vector_store %arg9[%swap3A_95, %swap3A_96], %gather3A_93 {strides = array<i32>} : memref<4x128xi32, #tpu.memory_space<vmem>>, vector<16xi32>,
    %add3A_98 = arith.constant 80 : i32
    %add3A_99 = vector.broadcast %add3A_98 : i32 to vector<16xi32>
    %add3A_100 = arith.addi %add3A_99, %iota3A : vector<16xi32>
    %gather3A_101 = tpu.vector_load_idx %arg6[%add3A_100, %broadcast_in_dim3A_3] : memref<512x3xi32, #tpu.memory_space<vmem>>[vector<16xi32>, vector<16xi32>], vector<16xi32>,
    %swap3A_102 = arith.constant 0 : i32
    %swap3A_103 = arith.index_cast %swap3A_102 : i32 to index
    %swap3A_104 = arith.constant 80 : index
    %swap3A_105 = tpu.vector_load %arg7[%swap3A_103, %swap3A_104] {strides = array<i32>} : memref<4x128xi32, #tpu.memory_space<vmem>>, vector<16xi32>,
    tpu.vector_store %arg7[%swap3A_103, %swap3A_104], %gather3A_101 {strides = array<i32>} : memref<4x128xi32, #tpu.memory_space<vmem>>, vector<16xi32>,
    %gather3A_106 = tpu.vector_load_idx %arg6[%add3A_100, %add3A_6] : memref<512x3xi32, #tpu.memory_space<vmem>>[vector<16xi32>, vector<16xi32>], vector<16xi32>,
    %swap3A_107 = arith.constant 0 : i32
    %swap3A_108 = arith.index_cast %swap3A_107 : i32 to index
    %swap3A_109 = arith.constant 80 : index
    %swap3A_110 = tpu.vector_load %arg8[%swap3A_108, %swap3A_109] {strides = array<i32>} : memref<4x128xi32, #tpu.memory_space<vmem>>, vector<16xi32>,
    tpu.vector_store %arg8[%swap3A_108, %swap3A_109], %gather3A_106 {strides = array<i32>} : memref<4x128xi32, #tpu.memory_space<vmem>>, vector<16xi32>,
    %gather3A_111 = tpu.vector_load_idx %arg6[%add3A_100, %add3A_9] : memref<512x3xi32, #tpu.memory_space<vmem>>[vector<16xi32>, vector<16xi32>], vector<16xi32>,
    %swap3A_112 = arith.constant 0 : i32
    %swap3A_113 = arith.index_cast %swap3A_112 : i32 to index
    %swap3A_114 = arith.constant 80 : index
    %swap3A_115 = tpu.vector_load %arg9[%swap3A_113, %swap3A_114] {strides = array<i32>} : memref<4x128xi32, #tpu.memory_space<vmem>>, vector<16xi32>,
    tpu.vector_store %arg9[%swap3A_113, %swap3A_114], %gather3A_111 {strides = array<i32>} : memref<4x128xi32, #tpu.memory_space<vmem>>, vector<16xi32>,
    %add3A_116 = arith.constant 96 : i32
    %add3A_117 = vector.broadcast %add3A_116 : i32 to vector<16xi32>
    %add3A_118 = arith.addi %add3A_117, %iota3A : vector<16xi32>
    %gather3A_119 = tpu.vector_load_idx %arg6[%add3A_118, %broadcast_in_dim3A_3] : memref<512x3xi32, #tpu.memory_space<vmem>>[vector<16xi32>, vector<16xi32>], vector<16xi32>,
    %swap3A_120 = arith.constant 0 : i32
    %swap3A_121 = arith.index_cast %swap3A_120 : i32 to index
    %swap3A_122 = arith.constant 96 : index
    %swap3A_123 = tpu.vector_load %arg7[%swap3A_121, %swap3A_122] {strides = array<i32>} : memref<4x128xi32, #tpu.memory_space<vmem>>, vector<16xi32>,
    tpu.vector_store %arg7[%swap3A_121, %swap3A_122], %gather3A_119 {strides = array<i32>} : memref<4x128xi32, #tpu.memory_space<vmem>>, vector<16xi32>,
    %gather3A_124 = tpu.vector_load_idx %arg6[%add3A_118, %add3A_6] : memref<512x3xi32, #tpu.memory_space<vmem>>[vector<16xi32>, vector<16xi32>], vector<16xi32>,
    %swap3A_125 = arith.constant 0 : i32
    %swap3A_126 = arith.index_cast %swap3A_125 : i32 to index
    %swap3A_127 = arith.constant 96 : index
    %swap3A_128 = tpu.vector_load %arg8[%swap3A_126, %swap3A_127] {strides = array<i32>} : memref<4x128xi32, #tpu.memory_space<vmem>>, vector<16xi32>,
    tpu.vector_store %arg8[%swap3A_126, %swap3A_127], %gather3A_124 {strides = array<i32>} : memref<4x128xi32, #tpu.memory_space<vmem>>, vector<16xi32>,
    %gather3A_129 = tpu.vector_load_idx %arg6[%add3A_118, %add3A_9] : memref<512x3xi32, #tpu.memory_space<vmem>>[vector<16xi32>, vector<16xi32>], vector<16xi32>,
    %swap3A_130 = arith.constant 0 : i32
    %swap3A_131 = arith.index_cast %swap3A_130 : i32 to index
    %swap3A_132 = arith.constant 96 : index
    %swap3A_133 = tpu.vector_load %arg9[%swap3A_131, %swap3A_132] {strides = array<i32>} : memref<4x128xi32, #tpu.memory_space<vmem>>, vector<16xi32>,
    tpu.vector_store %arg9[%swap3A_131, %swap3A_132], %gather3A_129 {strides = array<i32>} : memref<4x128xi32, #tpu.memory_space<vmem>>, vector<16xi32>,
    %add3A_134 = arith.constant 112 : i32
    %add3A_135 = vector.broadcast %add3A_134 : i32 to vector<16xi32>
    %add3A_136 = arith.addi %add3A_135, %iota3A : vector<16xi32>
    %gather3A_137 = tpu.vector_load_idx %arg6[%add3A_136, %broadcast_in_dim3A_3] : memref<512x3xi32, #tpu.memory_space<vmem>>[vector<16xi32>, vector<16xi32>], vector<16xi32>,
    %swap3A_138 = arith.constant 0 : i32
    %swap3A_139 = arith.index_cast %swap3A_138 : i32 to index
    %swap3A_140 = arith.constant 112 : index
    %swap3A_141 = tpu.vector_load %arg7[%swap3A_139, %swap3A_140] {strides = array<i32>} : memref<4x128xi32, #tpu.memory_space<vmem>>, vector<16xi32>,
    tpu.vector_store %arg7[%swap3A_139, %swap3A_140], %gather3A_137 {strides = array<i32>} : memref<4x128xi32, #tpu.memory_space<vmem>>, vector<16xi32>,
    %gather3A_142 = tpu.vector_load_idx %arg6[%add3A_136, %add3A_6] : memref<512x3xi32, #tpu.memory_space<vmem>>[vector<16xi32>, vector<16xi32>], vector<16xi32>,
    %swap3A_143 = arith.constant 0 : i32
    %swap3A_144 = arith.index_cast %swap3A_143 : i32 to index
    %swap3A_145 = arith.constant 112 : index
    %swap3A_146 = tpu.vector_load %arg8[%swap3A_144, %swap3A_145] {strides = array<i32>} : memref<4x128xi32, #tpu.memory_space<vmem>>, vector<16xi32>,
    tpu.vector_store %arg8[%swap3A_144, %swap3A_145], %gather3A_142 {strides = array<i32>} : memref<4x128xi32, #tpu.memory_space<vmem>>, vector<16xi32>,
    %gather3A_147 = tpu.vector_load_idx %arg6[%add3A_136, %add3A_9] : memref<512x3xi32, #tpu.memory_space<vmem>>[vector<16xi32>, vector<16xi32>], vector<16xi32>,
    %swap3A_148 = arith.constant 0 : i32
    %swap3A_149 = arith.index_cast %swap3A_148 : i32 to index
    %swap3A_150 = arith.constant 112 : index
    %swap3A_151 = tpu.vector_load %arg9[%swap3A_149, %swap3A_150] {strides = array<i32>} : memref<4x128xi32, #tpu.memory_space<vmem>>, vector<16xi32>,
    tpu.vector_store %arg9[%swap3A_149, %swap3A_150], %gather3A_147 {strides = array<i32>} : memref<4x128xi32, #tpu.memory_space<vmem>>, vector<16xi32>,
    %add3A_152 = arith.constant 128 : i32
    %add3A_153 = vector.broadcast %add3A_152 : i32 to vector<16xi32>
    %add3A_154 = arith.addi %add3A_153, %iota3A : vector<16xi32>
    %gather3A_155 = tpu.vector_load_idx %arg6[%add3A_154, %broadcast_in_dim3A_3] : memref<512x3xi32, #tpu.memory_space<vmem>>[vector<16xi32>, vector<16xi32>], vector<16xi32>,
    %swap3A_156 = arith.constant 1 : i32
    %swap3A_157 = arith.index_cast %swap3A_156 : i32 to index
    %swap3A_158 = arith.constant 0 : index
    %swap3A_159 = tpu.vector_load %arg7[%swap3A_157, %swap3A_158] {strides = array<i32>} : memref<4x128xi32, #tpu.memory_space<vmem>>, vector<16xi32>,
    tpu.vector_store %arg7[%swap3A_157, %swap3A_158], %gather3A_155 {strides = array<i32>} : memref<4x128xi32, #tpu.memory_space<vmem>>, vector<16xi32>,
    %gather3A_160 = tpu.vector_load_idx %arg6[%add3A_154, %add3A_6] : memref<512x3xi32, #tpu.memory_space<vmem>>[vector<16xi32>, vector<16xi32>], vector<16xi32>,
    %swap3A_161 = arith.constant 1 : i32
    %swap3A_162 = arith.index_cast %swap3A_161 : i32 to index
    %swap3A_163 = arith.constant 0 : index
    %swap3A_164 = tpu.vector_load %arg8[%swap3A_162, %swap3A_163] {strides = array<i32>} : memref<4x128xi32, #tpu.memory_space<vmem>>, vector<16xi32>,
    tpu.vector_store %arg8[%swap3A_162, %swap3A_163], %gather3A_160 {strides = array<i32>} : memref<4x128xi32, #tpu.memory_space<vmem>>, vector<16xi32>,
    %gather3A_165 = tpu.vector_load_idx %arg6[%add3A_154, %add3A_9] : memref<512x3xi32, #tpu.memory_space<vmem>>[vector<16xi32>, vector<16xi32>], vector<16xi32>,
    %swap3A_166 = arith.constant 1 : i32
    %swap3A_167 = arith.index_cast %swap3A_166 : i32 to index
    %swap3A_168 = arith.constant 0 : index
    %swap3A_169 = tpu.vector_load %arg9[%swap3A_167, %swap3A_168] {strides = array<i32>} : memref<4x128xi32, #tpu.memory_space<vmem>>, vector<16xi32>,
    tpu.vector_store %arg9[%swap3A_167, %swap3A_168], %gather3A_165 {strides = array<i32>} : memref<4x128xi32, #tpu.memory_space<vmem>>, vector<16xi32>,
    %add3A_170 = arith.constant 144 : i32
    %add3A_171 = vector.broadcast %add3A_170 : i32 to vector<16xi32>
    %add3A_172 = arith.addi %add3A_171, %iota3A : vector<16xi32>
    %gather3A_173 = tpu.vector_load_idx %arg6[%add3A_172, %broadcast_in_dim3A_3] : memref<512x3xi32, #tpu.memory_space<vmem>>[vector<16xi32>, vector<16xi32>], vector<16xi32>,
    %swap3A_174 = arith.constant 1 : i32
    %swap3A_175 = arith.index_cast %swap3A_174 : i32 to index
    %swap3A_176 = arith.constant 16 : index
    %swap3A_177 = tpu.vector_load %arg7[%swap3A_175, %swap3A_176] {strides = array<i32>} : memref<4x128xi32, #tpu.memory_space<vmem>>, vector<16xi32>,
    tpu.vector_store %arg7[%swap3A_175, %swap3A_176], %gather3A_173 {strides = array<i32>} : memref<4x128xi32, #tpu.memory_space<vmem>>, vector<16xi32>,
    %gather3A_178 = tpu.vector_load_idx %arg6[%add3A_172, %add3A_6] : memref<512x3xi32, #tpu.memory_space<vmem>>[vector<16xi32>, vector<16xi32>], vector<16xi32>,
    %swap3A_179 = arith.constant 1 : i32
    %swap3A_180 = arith.index_cast %swap3A_179 : i32 to index
    %swap3A_181 = arith.constant 16 : index
    %swap3A_182 = tpu.vector_load %arg8[%swap3A_180, %swap3A_181] {strides = array<i32>} : memref<4x128xi32, #tpu.memory_space<vmem>>, vector<16xi32>,
    tpu.vector_store %arg8[%swap3A_180, %swap3A_181], %gather3A_178 {strides = array<i32>} : memref<4x128xi32, #tpu.memory_space<vmem>>, vector<16xi32>,
    %gather3A_183 = tpu.vector_load_idx %arg6[%add3A_172, %add3A_9] : memref<512x3xi32, #tpu.memory_space<vmem>>[vector<16xi32>, vector<16xi32>], vector<16xi32>,
    %swap3A_184 = arith.constant 1 : i32
    %swap3A_185 = arith.index_cast %swap3A_184 : i32 to index
    %swap3A_186 = arith.constant 16 : index
    %swap3A_187 = tpu.vector_load %arg9[%swap3A_185, %swap3A_186] {strides = array<i32>} : memref<4x128xi32, #tpu.memory_space<vmem>>, vector<16xi32>,
    tpu.vector_store %arg9[%swap3A_185, %swap3A_186], %gather3A_183 {strides = array<i32>} : memref<4x128xi32, #tpu.memory_space<vmem>>, vector<16xi32>,
    %add3A_188 = arith.constant 160 : i32
    %add3A_189 = vector.broadcast %add3A_188 : i32 to vector<16xi32>
    %add3A_190 = arith.addi %add3A_189, %iota3A : vector<16xi32>
    %gather3A_191 = tpu.vector_load_idx %arg6[%add3A_190, %broadcast_in_dim3A_3] : memref<512x3xi32, #tpu.memory_space<vmem>>[vector<16xi32>, vector<16xi32>], vector<16xi32>,
    %swap3A_192 = arith.constant 1 : i32
    %swap3A_193 = arith.index_cast %swap3A_192 : i32 to index
    %swap3A_194 = arith.constant 32 : index
    %swap3A_195 = tpu.vector_load %arg7[%swap3A_193, %swap3A_194] {strides = array<i32>} : memref<4x128xi32, #tpu.memory_space<vmem>>, vector<16xi32>,
    tpu.vector_store %arg7[%swap3A_193, %swap3A_194], %gather3A_191 {strides = array<i32>} : memref<4x128xi32, #tpu.memory_space<vmem>>, vector<16xi32>,
    %gather3A_196 = tpu.vector_load_idx %arg6[%add3A_190, %add3A_6] : memref<512x3xi32, #tpu.memory_space<vmem>>[vector<16xi32>, vector<16xi32>], vector<16xi32>,
    %swap3A_197 = arith.constant 1 : i32
    %swap3A_198 = arith.index_cast %swap3A_197 : i32 to index
    %swap3A_199 = arith.constant 32 : index
    %swap3A_200 = tpu.vector_load %arg8[%swap3A_198, %swap3A_199] {strides = array<i32>} : memref<4x128xi32, #tpu.memory_space<vmem>>, vector<16xi32>,
    tpu.vector_store %arg8[%swap3A_198, %swap3A_199], %gather3A_196 {strides = array<i32>} : memref<4x128xi32, #tpu.memory_space<vmem>>, vector<16xi32>,
    %gather3A_201 = tpu.vector_load_idx %arg6[%add3A_190, %add3A_9] : memref<512x3xi32, #tpu.memory_space<vmem>>[vector<16xi32>, vector<16xi32>], vector<16xi32>,
    %swap3A_202 = arith.constant 1 : i32
    %swap3A_203 = arith.index_cast %swap3A_202 : i32 to index
    %swap3A_204 = arith.constant 32 : index
    %swap3A_205 = tpu.vector_load %arg9[%swap3A_203, %swap3A_204] {strides = array<i32>} : memref<4x128xi32, #tpu.memory_space<vmem>>, vector<16xi32>,
    tpu.vector_store %arg9[%swap3A_203, %swap3A_204], %gather3A_201 {strides = array<i32>} : memref<4x128xi32, #tpu.memory_space<vmem>>, vector<16xi32>,
    %add3A_206 = arith.constant 176 : i32
    %add3A_207 = vector.broadcast %add3A_206 : i32 to vector<16xi32>
    %add3A_208 = arith.addi %add3A_207, %iota3A : vector<16xi32>
    %gather3A_209 = tpu.vector_load_idx %arg6[%add3A_208, %broadcast_in_dim3A_3] : memref<512x3xi32, #tpu.memory_space<vmem>>[vector<16xi32>, vector<16xi32>], vector<16xi32>,
    %swap3A_210 = arith.constant 1 : i32
    %swap3A_211 = arith.index_cast %swap3A_210 : i32 to index
    %swap3A_212 = arith.constant 48 : index
    %swap3A_213 = tpu.vector_load %arg7[%swap3A_211, %swap3A_212] {strides = array<i32>} : memref<4x128xi32, #tpu.memory_space<vmem>>, vector<16xi32>,
    tpu.vector_store %arg7[%swap3A_211, %swap3A_212], %gather3A_209 {strides = array<i32>} : memref<4x128xi32, #tpu.memory_space<vmem>>, vector<16xi32>,
    %gather3A_214 = tpu.vector_load_idx %arg6[%add3A_208, %add3A_6] : memref<512x3xi32, #tpu.memory_space<vmem>>[vector<16xi32>, vector<16xi32>], vector<16xi32>,
    %swap3A_215 = arith.constant 1 : i32
    %swap3A_216 = arith.index_cast %swap3A_215 : i32 to index
    %swap3A_217 = arith.constant 48 : index
    %swap3A_218 = tpu.vector_load %arg8[%swap3A_216, %swap3A_217] {strides = array<i32>} : memref<4x128xi32, #tpu.memory_space<vmem>>, vector<16xi32>,
    tpu.vector_store %arg8[%swap3A_216, %swap3A_217], %gather3A_214 {strides = array<i32>} : memref<4x128xi32, #tpu.memory_space<vmem>>, vector<16xi32>,
    %gather3A_219 = tpu.vector_load_idx %arg6[%add3A_208, %add3A_9] : memref<512x3xi32, #tpu.memory_space<vmem>>[vector<16xi32>, vector<16xi32>], vector<16xi32>,
    %swap3A_220 = arith.constant 1 : i32
    %swap3A_221 = arith.index_cast %swap3A_220 : i32 to index
    %swap3A_222 = arith.constant 48 : index
    %swap3A_223 = tpu.vector_load %arg9[%swap3A_221, %swap3A_222] {strides = array<i32>} : memref<4x128xi32, #tpu.memory_space<vmem>>, vector<16xi32>,
    tpu.vector_store %arg9[%swap3A_221, %swap3A_222], %gather3A_219 {strides = array<i32>} : memref<4x128xi32, #tpu.memory_space<vmem>>, vector<16xi32>,
    %add3A_224 = arith.constant 192 : i32
    %add3A_225 = vector.broadcast %add3A_224 : i32 to vector<16xi32>
    %add3A_226 = arith.addi %add3A_225, %iota3A : vector<16xi32>
    %gather3A_227 = tpu.vector_load_idx %arg6[%add3A_226, %broadcast_in_dim3A_3] : memref<512x3xi32, #tpu.memory_space<vmem>>[vector<16xi32>, vector<16xi32>], vector<16xi32>,
    %swap3A_228 = arith.constant 1 : i32
    %swap3A_229 = arith.index_cast %swap3A_228 : i32 to index
    %swap3A_230 = arith.constant 64 : index
    %swap3A_231 = tpu.vector_load %arg7[%swap3A_229, %swap3A_230] {strides = array<i32>} : memref<4x128xi32, #tpu.memory_space<vmem>>, vector<16xi32>,
    tpu.vector_store %arg7[%swap3A_229, %swap3A_230], %gather3A_227 {strides = array<i32>} : memref<4x128xi32, #tpu.memory_space<vmem>>, vector<16xi32>,
    %gather3A_232 = tpu.vector_load_idx %arg6[%add3A_226, %add3A_6] : memref<512x3xi32, #tpu.memory_space<vmem>>[vector<16xi32>, vector<16xi32>], vector<16xi32>,
    %swap3A_233 = arith.constant 1 : i32
    %swap3A_234 = arith.index_cast %swap3A_233 : i32 to index
    %swap3A_235 = arith.constant 64 : index
    %swap3A_236 = tpu.vector_load %arg8[%swap3A_234, %swap3A_235] {strides = array<i32>} : memref<4x128xi32, #tpu.memory_space<vmem>>, vector<16xi32>,
    tpu.vector_store %arg8[%swap3A_234, %swap3A_235], %gather3A_232 {strides = array<i32>} : memref<4x128xi32, #tpu.memory_space<vmem>>, vector<16xi32>,
    %gather3A_237 = tpu.vector_load_idx %arg6[%add3A_226, %add3A_9] : memref<512x3xi32, #tpu.memory_space<vmem>>[vector<16xi32>, vector<16xi32>], vector<16xi32>,
    %swap3A_238 = arith.constant 1 : i32
    %swap3A_239 = arith.index_cast %swap3A_238 : i32 to index
    %swap3A_240 = arith.constant 64 : index
    %swap3A_241 = tpu.vector_load %arg9[%swap3A_239, %swap3A_240] {strides = array<i32>} : memref<4x128xi32, #tpu.memory_space<vmem>>, vector<16xi32>,
    tpu.vector_store %arg9[%swap3A_239, %swap3A_240], %gather3A_237 {strides = array<i32>} : memref<4x128xi32, #tpu.memory_space<vmem>>, vector<16xi32>,
    %add3A_242 = arith.constant 208 : i32
    %add3A_243 = vector.broadcast %add3A_242 : i32 to vector<16xi32>
    %add3A_244 = arith.addi %add3A_243, %iota3A : vector<16xi32>
    %gather3A_245 = tpu.vector_load_idx %arg6[%add3A_244, %broadcast_in_dim3A_3] : memref<512x3xi32, #tpu.memory_space<vmem>>[vector<16xi32>, vector<16xi32>], vector<16xi32>,
    %swap3A_246 = arith.constant 1 : i32
    %swap3A_247 = arith.index_cast %swap3A_246 : i32 to index
    %swap3A_248 = arith.constant 80 : index
    %swap3A_249 = tpu.vector_load %arg7[%swap3A_247, %swap3A_248] {strides = array<i32>} : memref<4x128xi32, #tpu.memory_space<vmem>>, vector<16xi32>,
    tpu.vector_store %arg7[%swap3A_247, %swap3A_248], %gather3A_245 {strides = array<i32>} : memref<4x128xi32, #tpu.memory_space<vmem>>, vector<16xi32>,
    %gather3A_250 = tpu.vector_load_idx %arg6[%add3A_244, %add3A_6] : memref<512x3xi32, #tpu.memory_space<vmem>>[vector<16xi32>, vector<16xi32>], vector<16xi32>,
    %swap3A_251 = arith.constant 1 : i32
    %swap3A_252 = arith.index_cast %swap3A_251 : i32 to index
    %swap3A_253 = arith.constant 80 : index
    %swap3A_254 = tpu.vector_load %arg8[%swap3A_252, %swap3A_253] {strides = array<i32>} : memref<4x128xi32, #tpu.memory_space<vmem>>, vector<16xi32>,
    tpu.vector_store %arg8[%swap3A_252, %swap3A_253], %gather3A_250 {strides = array<i32>} : memref<4x128xi32, #tpu.memory_space<vmem>>, vector<16xi32>,
    %gather3A_255 = tpu.vector_load_idx %arg6[%add3A_244, %add3A_9] : memref<512x3xi32, #tpu.memory_space<vmem>>[vector<16xi32>, vector<16xi32>], vector<16xi32>,
    %swap3A_256 = arith.constant 1 : i32
    %swap3A_257 = arith.index_cast %swap3A_256 : i32 to index
    %swap3A_258 = arith.constant 80 : index
    %swap3A_259 = tpu.vector_load %arg9[%swap3A_257, %swap3A_258] {strides = array<i32>} : memref<4x128xi32, #tpu.memory_space<vmem>>, vector<16xi32>,
    tpu.vector_store %arg9[%swap3A_257, %swap3A_258], %gather3A_255 {strides = array<i32>} : memref<4x128xi32, #tpu.memory_space<vmem>>, vector<16xi32>,
    %add3A_260 = arith.constant 224 : i32
    %add3A_261 = vector.broadcast %add3A_260 : i32 to vector<16xi32>
    %add3A_262 = arith.addi %add3A_261, %iota3A : vector<16xi32>
    %gather3A_263 = tpu.vector_load_idx %arg6[%add3A_262, %broadcast_in_dim3A_3] : memref<512x3xi32, #tpu.memory_space<vmem>>[vector<16xi32>, vector<16xi32>], vector<16xi32>,
    %swap3A_264 = arith.constant 1 : i32
    %swap3A_265 = arith.index_cast %swap3A_264 : i32 to index
    %swap3A_266 = arith.constant 96 : index
    %swap3A_267 = tpu.vector_load %arg7[%swap3A_265, %swap3A_266] {strides = array<i32>} : memref<4x128xi32, #tpu.memory_space<vmem>>, vector<16xi32>,
    tpu.vector_store %arg7[%swap3A_265, %swap3A_266], %gather3A_263 {strides = array<i32>} : memref<4x128xi32, #tpu.memory_space<vmem>>, vector<16xi32>,
    %gather3A_268 = tpu.vector_load_idx %arg6[%add3A_262, %add3A_6] : memref<512x3xi32, #tpu.memory_space<vmem>>[vector<16xi32>, vector<16xi32>], vector<16xi32>,
    %swap3A_269 = arith.constant 1 : i32
    %swap3A_270 = arith.index_cast %swap3A_269 : i32 to index
    %swap3A_271 = arith.constant 96 : index
    %swap3A_272 = tpu.vector_load %arg8[%swap3A_270, %swap3A_271] {strides = array<i32>} : memref<4x128xi32, #tpu.memory_space<vmem>>, vector<16xi32>,
    tpu.vector_store %arg8[%swap3A_270, %swap3A_271], %gather3A_268 {strides = array<i32>} : memref<4x128xi32, #tpu.memory_space<vmem>>, vector<16xi32>,
    %gather3A_273 = tpu.vector_load_idx %arg6[%add3A_262, %add3A_9] : memref<512x3xi32, #tpu.memory_space<vmem>>[vector<16xi32>, vector<16xi32>], vector<16xi32>,
    %swap3A_274 = arith.constant 1 : i32
    %swap3A_275 = arith.index_cast %swap3A_274 : i32 to index
    %swap3A_276 = arith.constant 96 : index
    %swap3A_277 = tpu.vector_load %arg9[%swap3A_275, %swap3A_276] {strides = array<i32>} : memref<4x128xi32, #tpu.memory_space<vmem>>, vector<16xi32>,
    tpu.vector_store %arg9[%swap3A_275, %swap3A_276], %gather3A_273 {strides = array<i32>} : memref<4x128xi32, #tpu.memory_space<vmem>>, vector<16xi32>,
    %add3A_278 = arith.constant 240 : i32
    %add3A_279 = vector.broadcast %add3A_278 : i32 to vector<16xi32>
    %add3A_280 = arith.addi %add3A_279, %iota3A : vector<16xi32>
    %gather3A_281 = tpu.vector_load_idx %arg6[%add3A_280, %broadcast_in_dim3A_3] : memref<512x3xi32, #tpu.memory_space<vmem>>[vector<16xi32>, vector<16xi32>], vector<16xi32>,
    %swap3A_282 = arith.constant 1 : i32
    %swap3A_283 = arith.index_cast %swap3A_282 : i32 to index
    %swap3A_284 = arith.constant 112 : index
    %swap3A_285 = tpu.vector_load %arg7[%swap3A_283, %swap3A_284] {strides = array<i32>} : memref<4x128xi32, #tpu.memory_space<vmem>>, vector<16xi32>,
    tpu.vector_store %arg7[%swap3A_283, %swap3A_284], %gather3A_281 {strides = array<i32>} : memref<4x128xi32, #tpu.memory_space<vmem>>, vector<16xi32>,
    %gather3A_286 = tpu.vector_load_idx %arg6[%add3A_280, %add3A_6] : memref<512x3xi32, #tpu.memory_space<vmem>>[vector<16xi32>, vector<16xi32>], vector<16xi32>,
    %swap3A_287 = arith.constant 1 : i32
    %swap3A_288 = arith.index_cast %swap3A_287 : i32 to index
    %swap3A_289 = arith.constant 112 : index
    %swap3A_290 = tpu.vector_load %arg8[%swap3A_288, %swap3A_289] {strides = array<i32>} : memref<4x128xi32, #tpu.memory_space<vmem>>, vector<16xi32>,
    tpu.vector_store %arg8[%swap3A_288, %swap3A_289], %gather3A_286 {strides = array<i32>} : memref<4x128xi32, #tpu.memory_space<vmem>>, vector<16xi32>,
    %gather3A_291 = tpu.vector_load_idx %arg6[%add3A_280, %add3A_9] : memref<512x3xi32, #tpu.memory_space<vmem>>[vector<16xi32>, vector<16xi32>], vector<16xi32>,
    %swap3A_292 = arith.constant 1 : i32
    %swap3A_293 = arith.index_cast %swap3A_292 : i32 to index
    %swap3A_294 = arith.constant 112 : index
    %swap3A_295 = tpu.vector_load %arg9[%swap3A_293, %swap3A_294] {strides = array<i32>} : memref<4x128xi32, #tpu.memory_space<vmem>>, vector<16xi32>,
    tpu.vector_store %arg9[%swap3A_293, %swap3A_294], %gather3A_291 {strides = array<i32>} : memref<4x128xi32, #tpu.memory_space<vmem>>, vector<16xi32>,
    %add3A_296 = arith.constant 256 : i32
    %add3A_297 = vector.broadcast %add3A_296 : i32 to vector<16xi32>
    %add3A_298 = arith.addi %add3A_297, %iota3A : vector<16xi32>
    %gather3A_299 = tpu.vector_load_idx %arg6[%add3A_298, %broadcast_in_dim3A_3] : memref<512x3xi32, #tpu.memory_space<vmem>>[vector<16xi32>, vector<16xi32>], vector<16xi32>,
    %swap3A_300 = arith.constant 2 : i32
    %swap3A_301 = arith.index_cast %swap3A_300 : i32 to index
    %swap3A_302 = arith.constant 0 : index
    %swap3A_303 = tpu.vector_load %arg7[%swap3A_301, %swap3A_302] {strides = array<i32>} : memref<4x128xi32, #tpu.memory_space<vmem>>, vector<16xi32>,
    tpu.vector_store %arg7[%swap3A_301, %swap3A_302], %gather3A_299 {strides = array<i32>} : memref<4x128xi32, #tpu.memory_space<vmem>>, vector<16xi32>,
    %gather3A_304 = tpu.vector_load_idx %arg6[%add3A_298, %add3A_6] : memref<512x3xi32, #tpu.memory_space<vmem>>[vector<16xi32>, vector<16xi32>], vector<16xi32>,
    %swap3A_305 = arith.constant 2 : i32
    %swap3A_306 = arith.index_cast %swap3A_305 : i32 to index
    %swap3A_307 = arith.constant 0 : index
    %swap3A_308 = tpu.vector_load %arg8[%swap3A_306, %swap3A_307] {strides = array<i32>} : memref<4x128xi32, #tpu.memory_space<vmem>>, vector<16xi32>,
    tpu.vector_store %arg8[%swap3A_306, %swap3A_307], %gather3A_304 {strides = array<i32>} : memref<4x128xi32, #tpu.memory_space<vmem>>, vector<16xi32>,
    %gather3A_309 = tpu.vector_load_idx %arg6[%add3A_298, %add3A_9] : memref<512x3xi32, #tpu.memory_space<vmem>>[vector<16xi32>, vector<16xi32>], vector<16xi32>,
    %swap3A_310 = arith.constant 2 : i32
    %swap3A_311 = arith.index_cast %swap3A_310 : i32 to index
    %swap3A_312 = arith.constant 0 : index
    %swap3A_313 = tpu.vector_load %arg9[%swap3A_311, %swap3A_312] {strides = array<i32>} : memref<4x128xi32, #tpu.memory_space<vmem>>, vector<16xi32>,
    tpu.vector_store %arg9[%swap3A_311, %swap3A_312], %gather3A_309 {strides = array<i32>} : memref<4x128xi32, #tpu.memory_space<vmem>>, vector<16xi32>,
    %add3A_314 = arith.constant 272 : i32
    %add3A_315 = vector.broadcast %add3A_314 : i32 to vector<16xi32>
    %add3A_316 = arith.addi %add3A_315, %iota3A : vector<16xi32>
    %gather3A_317 = tpu.vector_load_idx %arg6[%add3A_316, %broadcast_in_dim3A_3] : memref<512x3xi32, #tpu.memory_space<vmem>>[vector<16xi32>, vector<16xi32>], vector<16xi32>,
    %swap3A_318 = arith.constant 2 : i32
    %swap3A_319 = arith.index_cast %swap3A_318 : i32 to index
    %swap3A_320 = arith.constant 16 : index
    %swap3A_321 = tpu.vector_load %arg7[%swap3A_319, %swap3A_320] {strides = array<i32>} : memref<4x128xi32, #tpu.memory_space<vmem>>, vector<16xi32>,
    tpu.vector_store %arg7[%swap3A_319, %swap3A_320], %gather3A_317 {strides = array<i32>} : memref<4x128xi32, #tpu.memory_space<vmem>>, vector<16xi32>,
    %gather3A_322 = tpu.vector_load_idx %arg6[%add3A_316, %add3A_6] : memref<512x3xi32, #tpu.memory_space<vmem>>[vector<16xi32>, vector<16xi32>], vector<16xi32>,
    %swap3A_323 = arith.constant 2 : i32
    %swap3A_324 = arith.index_cast %swap3A_323 : i32 to index
    %swap3A_325 = arith.constant 16 : index
    %swap3A_326 = tpu.vector_load %arg8[%swap3A_324, %swap3A_325] {strides = array<i32>} : memref<4x128xi32, #tpu.memory_space<vmem>>, vector<16xi32>,
    tpu.vector_store %arg8[%swap3A_324, %swap3A_325], %gather3A_322 {strides = array<i32>} : memref<4x128xi32, #tpu.memory_space<vmem>>, vector<16xi32>,
    %gather3A_327 = tpu.vector_load_idx %arg6[%add3A_316, %add3A_9] : memref<512x3xi32, #tpu.memory_space<vmem>>[vector<16xi32>, vector<16xi32>], vector<16xi32>,
    %swap3A_328 = arith.constant 2 : i32
    %swap3A_329 = arith.index_cast %swap3A_328 : i32 to index
    %swap3A_330 = arith.constant 16 : index
    %swap3A_331 = tpu.vector_load %arg9[%swap3A_329, %swap3A_330] {strides = array<i32>} : memref<4x128xi32, #tpu.memory_space<vmem>>, vector<16xi32>,
    tpu.vector_store %arg9[%swap3A_329, %swap3A_330], %gather3A_327 {strides = array<i32>} : memref<4x128xi32, #tpu.memory_space<vmem>>, vector<16xi32>,
    %add3A_332 = arith.constant 288 : i32
    %add3A_333 = vector.broadcast %add3A_332 : i32 to vector<16xi32>
    %add3A_334 = arith.addi %add3A_333, %iota3A : vector<16xi32>
    %gather3A_335 = tpu.vector_load_idx %arg6[%add3A_334, %broadcast_in_dim3A_3] : memref<512x3xi32, #tpu.memory_space<vmem>>[vector<16xi32>, vector<16xi32>], vector<16xi32>,
    %swap3A_336 = arith.constant 2 : i32
    %swap3A_337 = arith.index_cast %swap3A_336 : i32 to index
    %swap3A_338 = arith.constant 32 : index
    %swap3A_339 = tpu.vector_load %arg7[%swap3A_337, %swap3A_338] {strides = array<i32>} : memref<4x128xi32, #tpu.memory_space<vmem>>, vector<16xi32>,
    tpu.vector_store %arg7[%swap3A_337, %swap3A_338], %gather3A_335 {strides = array<i32>} : memref<4x128xi32, #tpu.memory_space<vmem>>, vector<16xi32>,
    %gather3A_340 = tpu.vector_load_idx %arg6[%add3A_334, %add3A_6] : memref<512x3xi32, #tpu.memory_space<vmem>>[vector<16xi32>, vector<16xi32>], vector<16xi32>,
    %swap3A_341 = arith.constant 2 : i32
    %swap3A_342 = arith.index_cast %swap3A_341 : i32 to index
    %swap3A_343 = arith.constant 32 : index
    %swap3A_344 = tpu.vector_load %arg8[%swap3A_342, %swap3A_343] {strides = array<i32>} : memref<4x128xi32, #tpu.memory_space<vmem>>, vector<16xi32>,
    tpu.vector_store %arg8[%swap3A_342, %swap3A_343], %gather3A_340 {strides = array<i32>} : memref<4x128xi32, #tpu.memory_space<vmem>>, vector<16xi32>,
    %gather3A_345 = tpu.vector_load_idx %arg6[%add3A_334, %add3A_9] : memref<512x3xi32, #tpu.memory_space<vmem>>[vector<16xi32>, vector<16xi32>], vector<16xi32>,
    %swap3A_346 = arith.constant 2 : i32
    %swap3A_347 = arith.index_cast %swap3A_346 : i32 to index
    %swap3A_348 = arith.constant 32 : index
    %swap3A_349 = tpu.vector_load %arg9[%swap3A_347, %swap3A_348] {strides = array<i32>} : memref<4x128xi32, #tpu.memory_space<vmem>>, vector<16xi32>,
    tpu.vector_store %arg9[%swap3A_347, %swap3A_348], %gather3A_345 {strides = array<i32>} : memref<4x128xi32, #tpu.memory_space<vmem>>, vector<16xi32>,
    %add3A_350 = arith.constant 304 : i32
    %add3A_351 = vector.broadcast %add3A_350 : i32 to vector<16xi32>
    %add3A_352 = arith.addi %add3A_351, %iota3A : vector<16xi32>
    %gather3A_353 = tpu.vector_load_idx %arg6[%add3A_352, %broadcast_in_dim3A_3] : memref<512x3xi32, #tpu.memory_space<vmem>>[vector<16xi32>, vector<16xi32>], vector<16xi32>,
    %swap3A_354 = arith.constant 2 : i32
    %swap3A_355 = arith.index_cast %swap3A_354 : i32 to index
    %swap3A_356 = arith.constant 48 : index
    %swap3A_357 = tpu.vector_load %arg7[%swap3A_355, %swap3A_356] {strides = array<i32>} : memref<4x128xi32, #tpu.memory_space<vmem>>, vector<16xi32>,
    tpu.vector_store %arg7[%swap3A_355, %swap3A_356], %gather3A_353 {strides = array<i32>} : memref<4x128xi32, #tpu.memory_space<vmem>>, vector<16xi32>,
    %gather3A_358 = tpu.vector_load_idx %arg6[%add3A_352, %add3A_6] : memref<512x3xi32, #tpu.memory_space<vmem>>[vector<16xi32>, vector<16xi32>], vector<16xi32>,
    %swap3A_359 = arith.constant 2 : i32
    %swap3A_360 = arith.index_cast %swap3A_359 : i32 to index
    %swap3A_361 = arith.constant 48 : index
    %swap3A_362 = tpu.vector_load %arg8[%swap3A_360, %swap3A_361] {strides = array<i32>} : memref<4x128xi32, #tpu.memory_space<vmem>>, vector<16xi32>,
    tpu.vector_store %arg8[%swap3A_360, %swap3A_361], %gather3A_358 {strides = array<i32>} : memref<4x128xi32, #tpu.memory_space<vmem>>, vector<16xi32>,
    %gather3A_363 = tpu.vector_load_idx %arg6[%add3A_352, %add3A_9] : memref<512x3xi32, #tpu.memory_space<vmem>>[vector<16xi32>, vector<16xi32>], vector<16xi32>,
    %swap3A_364 = arith.constant 2 : i32
    %swap3A_365 = arith.index_cast %swap3A_364 : i32 to index
    %swap3A_366 = arith.constant 48 : index
    %swap3A_367 = tpu.vector_load %arg9[%swap3A_365, %swap3A_366] {strides = array<i32>} : memref<4x128xi32, #tpu.memory_space<vmem>>, vector<16xi32>,
    tpu.vector_store %arg9[%swap3A_365, %swap3A_366], %gather3A_363 {strides = array<i32>} : memref<4x128xi32, #tpu.memory_space<vmem>>, vector<16xi32>,
    %add3A_368 = arith.constant 320 : i32
    %add3A_369 = vector.broadcast %add3A_368 : i32 to vector<16xi32>
    %add3A_370 = arith.addi %add3A_369, %iota3A : vector<16xi32>
    %gather3A_371 = tpu.vector_load_idx %arg6[%add3A_370, %broadcast_in_dim3A_3] : memref<512x3xi32, #tpu.memory_space<vmem>>[vector<16xi32>, vector<16xi32>], vector<16xi32>,
    %swap3A_372 = arith.constant 2 : i32
    %swap3A_373 = arith.index_cast %swap3A_372 : i32 to index
    %swap3A_374 = arith.constant 64 : index
    %swap3A_375 = tpu.vector_load %arg7[%swap3A_373, %swap3A_374] {strides = array<i32>} : memref<4x128xi32, #tpu.memory_space<vmem>>, vector<16xi32>,
    tpu.vector_store %arg7[%swap3A_373, %swap3A_374], %gather3A_371 {strides = array<i32>} : memref<4x128xi32, #tpu.memory_space<vmem>>, vector<16xi32>,
    %gather3A_376 = tpu.vector_load_idx %arg6[%add3A_370, %add3A_6] : memref<512x3xi32, #tpu.memory_space<vmem>>[vector<16xi32>, vector<16xi32>], vector<16xi32>,
    %swap3A_377 = arith.constant 2 : i32
    %swap3A_378 = arith.index_cast %swap3A_377 : i32 to index
    %swap3A_379 = arith.constant 64 : index
    %swap3A_380 = tpu.vector_load %arg8[%swap3A_378, %swap3A_379] {strides = array<i32>} : memref<4x128xi32, #tpu.memory_space<vmem>>, vector<16xi32>,
    tpu.vector_store %arg8[%swap3A_378, %swap3A_379], %gather3A_376 {strides = array<i32>} : memref<4x128xi32, #tpu.memory_space<vmem>>, vector<16xi32>,
    %gather3A_381 = tpu.vector_load_idx %arg6[%add3A_370, %add3A_9] : memref<512x3xi32, #tpu.memory_space<vmem>>[vector<16xi32>, vector<16xi32>], vector<16xi32>,
    %swap3A_382 = arith.constant 2 : i32
    %swap3A_383 = arith.index_cast %swap3A_382 : i32 to index
    %swap3A_384 = arith.constant 64 : index
    %swap3A_385 = tpu.vector_load %arg9[%swap3A_383, %swap3A_384] {strides = array<i32>} : memref<4x128xi32, #tpu.memory_space<vmem>>, vector<16xi32>,
    tpu.vector_store %arg9[%swap3A_383, %swap3A_384], %gather3A_381 {strides = array<i32>} : memref<4x128xi32, #tpu.memory_space<vmem>>, vector<16xi32>,
    %add3A_386 = arith.constant 336 : i32
    %add3A_387 = vector.broadcast %add3A_386 : i32 to vector<16xi32>
    %add3A_388 = arith.addi %add3A_387, %iota3A : vector<16xi32>
    %gather3A_389 = tpu.vector_load_idx %arg6[%add3A_388, %broadcast_in_dim3A_3] : memref<512x3xi32, #tpu.memory_space<vmem>>[vector<16xi32>, vector<16xi32>], vector<16xi32>,
    %swap3A_390 = arith.constant 2 : i32
    %swap3A_391 = arith.index_cast %swap3A_390 : i32 to index
    %swap3A_392 = arith.constant 80 : index
    %swap3A_393 = tpu.vector_load %arg7[%swap3A_391, %swap3A_392] {strides = array<i32>} : memref<4x128xi32, #tpu.memory_space<vmem>>, vector<16xi32>,
    tpu.vector_store %arg7[%swap3A_391, %swap3A_392], %gather3A_389 {strides = array<i32>} : memref<4x128xi32, #tpu.memory_space<vmem>>, vector<16xi32>,
    %gather3A_394 = tpu.vector_load_idx %arg6[%add3A_388, %add3A_6] : memref<512x3xi32, #tpu.memory_space<vmem>>[vector<16xi32>, vector<16xi32>], vector<16xi32>,
    %swap3A_395 = arith.constant 2 : i32
    %swap3A_396 = arith.index_cast %swap3A_395 : i32 to index
    %swap3A_397 = arith.constant 80 : index
    %swap3A_398 = tpu.vector_load %arg8[%swap3A_396, %swap3A_397] {strides = array<i32>} : memref<4x128xi32, #tpu.memory_space<vmem>>, vector<16xi32>,
    tpu.vector_store %arg8[%swap3A_396, %swap3A_397], %gather3A_394 {strides = array<i32>} : memref<4x128xi32, #tpu.memory_space<vmem>>, vector<16xi32>,
    %gather3A_399 = tpu.vector_load_idx %arg6[%add3A_388, %add3A_9] : memref<512x3xi32, #tpu.memory_space<vmem>>[vector<16xi32>, vector<16xi32>], vector<16xi32>,
    %swap3A_400 = arith.constant 2 : i32
    %swap3A_401 = arith.index_cast %swap3A_400 : i32 to index
    %swap3A_402 = arith.constant 80 : index
    %swap3A_403 = tpu.vector_load %arg9[%swap3A_401, %swap3A_402] {strides = array<i32>} : memref<4x128xi32, #tpu.memory_space<vmem>>, vector<16xi32>,
    tpu.vector_store %arg9[%swap3A_401, %swap3A_402], %gather3A_399 {strides = array<i32>} : memref<4x128xi32, #tpu.memory_space<vmem>>, vector<16xi32>,
    %add3A_404 = arith.constant 352 : i32
    %add3A_405 = vector.broadcast %add3A_404 : i32 to vector<16xi32>
    %add3A_406 = arith.addi %add3A_405, %iota3A : vector<16xi32>
    %gather3A_407 = tpu.vector_load_idx %arg6[%add3A_406, %broadcast_in_dim3A_3] : memref<512x3xi32, #tpu.memory_space<vmem>>[vector<16xi32>, vector<16xi32>], vector<16xi32>,
    %swap3A_408 = arith.constant 2 : i32
    %swap3A_409 = arith.index_cast %swap3A_408 : i32 to index
    %swap3A_410 = arith.constant 96 : index
    %swap3A_411 = tpu.vector_load %arg7[%swap3A_409, %swap3A_410] {strides = array<i32>} : memref<4x128xi32, #tpu.memory_space<vmem>>, vector<16xi32>,
    tpu.vector_store %arg7[%swap3A_409, %swap3A_410], %gather3A_407 {strides = array<i32>} : memref<4x128xi32, #tpu.memory_space<vmem>>, vector<16xi32>,
    %gather3A_412 = tpu.vector_load_idx %arg6[%add3A_406, %add3A_6] : memref<512x3xi32, #tpu.memory_space<vmem>>[vector<16xi32>, vector<16xi32>], vector<16xi32>,
    %swap3A_413 = arith.constant 2 : i32
    %swap3A_414 = arith.index_cast %swap3A_413 : i32 to index
    %swap3A_415 = arith.constant 96 : index
    %swap3A_416 = tpu.vector_load %arg8[%swap3A_414, %swap3A_415] {strides = array<i32>} : memref<4x128xi32, #tpu.memory_space<vmem>>, vector<16xi32>,
    tpu.vector_store %arg8[%swap3A_414, %swap3A_415], %gather3A_412 {strides = array<i32>} : memref<4x128xi32, #tpu.memory_space<vmem>>, vector<16xi32>,
    %gather3A_417 = tpu.vector_load_idx %arg6[%add3A_406, %add3A_9] : memref<512x3xi32, #tpu.memory_space<vmem>>[vector<16xi32>, vector<16xi32>], vector<16xi32>,
    %swap3A_418 = arith.constant 2 : i32
    %swap3A_419 = arith.index_cast %swap3A_418 : i32 to index
    %swap3A_420 = arith.constant 96 : index
    %swap3A_421 = tpu.vector_load %arg9[%swap3A_419, %swap3A_420] {strides = array<i32>} : memref<4x128xi32, #tpu.memory_space<vmem>>, vector<16xi32>,
    tpu.vector_store %arg9[%swap3A_419, %swap3A_420], %gather3A_417 {strides = array<i32>} : memref<4x128xi32, #tpu.memory_space<vmem>>, vector<16xi32>,
    %add3A_422 = arith.constant 368 : i32
    %add3A_423 = vector.broadcast %add3A_422 : i32 to vector<16xi32>
    %add3A_424 = arith.addi %add3A_423, %iota3A : vector<16xi32>
    %gather3A_425 = tpu.vector_load_idx %arg6[%add3A_424, %broadcast_in_dim3A_3] : memref<512x3xi32, #tpu.memory_space<vmem>>[vector<16xi32>, vector<16xi32>], vector<16xi32>,
    %swap3A_426 = arith.constant 2 : i32
    %swap3A_427 = arith.index_cast %swap3A_426 : i32 to index
    %swap3A_428 = arith.constant 112 : index
    %swap3A_429 = tpu.vector_load %arg7[%swap3A_427, %swap3A_428] {strides = array<i32>} : memref<4x128xi32, #tpu.memory_space<vmem>>, vector<16xi32>,
    tpu.vector_store %arg7[%swap3A_427, %swap3A_428], %gather3A_425 {strides = array<i32>} : memref<4x128xi32, #tpu.memory_space<vmem>>, vector<16xi32>,
    %gather3A_430 = tpu.vector_load_idx %arg6[%add3A_424, %add3A_6] : memref<512x3xi32, #tpu.memory_space<vmem>>[vector<16xi32>, vector<16xi32>], vector<16xi32>,
    %swap3A_431 = arith.constant 2 : i32
    %swap3A_432 = arith.index_cast %swap3A_431 : i32 to index
    %swap3A_433 = arith.constant 112 : index
    %swap3A_434 = tpu.vector_load %arg8[%swap3A_432, %swap3A_433] {strides = array<i32>} : memref<4x128xi32, #tpu.memory_space<vmem>>, vector<16xi32>,
    tpu.vector_store %arg8[%swap3A_432, %swap3A_433], %gather3A_430 {strides = array<i32>} : memref<4x128xi32, #tpu.memory_space<vmem>>, vector<16xi32>,
    %gather3A_435 = tpu.vector_load_idx %arg6[%add3A_424, %add3A_9] : memref<512x3xi32, #tpu.memory_space<vmem>>[vector<16xi32>, vector<16xi32>], vector<16xi32>,
    %swap3A_436 = arith.constant 2 : i32
    %swap3A_437 = arith.index_cast %swap3A_436 : i32 to index
    %swap3A_438 = arith.constant 112 : index
    %swap3A_439 = tpu.vector_load %arg9[%swap3A_437, %swap3A_438] {strides = array<i32>} : memref<4x128xi32, #tpu.memory_space<vmem>>, vector<16xi32>,
    tpu.vector_store %arg9[%swap3A_437, %swap3A_438], %gather3A_435 {strides = array<i32>} : memref<4x128xi32, #tpu.memory_space<vmem>>, vector<16xi32>,
    %add3A_440 = arith.constant 384 : i32
    %add3A_441 = vector.broadcast %add3A_440 : i32 to vector<16xi32>
    %add3A_442 = arith.addi %add3A_441, %iota3A : vector<16xi32>
    %gather3A_443 = tpu.vector_load_idx %arg6[%add3A_442, %broadcast_in_dim3A_3] : memref<512x3xi32, #tpu.memory_space<vmem>>[vector<16xi32>, vector<16xi32>], vector<16xi32>,
    %swap3A_444 = arith.constant 3 : i32
    %swap3A_445 = arith.index_cast %swap3A_444 : i32 to index
    %swap3A_446 = arith.constant 0 : index
    %swap3A_447 = tpu.vector_load %arg7[%swap3A_445, %swap3A_446] {strides = array<i32>} : memref<4x128xi32, #tpu.memory_space<vmem>>, vector<16xi32>,
    tpu.vector_store %arg7[%swap3A_445, %swap3A_446], %gather3A_443 {strides = array<i32>} : memref<4x128xi32, #tpu.memory_space<vmem>>, vector<16xi32>,
    %gather3A_448 = tpu.vector_load_idx %arg6[%add3A_442, %add3A_6] : memref<512x3xi32, #tpu.memory_space<vmem>>[vector<16xi32>, vector<16xi32>], vector<16xi32>,
    %swap3A_449 = arith.constant 3 : i32
    %swap3A_450 = arith.index_cast %swap3A_449 : i32 to index
    %swap3A_451 = arith.constant 0 : index
    %swap3A_452 = tpu.vector_load %arg8[%swap3A_450, %swap3A_451] {strides = array<i32>} : memref<4x128xi32, #tpu.memory_space<vmem>>, vector<16xi32>,
    tpu.vector_store %arg8[%swap3A_450, %swap3A_451], %gather3A_448 {strides = array<i32>} : memref<4x128xi32, #tpu.memory_space<vmem>>, vector<16xi32>,
    %gather3A_453 = tpu.vector_load_idx %arg6[%add3A_442, %add3A_9] : memref<512x3xi32, #tpu.memory_space<vmem>>[vector<16xi32>, vector<16xi32>], vector<16xi32>,
    %swap3A_454 = arith.constant 3 : i32
    %swap3A_455 = arith.index_cast %swap3A_454 : i32 to index
    %swap3A_456 = arith.constant 0 : index
    %swap3A_457 = tpu.vector_load %arg9[%swap3A_455, %swap3A_456] {strides = array<i32>} : memref<4x128xi32, #tpu.memory_space<vmem>>, vector<16xi32>,
    tpu.vector_store %arg9[%swap3A_455, %swap3A_456], %gather3A_453 {strides = array<i32>} : memref<4x128xi32, #tpu.memory_space<vmem>>, vector<16xi32>,
    %add3A_458 = arith.constant 400 : i32
    %add3A_459 = vector.broadcast %add3A_458 : i32 to vector<16xi32>
    %add3A_460 = arith.addi %add3A_459, %iota3A : vector<16xi32>
    %gather3A_461 = tpu.vector_load_idx %arg6[%add3A_460, %broadcast_in_dim3A_3] : memref<512x3xi32, #tpu.memory_space<vmem>>[vector<16xi32>, vector<16xi32>], vector<16xi32>,
    %swap3A_462 = arith.constant 3 : i32
    %swap3A_463 = arith.index_cast %swap3A_462 : i32 to index
    %swap3A_464 = arith.constant 16 : index
    %swap3A_465 = tpu.vector_load %arg7[%swap3A_463, %swap3A_464] {strides = array<i32>} : memref<4x128xi32, #tpu.memory_space<vmem>>, vector<16xi32>,
    tpu.vector_store %arg7[%swap3A_463, %swap3A_464], %gather3A_461 {strides = array<i32>} : memref<4x128xi32, #tpu.memory_space<vmem>>, vector<16xi32>,
    %gather3A_466 = tpu.vector_load_idx %arg6[%add3A_460, %add3A_6] : memref<512x3xi32, #tpu.memory_space<vmem>>[vector<16xi32>, vector<16xi32>], vector<16xi32>,
    %swap3A_467 = arith.constant 3 : i32
    %swap3A_468 = arith.index_cast %swap3A_467 : i32 to index
    %swap3A_469 = arith.constant 16 : index
    %swap3A_470 = tpu.vector_load %arg8[%swap3A_468, %swap3A_469] {strides = array<i32>} : memref<4x128xi32, #tpu.memory_space<vmem>>, vector<16xi32>,
    tpu.vector_store %arg8[%swap3A_468, %swap3A_469], %gather3A_466 {strides = array<i32>} : memref<4x128xi32, #tpu.memory_space<vmem>>, vector<16xi32>,
    %gather3A_471 = tpu.vector_load_idx %arg6[%add3A_460, %add3A_9] : memref<512x3xi32, #tpu.memory_space<vmem>>[vector<16xi32>, vector<16xi32>], vector<16xi32>,
    %swap3A_472 = arith.constant 3 : i32
    %swap3A_473 = arith.index_cast %swap3A_472 : i32 to index
    %swap3A_474 = arith.constant 16 : index
    %swap3A_475 = tpu.vector_load %arg9[%swap3A_473, %swap3A_474] {strides = array<i32>} : memref<4x128xi32, #tpu.memory_space<vmem>>, vector<16xi32>,
    tpu.vector_store %arg9[%swap3A_473, %swap3A_474], %gather3A_471 {strides = array<i32>} : memref<4x128xi32, #tpu.memory_space<vmem>>, vector<16xi32>,
    %add3A_476 = arith.constant 416 : i32
    %add3A_477 = vector.broadcast %add3A_476 : i32 to vector<16xi32>
    %add3A_478 = arith.addi %add3A_477, %iota3A : vector<16xi32>
    %gather3A_479 = tpu.vector_load_idx %arg6[%add3A_478, %broadcast_in_dim3A_3] : memref<512x3xi32, #tpu.memory_space<vmem>>[vector<16xi32>, vector<16xi32>], vector<16xi32>,
    %swap3A_480 = arith.constant 3 : i32
    %swap3A_481 = arith.index_cast %swap3A_480 : i32 to index
    %swap3A_482 = arith.constant 32 : index
    %swap3A_483 = tpu.vector_load %arg7[%swap3A_481, %swap3A_482] {strides = array<i32>} : memref<4x128xi32, #tpu.memory_space<vmem>>, vector<16xi32>,
    tpu.vector_store %arg7[%swap3A_481, %swap3A_482], %gather3A_479 {strides = array<i32>} : memref<4x128xi32, #tpu.memory_space<vmem>>, vector<16xi32>,
    %gather3A_484 = tpu.vector_load_idx %arg6[%add3A_478, %add3A_6] : memref<512x3xi32, #tpu.memory_space<vmem>>[vector<16xi32>, vector<16xi32>], vector<16xi32>,
    %swap3A_485 = arith.constant 3 : i32
    %swap3A_486 = arith.index_cast %swap3A_485 : i32 to index
    %swap3A_487 = arith.constant 32 : index
    %swap3A_488 = tpu.vector_load %arg8[%swap3A_486, %swap3A_487] {strides = array<i32>} : memref<4x128xi32, #tpu.memory_space<vmem>>, vector<16xi32>,
    tpu.vector_store %arg8[%swap3A_486, %swap3A_487], %gather3A_484 {strides = array<i32>} : memref<4x128xi32, #tpu.memory_space<vmem>>, vector<16xi32>,
    %gather3A_489 = tpu.vector_load_idx %arg6[%add3A_478, %add3A_9] : memref<512x3xi32, #tpu.memory_space<vmem>>[vector<16xi32>, vector<16xi32>], vector<16xi32>,
    %swap3A_490 = arith.constant 3 : i32
    %swap3A_491 = arith.index_cast %swap3A_490 : i32 to index
    %swap3A_492 = arith.constant 32 : index
    %swap3A_493 = tpu.vector_load %arg9[%swap3A_491, %swap3A_492] {strides = array<i32>} : memref<4x128xi32, #tpu.memory_space<vmem>>, vector<16xi32>,
    tpu.vector_store %arg9[%swap3A_491, %swap3A_492], %gather3A_489 {strides = array<i32>} : memref<4x128xi32, #tpu.memory_space<vmem>>, vector<16xi32>,
    %add3A_494 = arith.constant 432 : i32
    %add3A_495 = vector.broadcast %add3A_494 : i32 to vector<16xi32>
    %add3A_496 = arith.addi %add3A_495, %iota3A : vector<16xi32>
    %gather3A_497 = tpu.vector_load_idx %arg6[%add3A_496, %broadcast_in_dim3A_3] : memref<512x3xi32, #tpu.memory_space<vmem>>[vector<16xi32>, vector<16xi32>], vector<16xi32>,
    %swap3A_498 = arith.constant 3 : i32
    %swap3A_499 = arith.index_cast %swap3A_498 : i32 to index
    %swap3A_500 = arith.constant 48 : index
    %swap3A_501 = tpu.vector_load %arg7[%swap3A_499, %swap3A_500] {strides = array<i32>} : memref<4x128xi32, #tpu.memory_space<vmem>>, vector<16xi32>,
    tpu.vector_store %arg7[%swap3A_499, %swap3A_500], %gather3A_497 {strides = array<i32>} : memref<4x128xi32, #tpu.memory_space<vmem>>, vector<16xi32>,
    %gather3A_502 = tpu.vector_load_idx %arg6[%add3A_496, %add3A_6] : memref<512x3xi32, #tpu.memory_space<vmem>>[vector<16xi32>, vector<16xi32>], vector<16xi32>,
    %swap3A_503 = arith.constant 3 : i32
    %swap3A_504 = arith.index_cast %swap3A_503 : i32 to index
    %swap3A_505 = arith.constant 48 : index
    %swap3A_506 = tpu.vector_load %arg8[%swap3A_504, %swap3A_505] {strides = array<i32>} : memref<4x128xi32, #tpu.memory_space<vmem>>, vector<16xi32>,
    tpu.vector_store %arg8[%swap3A_504, %swap3A_505], %gather3A_502 {strides = array<i32>} : memref<4x128xi32, #tpu.memory_space<vmem>>, vector<16xi32>,
    %gather3A_507 = tpu.vector_load_idx %arg6[%add3A_496, %add3A_9] : memref<512x3xi32, #tpu.memory_space<vmem>>[vector<16xi32>, vector<16xi32>], vector<16xi32>,
    %swap3A_508 = arith.constant 3 : i32
    %swap3A_509 = arith.index_cast %swap3A_508 : i32 to index
    %swap3A_510 = arith.constant 48 : index
    %swap3A_511 = tpu.vector_load %arg9[%swap3A_509, %swap3A_510] {strides = array<i32>} : memref<4x128xi32, #tpu.memory_space<vmem>>, vector<16xi32>,
    tpu.vector_store %arg9[%swap3A_509, %swap3A_510], %gather3A_507 {strides = array<i32>} : memref<4x128xi32, #tpu.memory_space<vmem>>, vector<16xi32>,
    %add3A_512 = arith.constant 448 : i32
    %add3A_513 = vector.broadcast %add3A_512 : i32 to vector<16xi32>
    %add3A_514 = arith.addi %add3A_513, %iota3A : vector<16xi32>
    %gather3A_515 = tpu.vector_load_idx %arg6[%add3A_514, %broadcast_in_dim3A_3] : memref<512x3xi32, #tpu.memory_space<vmem>>[vector<16xi32>, vector<16xi32>], vector<16xi32>,
    %swap3A_516 = arith.constant 3 : i32
    %swap3A_517 = arith.index_cast %swap3A_516 : i32 to index
    %swap3A_518 = arith.constant 64 : index
    %swap3A_519 = tpu.vector_load %arg7[%swap3A_517, %swap3A_518] {strides = array<i32>} : memref<4x128xi32, #tpu.memory_space<vmem>>, vector<16xi32>,
    tpu.vector_store %arg7[%swap3A_517, %swap3A_518], %gather3A_515 {strides = array<i32>} : memref<4x128xi32, #tpu.memory_space<vmem>>, vector<16xi32>,
    %gather3A_520 = tpu.vector_load_idx %arg6[%add3A_514, %add3A_6] : memref<512x3xi32, #tpu.memory_space<vmem>>[vector<16xi32>, vector<16xi32>], vector<16xi32>,
    %swap3A_521 = arith.constant 3 : i32
    %swap3A_522 = arith.index_cast %swap3A_521 : i32 to index
    %swap3A_523 = arith.constant 64 : index
    %swap3A_524 = tpu.vector_load %arg8[%swap3A_522, %swap3A_523] {strides = array<i32>} : memref<4x128xi32, #tpu.memory_space<vmem>>, vector<16xi32>,
    tpu.vector_store %arg8[%swap3A_522, %swap3A_523], %gather3A_520 {strides = array<i32>} : memref<4x128xi32, #tpu.memory_space<vmem>>, vector<16xi32>,
    %gather3A_525 = tpu.vector_load_idx %arg6[%add3A_514, %add3A_9] : memref<512x3xi32, #tpu.memory_space<vmem>>[vector<16xi32>, vector<16xi32>], vector<16xi32>,
    %swap3A_526 = arith.constant 3 : i32
    %swap3A_527 = arith.index_cast %swap3A_526 : i32 to index
    %swap3A_528 = arith.constant 64 : index
    %swap3A_529 = tpu.vector_load %arg9[%swap3A_527, %swap3A_528] {strides = array<i32>} : memref<4x128xi32, #tpu.memory_space<vmem>>, vector<16xi32>,
    tpu.vector_store %arg9[%swap3A_527, %swap3A_528], %gather3A_525 {strides = array<i32>} : memref<4x128xi32, #tpu.memory_space<vmem>>, vector<16xi32>,
    %add3A_530 = arith.constant 464 : i32
    %add3A_531 = vector.broadcast %add3A_530 : i32 to vector<16xi32>
    %add3A_532 = arith.addi %add3A_531, %iota3A : vector<16xi32>
    %gather3A_533 = tpu.vector_load_idx %arg6[%add3A_532, %broadcast_in_dim3A_3] : memref<512x3xi32, #tpu.memory_space<vmem>>[vector<16xi32>, vector<16xi32>], vector<16xi32>,
    %swap3A_534 = arith.constant 3 : i32
    %swap3A_535 = arith.index_cast %swap3A_534 : i32 to index
    %swap3A_536 = arith.constant 80 : index
    %swap3A_537 = tpu.vector_load %arg7[%swap3A_535, %swap3A_536] {strides = array<i32>} : memref<4x128xi32, #tpu.memory_space<vmem>>, vector<16xi32>,
    tpu.vector_store %arg7[%swap3A_535, %swap3A_536], %gather3A_533 {strides = array<i32>} : memref<4x128xi32, #tpu.memory_space<vmem>>, vector<16xi32>,
    %gather3A_538 = tpu.vector_load_idx %arg6[%add3A_532, %add3A_6] : memref<512x3xi32, #tpu.memory_space<vmem>>[vector<16xi32>, vector<16xi32>], vector<16xi32>,
    %swap3A_539 = arith.constant 3 : i32
    %swap3A_540 = arith.index_cast %swap3A_539 : i32 to index
    %swap3A_541 = arith.constant 80 : index
    %swap3A_542 = tpu.vector_load %arg8[%swap3A_540, %swap3A_541] {strides = array<i32>} : memref<4x128xi32, #tpu.memory_space<vmem>>, vector<16xi32>,
    tpu.vector_store %arg8[%swap3A_540, %swap3A_541], %gather3A_538 {strides = array<i32>} : memref<4x128xi32, #tpu.memory_space<vmem>>, vector<16xi32>,
    %gather3A_543 = tpu.vector_load_idx %arg6[%add3A_532, %add3A_9] : memref<512x3xi32, #tpu.memory_space<vmem>>[vector<16xi32>, vector<16xi32>], vector<16xi32>,
    %swap3A_544 = arith.constant 3 : i32
    %swap3A_545 = arith.index_cast %swap3A_544 : i32 to index
    %swap3A_546 = arith.constant 80 : index
    %swap3A_547 = tpu.vector_load %arg9[%swap3A_545, %swap3A_546] {strides = array<i32>} : memref<4x128xi32, #tpu.memory_space<vmem>>, vector<16xi32>,
    tpu.vector_store %arg9[%swap3A_545, %swap3A_546], %gather3A_543 {strides = array<i32>} : memref<4x128xi32, #tpu.memory_space<vmem>>, vector<16xi32>,
    %add3A_548 = arith.constant 480 : i32
    %add3A_549 = vector.broadcast %add3A_548 : i32 to vector<16xi32>
    %add3A_550 = arith.addi %add3A_549, %iota3A : vector<16xi32>
    %gather3A_551 = tpu.vector_load_idx %arg6[%add3A_550, %broadcast_in_dim3A_3] : memref<512x3xi32, #tpu.memory_space<vmem>>[vector<16xi32>, vector<16xi32>], vector<16xi32>,
    %swap3A_552 = arith.constant 3 : i32
    %swap3A_553 = arith.index_cast %swap3A_552 : i32 to index
    %swap3A_554 = arith.constant 96 : index
    %swap3A_555 = tpu.vector_load %arg7[%swap3A_553, %swap3A_554] {strides = array<i32>} : memref<4x128xi32, #tpu.memory_space<vmem>>, vector<16xi32>,
    tpu.vector_store %arg7[%swap3A_553, %swap3A_554], %gather3A_551 {strides = array<i32>} : memref<4x128xi32, #tpu.memory_space<vmem>>, vector<16xi32>,
    %gather3A_556 = tpu.vector_load_idx %arg6[%add3A_550, %add3A_6] : memref<512x3xi32, #tpu.memory_space<vmem>>[vector<16xi32>, vector<16xi32>], vector<16xi32>,
    %swap3A_557 = arith.constant 3 : i32
    %swap3A_558 = arith.index_cast %swap3A_557 : i32 to index
    %swap3A_559 = arith.constant 96 : index
    %swap3A_560 = tpu.vector_load %arg8[%swap3A_558, %swap3A_559] {strides = array<i32>} : memref<4x128xi32, #tpu.memory_space<vmem>>, vector<16xi32>,
    tpu.vector_store %arg8[%swap3A_558, %swap3A_559], %gather3A_556 {strides = array<i32>} : memref<4x128xi32, #tpu.memory_space<vmem>>, vector<16xi32>,
    %gather3A_561 = tpu.vector_load_idx %arg6[%add3A_550, %add3A_9] : memref<512x3xi32, #tpu.memory_space<vmem>>[vector<16xi32>, vector<16xi32>], vector<16xi32>,
    %swap3A_562 = arith.constant 3 : i32
    %swap3A_563 = arith.index_cast %swap3A_562 : i32 to index
    %swap3A_564 = arith.constant 96 : index
    %swap3A_565 = tpu.vector_load %arg9[%swap3A_563, %swap3A_564] {strides = array<i32>} : memref<4x128xi32, #tpu.memory_space<vmem>>, vector<16xi32>,
    tpu.vector_store %arg9[%swap3A_563, %swap3A_564], %gather3A_561 {strides = array<i32>} : memref<4x128xi32, #tpu.memory_space<vmem>>, vector<16xi32>,
    %add3A_566 = arith.constant 496 : i32
    %add3A_567 = vector.broadcast %add3A_566 : i32 to vector<16xi32>
    %add3A_568 = arith.addi %add3A_567, %iota3A : vector<16xi32>
    %gather3A_569 = tpu.vector_load_idx %arg6[%add3A_568, %broadcast_in_dim3A_3] : memref<512x3xi32, #tpu.memory_space<vmem>>[vector<16xi32>, vector<16xi32>], vector<16xi32>,
    %swap3A_570 = arith.constant 3 : i32
    %swap3A_571 = arith.index_cast %swap3A_570 : i32 to index
    %swap3A_572 = arith.constant 112 : index
    %swap3A_573 = tpu.vector_load %arg7[%swap3A_571, %swap3A_572] {strides = array<i32>} : memref<4x128xi32, #tpu.memory_space<vmem>>, vector<16xi32>,
    tpu.vector_store %arg7[%swap3A_571, %swap3A_572], %gather3A_569 {strides = array<i32>} : memref<4x128xi32, #tpu.memory_space<vmem>>, vector<16xi32>,
    %gather3A_574 = tpu.vector_load_idx %arg6[%add3A_568, %add3A_6] : memref<512x3xi32, #tpu.memory_space<vmem>>[vector<16xi32>, vector<16xi32>], vector<16xi32>,
    %swap3A_575 = arith.constant 3 : i32
    %swap3A_576 = arith.index_cast %swap3A_575 : i32 to index
    %swap3A_577 = arith.constant 112 : index
    %swap3A_578 = tpu.vector_load %arg8[%swap3A_576, %swap3A_577] {strides = array<i32>} : memref<4x128xi32, #tpu.memory_space<vmem>>, vector<16xi32>,
    tpu.vector_store %arg8[%swap3A_576, %swap3A_577], %gather3A_574 {strides = array<i32>} : memref<4x128xi32, #tpu.memory_space<vmem>>, vector<16xi32>,
    %gather3A_579 = tpu.vector_load_idx %arg6[%add3A_568, %add3A_9] : memref<512x3xi32, #tpu.memory_space<vmem>>[vector<16xi32>, vector<16xi32>], vector<16xi32>,
    %swap3A_580 = arith.constant 3 : i32
    %swap3A_581 = arith.index_cast %swap3A_580 : i32 to index
    %swap3A_582 = arith.constant 112 : index
    %swap3A_583 = tpu.vector_load %arg9[%swap3A_581, %swap3A_582] {strides = array<i32>} : memref<4x128xi32, #tpu.memory_space<vmem>>, vector<16xi32>,
    tpu.vector_store %arg9[%swap3A_581, %swap3A_582], %gather3A_579 {strides = array<i32>} : memref<4x128xi32, #tpu.memory_space<vmem>>, vector<16xi32>,
    %dma_start3A = arith.constant 0 : i32
    %dma_start3A_584 = arith.constant 0 : i32
    %dma_start3A_585 = arith.constant 0 : i32
    %dma_start3A_586 = tpu.memref_slice %arg10[%dma_start3A_584, %dma_start3A_585] : memref<512x32xf32, #tpu.memory_space<vmem>> -> memref<128x32xf32, #tpu.memory_space<vmem>>
    %dma_start3A_587 = arith.constant 0 : i32
    %dma_start3A_588 = tpu.memref_slice %arg7[%dma_start3A, %dma_start3A_587] : memref<4x128xi32, #tpu.memory_space<vmem>> -> memref<1x128xi32, #tpu.memory_space<vmem>>
    %dma_start3A_589 = tpu.memref_squeeze %dma_start3A_588 : memref<1x128xi32, #tpu.memory_space<vmem>> -> memref<128xi32, #tpu.memory_space<vmem>>
    %dma_start3A_590 = arith.constant 0 : i32
    %dma_start3A_591 = arith.constant 0 : i32
    %dma_start3A_592 = tpu.memref_slice %arg3[%dma_start3A_590, %dma_start3A_591] : memref<1000001x32xf32, #tpu.memory_space<hbm>> -> memref<1000001x32xf32, #tpu.memory_space<hbm>>
    tpu.enqueue_indirect_dma source(%dma_start3A_592 : memref<1000001x32xf32, #tpu.memory_space<hbm>>) target(%dma_start3A_586 : memref<128x32xf32, #tpu.memory_space<vmem>>) offsets(%dma_start3A_589 : memref<128xi32, #tpu.memory_space<vmem>>) semaphore(%arg14 : memref<!tpu.dma_semaphore, #tpu.memory_space<semaphore_mem>>)
    %dma_start3A_593 = arith.constant 0 : i32
    %dma_start3A_594 = arith.constant 0 : i32
    %dma_start3A_595 = arith.constant 0 : i32
    %dma_start3A_596 = tpu.memref_slice %arg11[%dma_start3A_594, %dma_start3A_595] : memref<512x32xf32, #tpu.memory_space<vmem>> -> memref<128x32xf32, #tpu.memory_space<vmem>>
    %dma_start3A_597 = arith.constant 0 : i32
    %dma_start3A_598 = tpu.memref_slice %arg8[%dma_start3A_593, %dma_start3A_597] : memref<4x128xi32, #tpu.memory_space<vmem>> -> memref<1x128xi32, #tpu.memory_space<vmem>>
    %dma_start3A_599 = tpu.memref_squeeze %dma_start3A_598 : memref<1x128xi32, #tpu.memory_space<vmem>> -> memref<128xi32, #tpu.memory_space<vmem>>
    %dma_start3A_600 = arith.constant 0 : i32
    %dma_start3A_601 = arith.constant 0 : i32
    %dma_start3A_602 = tpu.memref_slice %arg4[%dma_start3A_600, %dma_start3A_601] : memref<1000001x32xf32, #tpu.memory_space<hbm>> -> memref<1000001x32xf32, #tpu.memory_space<hbm>>
    tpu.enqueue_indirect_dma source(%dma_start3A_602 : memref<1000001x32xf32, #tpu.memory_space<hbm>>) target(%dma_start3A_596 : memref<128x32xf32, #tpu.memory_space<vmem>>) offsets(%dma_start3A_599 : memref<128xi32, #tpu.memory_space<vmem>>) semaphore(%arg14 : memref<!tpu.dma_semaphore, #tpu.memory_space<semaphore_mem>>)
    %dma_start3A_603 = arith.constant 0 : i32
    %dma_start3A_604 = arith.constant 0 : i32
    %dma_start3A_605 = arith.constant 0 : i32
    %dma_start3A_606 = tpu.memref_slice %arg12[%dma_start3A_604, %dma_start3A_605] : memref<512x32xf32, #tpu.memory_space<vmem>> -> memref<128x32xf32, #tpu.memory_space<vmem>>
    %dma_start3A_607 = arith.constant 0 : i32
    %dma_start3A_608 = tpu.memref_slice %arg9[%dma_start3A_603, %dma_start3A_607] : memref<4x128xi32, #tpu.memory_space<vmem>> -> memref<1x128xi32, #tpu.memory_space<vmem>>
    %dma_start3A_609 = tpu.memref_squeeze %dma_start3A_608 : memref<1x128xi32, #tpu.memory_space<vmem>> -> memref<128xi32, #tpu.memory_space<vmem>>
    %dma_start3A_610 = arith.constant 0 : i32
    %dma_start3A_611 = arith.constant 0 : i32
    %dma_start3A_612 = tpu.memref_slice %arg4[%dma_start3A_610, %dma_start3A_611] : memref<1000001x32xf32, #tpu.memory_space<hbm>> -> memref<1000001x32xf32, #tpu.memory_space<hbm>>
    tpu.enqueue_indirect_dma source(%dma_start3A_612 : memref<1000001x32xf32, #tpu.memory_space<hbm>>) target(%dma_start3A_606 : memref<128x32xf32, #tpu.memory_space<vmem>>) offsets(%dma_start3A_609 : memref<128xi32, #tpu.memory_space<vmem>>) semaphore(%arg14 : memref<!tpu.dma_semaphore, #tpu.memory_space<semaphore_mem>>)
    %dma_start3A_613 = arith.constant 1 : i32
    %dma_start3A_614 = arith.constant 128 : i32
    %dma_start3A_615 = arith.constant 0 : i32
    %dma_start3A_616 = tpu.memref_slice %arg10[%dma_start3A_614, %dma_start3A_615] : memref<512x32xf32, #tpu.memory_space<vmem>> -> memref<128x32xf32, #tpu.memory_space<vmem>>
    %dma_start3A_617 = arith.constant 0 : i32
    %dma_start3A_618 = tpu.memref_slice %arg7[%dma_start3A_613, %dma_start3A_617] : memref<4x128xi32, #tpu.memory_space<vmem>> -> memref<1x128xi32, #tpu.memory_space<vmem>>
    %dma_start3A_619 = tpu.memref_squeeze %dma_start3A_618 : memref<1x128xi32, #tpu.memory_space<vmem>> -> memref<128xi32, #tpu.memory_space<vmem>>
    %dma_start3A_620 = arith.constant 0 : i32
    %dma_start3A_621 = arith.constant 0 : i32
    %dma_start3A_622 = tpu.memref_slice %arg3[%dma_start3A_620, %dma_start3A_621] : memref<1000001x32xf32, #tpu.memory_space<hbm>> -> memref<1000001x32xf32, #tpu.memory_space<hbm>>
    tpu.enqueue_indirect_dma source(%dma_start3A_622 : memref<1000001x32xf32, #tpu.memory_space<hbm>>) target(%dma_start3A_616 : memref<128x32xf32, #tpu.memory_space<vmem>>) offsets(%dma_start3A_619 : memref<128xi32, #tpu.memory_space<vmem>>) semaphore(%arg14 : memref<!tpu.dma_semaphore, #tpu.memory_space<semaphore_mem>>)
    %dma_start3A_623 = arith.constant 1 : i32
    %dma_start3A_624 = arith.constant 128 : i32
    %dma_start3A_625 = arith.constant 0 : i32
    %dma_start3A_626 = tpu.memref_slice %arg11[%dma_start3A_624, %dma_start3A_625] : memref<512x32xf32, #tpu.memory_space<vmem>> -> memref<128x32xf32, #tpu.memory_space<vmem>>
    %dma_start3A_627 = arith.constant 0 : i32
    %dma_start3A_628 = tpu.memref_slice %arg8[%dma_start3A_623, %dma_start3A_627] : memref<4x128xi32, #tpu.memory_space<vmem>> -> memref<1x128xi32, #tpu.memory_space<vmem>>
    %dma_start3A_629 = tpu.memref_squeeze %dma_start3A_628 : memref<1x128xi32, #tpu.memory_space<vmem>> -> memref<128xi32, #tpu.memory_space<vmem>>
    %dma_start3A_630 = arith.constant 0 : i32
    %dma_start3A_631 = arith.constant 0 : i32
    %dma_start3A_632 = tpu.memref_slice %arg4[%dma_start3A_630, %dma_start3A_631] : memref<1000001x32xf32, #tpu.memory_space<hbm>> -> memref<1000001x32xf32, #tpu.memory_space<hbm>>
    tpu.enqueue_indirect_dma source(%dma_start3A_632 : memref<1000001x32xf32, #tpu.memory_space<hbm>>) target(%dma_start3A_626 : memref<128x32xf32, #tpu.memory_space<vmem>>) offsets(%dma_start3A_629 : memref<128xi32, #tpu.memory_space<vmem>>) semaphore(%arg14 : memref<!tpu.dma_semaphore, #tpu.memory_space<semaphore_mem>>)
    %dma_start3A_633 = arith.constant 1 : i32
    %dma_start3A_634 = arith.constant 128 : i32
    %dma_start3A_635 = arith.constant 0 : i32
    %dma_start3A_636 = tpu.memref_slice %arg12[%dma_start3A_634, %dma_start3A_635] : memref<512x32xf32, #tpu.memory_space<vmem>> -> memref<128x32xf32, #tpu.memory_space<vmem>>
    %dma_start3A_637 = arith.constant 0 : i32
    %dma_start3A_638 = tpu.memref_slice %arg9[%dma_start3A_633, %dma_start3A_637] : memref<4x128xi32, #tpu.memory_space<vmem>> -> memref<1x128xi32, #tpu.memory_space<vmem>>
    %dma_start3A_639 = tpu.memref_squeeze %dma_start3A_638 : memref<1x128xi32, #tpu.memory_space<vmem>> -> memref<128xi32, #tpu.memory_space<vmem>>
    %dma_start3A_640 = arith.constant 0 : i32
    %dma_start3A_641 = arith.constant 0 : i32
    %dma_start3A_642 = tpu.memref_slice %arg4[%dma_start3A_640, %dma_start3A_641] : memref<1000001x32xf32, #tpu.memory_space<hbm>> -> memref<1000001x32xf32, #tpu.memory_space<hbm>>
    tpu.enqueue_indirect_dma source(%dma_start3A_642 : memref<1000001x32xf32, #tpu.memory_space<hbm>>) target(%dma_start3A_636 : memref<128x32xf32, #tpu.memory_space<vmem>>) offsets(%dma_start3A_639 : memref<128xi32, #tpu.memory_space<vmem>>) semaphore(%arg14 : memref<!tpu.dma_semaphore, #tpu.memory_space<semaphore_mem>>)
    %dma_start3A_643 = arith.constant 2 : i32
    %dma_start3A_644 = arith.constant 256 : i32
    %dma_start3A_645 = arith.constant 0 : i32
    %dma_start3A_646 = tpu.memref_slice %arg10[%dma_start3A_644, %dma_start3A_645] : memref<512x32xf32, #tpu.memory_space<vmem>> -> memref<128x32xf32, #tpu.memory_space<vmem>>
    %dma_start3A_647 = arith.constant 0 : i32
    %dma_start3A_648 = tpu.memref_slice %arg7[%dma_start3A_643, %dma_start3A_647] : memref<4x128xi32, #tpu.memory_space<vmem>> -> memref<1x128xi32, #tpu.memory_space<vmem>>
    %dma_start3A_649 = tpu.memref_squeeze %dma_start3A_648 : memref<1x128xi32, #tpu.memory_space<vmem>> -> memref<128xi32, #tpu.memory_space<vmem>>
    %dma_start3A_650 = arith.constant 0 : i32
    %dma_start3A_651 = arith.constant 0 : i32
    %dma_start3A_652 = tpu.memref_slice %arg3[%dma_start3A_650, %dma_start3A_651] : memref<1000001x32xf32, #tpu.memory_space<hbm>> -> memref<1000001x32xf32, #tpu.memory_space<hbm>>
    tpu.enqueue_indirect_dma source(%dma_start3A_652 : memref<1000001x32xf32, #tpu.memory_space<hbm>>) target(%dma_start3A_646 : memref<128x32xf32, #tpu.memory_space<vmem>>) offsets(%dma_start3A_649 : memref<128xi32, #tpu.memory_space<vmem>>) semaphore(%arg14 : memref<!tpu.dma_semaphore, #tpu.memory_space<semaphore_mem>>)
    %dma_start3A_653 = arith.constant 2 : i32
    %dma_start3A_654 = arith.constant 256 : i32
    %dma_start3A_655 = arith.constant 0 : i32
    %dma_start3A_656 = tpu.memref_slice %arg11[%dma_start3A_654, %dma_start3A_655] : memref<512x32xf32, #tpu.memory_space<vmem>> -> memref<128x32xf32, #tpu.memory_space<vmem>>
    %dma_start3A_657 = arith.constant 0 : i32
    %dma_start3A_658 = tpu.memref_slice %arg8[%dma_start3A_653, %dma_start3A_657] : memref<4x128xi32, #tpu.memory_space<vmem>> -> memref<1x128xi32, #tpu.memory_space<vmem>>
    %dma_start3A_659 = tpu.memref_squeeze %dma_start3A_658 : memref<1x128xi32, #tpu.memory_space<vmem>> -> memref<128xi32, #tpu.memory_space<vmem>>
    %dma_start3A_660 = arith.constant 0 : i32
    %dma_start3A_661 = arith.constant 0 : i32
    %dma_start3A_662 = tpu.memref_slice %arg4[%dma_start3A_660, %dma_start3A_661] : memref<1000001x32xf32, #tpu.memory_space<hbm>> -> memref<1000001x32xf32, #tpu.memory_space<hbm>>
    tpu.enqueue_indirect_dma source(%dma_start3A_662 : memref<1000001x32xf32, #tpu.memory_space<hbm>>) target(%dma_start3A_656 : memref<128x32xf32, #tpu.memory_space<vmem>>) offsets(%dma_start3A_659 : memref<128xi32, #tpu.memory_space<vmem>>) semaphore(%arg14 : memref<!tpu.dma_semaphore, #tpu.memory_space<semaphore_mem>>)
    %dma_start3A_663 = arith.constant 2 : i32
    %dma_start3A_664 = arith.constant 256 : i32
    %dma_start3A_665 = arith.constant 0 : i32
    %dma_start3A_666 = tpu.memref_slice %arg12[%dma_start3A_664, %dma_start3A_665] : memref<512x32xf32, #tpu.memory_space<vmem>> -> memref<128x32xf32, #tpu.memory_space<vmem>>
    %dma_start3A_667 = arith.constant 0 : i32
    %dma_start3A_668 = tpu.memref_slice %arg9[%dma_start3A_663, %dma_start3A_667] : memref<4x128xi32, #tpu.memory_space<vmem>> -> memref<1x128xi32, #tpu.memory_space<vmem>>
    %dma_start3A_669 = tpu.memref_squeeze %dma_start3A_668 : memref<1x128xi32, #tpu.memory_space<vmem>> -> memref<128xi32, #tpu.memory_space<vmem>>
    %dma_start3A_670 = arith.constant 0 : i32
    %dma_start3A_671 = arith.constant 0 : i32
    %dma_start3A_672 = tpu.memref_slice %arg4[%dma_start3A_670, %dma_start3A_671] : memref<1000001x32xf32, #tpu.memory_space<hbm>> -> memref<1000001x32xf32, #tpu.memory_space<hbm>>
    tpu.enqueue_indirect_dma source(%dma_start3A_672 : memref<1000001x32xf32, #tpu.memory_space<hbm>>) target(%dma_start3A_666 : memref<128x32xf32, #tpu.memory_space<vmem>>) offsets(%dma_start3A_669 : memref<128xi32, #tpu.memory_space<vmem>>) semaphore(%arg14 : memref<!tpu.dma_semaphore, #tpu.memory_space<semaphore_mem>>)
    %dma_start3A_673 = arith.constant 3 : i32
    %dma_start3A_674 = arith.constant 384 : i32
    %dma_start3A_675 = arith.constant 0 : i32
    %dma_start3A_676 = tpu.memref_slice %arg10[%dma_start3A_674, %dma_start3A_675] : memref<512x32xf32, #tpu.memory_space<vmem>> -> memref<128x32xf32, #tpu.memory_space<vmem>>
    %dma_start3A_677 = arith.constant 0 : i32
    %dma_start3A_678 = tpu.memref_slice %arg7[%dma_start3A_673, %dma_start3A_677] : memref<4x128xi32, #tpu.memory_space<vmem>> -> memref<1x128xi32, #tpu.memory_space<vmem>>
    %dma_start3A_679 = tpu.memref_squeeze %dma_start3A_678 : memref<1x128xi32, #tpu.memory_space<vmem>> -> memref<128xi32, #tpu.memory_space<vmem>>
    %dma_start3A_680 = arith.constant 0 : i32
    %dma_start3A_681 = arith.constant 0 : i32
    %dma_start3A_682 = tpu.memref_slice %arg3[%dma_start3A_680, %dma_start3A_681] : memref<1000001x32xf32, #tpu.memory_space<hbm>> -> memref<1000001x32xf32, #tpu.memory_space<hbm>>
    tpu.enqueue_indirect_dma source(%dma_start3A_682 : memref<1000001x32xf32, #tpu.memory_space<hbm>>) target(%dma_start3A_676 : memref<128x32xf32, #tpu.memory_space<vmem>>) offsets(%dma_start3A_679 : memref<128xi32, #tpu.memory_space<vmem>>) semaphore(%arg14 : memref<!tpu.dma_semaphore, #tpu.memory_space<semaphore_mem>>)
    %dma_start3A_683 = arith.constant 3 : i32
    %dma_start3A_684 = arith.constant 384 : i32
    %dma_start3A_685 = arith.constant 0 : i32
    %dma_start3A_686 = tpu.memref_slice %arg11[%dma_start3A_684, %dma_start3A_685] : memref<512x32xf32, #tpu.memory_space<vmem>> -> memref<128x32xf32, #tpu.memory_space<vmem>>
    %dma_start3A_687 = arith.constant 0 : i32
    %dma_start3A_688 = tpu.memref_slice %arg8[%dma_start3A_683, %dma_start3A_687] : memref<4x128xi32, #tpu.memory_space<vmem>> -> memref<1x128xi32, #tpu.memory_space<vmem>>
    %dma_start3A_689 = tpu.memref_squeeze %dma_start3A_688 : memref<1x128xi32, #tpu.memory_space<vmem>> -> memref<128xi32, #tpu.memory_space<vmem>>
    %dma_start3A_690 = arith.constant 0 : i32
    %dma_start3A_691 = arith.constant 0 : i32
    %dma_start3A_692 = tpu.memref_slice %arg4[%dma_start3A_690, %dma_start3A_691] : memref<1000001x32xf32, #tpu.memory_space<hbm>> -> memref<1000001x32xf32, #tpu.memory_space<hbm>>
    tpu.enqueue_indirect_dma source(%dma_start3A_692 : memref<1000001x32xf32, #tpu.memory_space<hbm>>) target(%dma_start3A_686 : memref<128x32xf32, #tpu.memory_space<vmem>>) offsets(%dma_start3A_689 : memref<128xi32, #tpu.memory_space<vmem>>) semaphore(%arg14 : memref<!tpu.dma_semaphore, #tpu.memory_space<semaphore_mem>>)
    %dma_start3A_693 = arith.constant 3 : i32
    %dma_start3A_694 = arith.constant 384 : i32
    %dma_start3A_695 = arith.constant 0 : i32
    %dma_start3A_696 = tpu.memref_slice %arg12[%dma_start3A_694, %dma_start3A_695] : memref<512x32xf32, #tpu.memory_space<vmem>> -> memref<128x32xf32, #tpu.memory_space<vmem>>
    %dma_start3A_697 = arith.constant 0 : i32
    %dma_start3A_698 = tpu.memref_slice %arg9[%dma_start3A_693, %dma_start3A_697] : memref<4x128xi32, #tpu.memory_space<vmem>> -> memref<1x128xi32, #tpu.memory_space<vmem>>
    %dma_start3A_699 = tpu.memref_squeeze %dma_start3A_698 : memref<1x128xi32, #tpu.memory_space<vmem>> -> memref<128xi32, #tpu.memory_space<vmem>>
    %dma_start3A_700 = arith.constant 0 : i32
    %dma_start3A_701 = arith.constant 0 : i32
    %dma_start3A_702 = tpu.memref_slice %arg4[%dma_start3A_700, %dma_start3A_701] : memref<1000001x32xf32, #tpu.memory_space<hbm>> -> memref<1000001x32xf32, #tpu.memory_space<hbm>>
    tpu.enqueue_indirect_dma source(%dma_start3A_702 : memref<1000001x32xf32, #tpu.memory_space<hbm>>) target(%dma_start3A_696 : memref<128x32xf32, #tpu.memory_space<vmem>>) offsets(%dma_start3A_699 : memref<128xi32, #tpu.memory_space<vmem>>) semaphore(%arg14 : memref<!tpu.dma_semaphore, #tpu.memory_space<semaphore_mem>>)
    %dma_wait3A = arith.constant 0 : i32
    %dma_wait3A_703 = arith.constant 0 : i32
    %dma_wait3A_704 = arith.constant 0 : i32
    %dma_wait3A_705 = tpu.memref_slice %arg10[%dma_wait3A_703, %dma_wait3A_704] : memref<512x32xf32, #tpu.memory_space<vmem>> -> memref<128x32xf32, #tpu.memory_space<vmem>>
    %dma_wait3A_706 = arith.constant 0 : i32
    %dma_wait3A_707 = tpu.memref_slice %arg7[%dma_wait3A, %dma_wait3A_706] : memref<4x128xi32, #tpu.memory_space<vmem>> -> memref<1x128xi32, #tpu.memory_space<vmem>>
    %dma_wait3A_708 = tpu.memref_squeeze %dma_wait3A_707 : memref<1x128xi32, #tpu.memory_space<vmem>> -> memref<128xi32, #tpu.memory_space<vmem>>
    %dma_wait3A_709 = arith.constant 0 : i32
    %dma_wait3A_710 = arith.constant 0 : i32
    %dma_wait3A_711 = tpu.memref_slice %arg3[%dma_wait3A_709, %dma_wait3A_710] : memref<1000001x32xf32, #tpu.memory_space<hbm>> -> memref<1000001x32xf32, #tpu.memory_space<hbm>>
    tpu.wait_indirect_dma semaphore(%arg14 : memref<!tpu.dma_semaphore, #tpu.memory_space<semaphore_mem>>) src(%dma_wait3A_711 : memref<1000001x32xf32, #tpu.memory_space<hbm>>) dst(%dma_wait3A_705 : memref<128x32xf32, #tpu.memory_space<vmem>>)
    %dma_wait3A_712 = arith.constant 0 : i32
    %dma_wait3A_713 = arith.constant 0 : i32
    %dma_wait3A_714 = arith.constant 0 : i32
    %dma_wait3A_715 = tpu.memref_slice %arg11[%dma_wait3A_713, %dma_wait3A_714] : memref<512x32xf32, #tpu.memory_space<vmem>> -> memref<128x32xf32, #tpu.memory_space<vmem>>
    %dma_wait3A_716 = arith.constant 0 : i32
    %dma_wait3A_717 = tpu.memref_slice %arg8[%dma_wait3A_712, %dma_wait3A_716] : memref<4x128xi32, #tpu.memory_space<vmem>> -> memref<1x128xi32, #tpu.memory_space<vmem>>
    %dma_wait3A_718 = tpu.memref_squeeze %dma_wait3A_717 : memref<1x128xi32, #tpu.memory_space<vmem>> -> memref<128xi32, #tpu.memory_space<vmem>>
    %dma_wait3A_719 = arith.constant 0 : i32
    %dma_wait3A_720 = arith.constant 0 : i32
    %dma_wait3A_721 = tpu.memref_slice %arg4[%dma_wait3A_719, %dma_wait3A_720] : memref<1000001x32xf32, #tpu.memory_space<hbm>> -> memref<1000001x32xf32, #tpu.memory_space<hbm>>
    tpu.wait_indirect_dma semaphore(%arg14 : memref<!tpu.dma_semaphore, #tpu.memory_space<semaphore_mem>>) src(%dma_wait3A_721 : memref<1000001x32xf32, #tpu.memory_space<hbm>>) dst(%dma_wait3A_715 : memref<128x32xf32, #tpu.memory_space<vmem>>)
    %dma_wait3A_722 = arith.constant 0 : i32
    %dma_wait3A_723 = arith.constant 0 : i32
    %dma_wait3A_724 = arith.constant 0 : i32
    %dma_wait3A_725 = tpu.memref_slice %arg12[%dma_wait3A_723, %dma_wait3A_724] : memref<512x32xf32, #tpu.memory_space<vmem>> -> memref<128x32xf32, #tpu.memory_space<vmem>>
    %dma_wait3A_726 = arith.constant 0 : i32
    %dma_wait3A_727 = tpu.memref_slice %arg9[%dma_wait3A_722, %dma_wait3A_726] : memref<4x128xi32, #tpu.memory_space<vmem>> -> memref<1x128xi32, #tpu.memory_space<vmem>>
    %dma_wait3A_728 = tpu.memref_squeeze %dma_wait3A_727 : memref<1x128xi32, #tpu.memory_space<vmem>> -> memref<128xi32, #tpu.memory_space<vmem>>
    %dma_wait3A_729 = arith.constant 0 : i32
    %dma_wait3A_730 = arith.constant 0 : i32
    %dma_wait3A_731 = tpu.memref_slice %arg4[%dma_wait3A_729, %dma_wait3A_730] : memref<1000001x32xf32, #tpu.memory_space<hbm>> -> memref<1000001x32xf32, #tpu.memory_space<hbm>>
    tpu.wait_indirect_dma semaphore(%arg14 : memref<!tpu.dma_semaphore, #tpu.memory_space<semaphore_mem>>) src(%dma_wait3A_731 : memref<1000001x32xf32, #tpu.memory_space<hbm>>) dst(%dma_wait3A_725 : memref<128x32xf32, #tpu.memory_space<vmem>>)
    %dma_wait3A_732 = arith.constant 1 : i32
    %dma_wait3A_733 = arith.constant 128 : i32
    %dma_wait3A_734 = arith.constant 0 : i32
    %dma_wait3A_735 = tpu.memref_slice %arg10[%dma_wait3A_733, %dma_wait3A_734] : memref<512x32xf32, #tpu.memory_space<vmem>> -> memref<128x32xf32, #tpu.memory_space<vmem>>
    %dma_wait3A_736 = arith.constant 0 : i32
    %dma_wait3A_737 = tpu.memref_slice %arg7[%dma_wait3A_732, %dma_wait3A_736] : memref<4x128xi32, #tpu.memory_space<vmem>> -> memref<1x128xi32, #tpu.memory_space<vmem>>
    %dma_wait3A_738 = tpu.memref_squeeze %dma_wait3A_737 : memref<1x128xi32, #tpu.memory_space<vmem>> -> memref<128xi32, #tpu.memory_space<vmem>>
    %dma_wait3A_739 = arith.constant 0 : i32
    %dma_wait3A_740 = arith.constant 0 : i32
    %dma_wait3A_741 = tpu.memref_slice %arg3[%dma_wait3A_739, %dma_wait3A_740] : memref<1000001x32xf32, #tpu.memory_space<hbm>> -> memref<1000001x32xf32, #tpu.memory_space<hbm>>
    tpu.wait_indirect_dma semaphore(%arg14 : memref<!tpu.dma_semaphore, #tpu.memory_space<semaphore_mem>>) src(%dma_wait3A_741 : memref<1000001x32xf32, #tpu.memory_space<hbm>>) dst(%dma_wait3A_735 : memref<128x32xf32, #tpu.memory_space<vmem>>)
    %dma_wait3A_742 = arith.constant 1 : i32
    %dma_wait3A_743 = arith.constant 128 : i32
    %dma_wait3A_744 = arith.constant 0 : i32
    %dma_wait3A_745 = tpu.memref_slice %arg11[%dma_wait3A_743, %dma_wait3A_744] : memref<512x32xf32, #tpu.memory_space<vmem>> -> memref<128x32xf32, #tpu.memory_space<vmem>>
    %dma_wait3A_746 = arith.constant 0 : i32
    %dma_wait3A_747 = tpu.memref_slice %arg8[%dma_wait3A_742, %dma_wait3A_746] : memref<4x128xi32, #tpu.memory_space<vmem>> -> memref<1x128xi32, #tpu.memory_space<vmem>>
    %dma_wait3A_748 = tpu.memref_squeeze %dma_wait3A_747 : memref<1x128xi32, #tpu.memory_space<vmem>> -> memref<128xi32, #tpu.memory_space<vmem>>
    %dma_wait3A_749 = arith.constant 0 : i32
    %dma_wait3A_750 = arith.constant 0 : i32
    %dma_wait3A_751 = tpu.memref_slice %arg4[%dma_wait3A_749, %dma_wait3A_750] : memref<1000001x32xf32, #tpu.memory_space<hbm>> -> memref<1000001x32xf32, #tpu.memory_space<hbm>>
    tpu.wait_indirect_dma semaphore(%arg14 : memref<!tpu.dma_semaphore, #tpu.memory_space<semaphore_mem>>) src(%dma_wait3A_751 : memref<1000001x32xf32, #tpu.memory_space<hbm>>) dst(%dma_wait3A_745 : memref<128x32xf32, #tpu.memory_space<vmem>>)
    %dma_wait3A_752 = arith.constant 1 : i32
    %dma_wait3A_753 = arith.constant 128 : i32
    %dma_wait3A_754 = arith.constant 0 : i32
    %dma_wait3A_755 = tpu.memref_slice %arg12[%dma_wait3A_753, %dma_wait3A_754] : memref<512x32xf32, #tpu.memory_space<vmem>> -> memref<128x32xf32, #tpu.memory_space<vmem>>
    %dma_wait3A_756 = arith.constant 0 : i32
    %dma_wait3A_757 = tpu.memref_slice %arg9[%dma_wait3A_752, %dma_wait3A_756] : memref<4x128xi32, #tpu.memory_space<vmem>> -> memref<1x128xi32, #tpu.memory_space<vmem>>
    %dma_wait3A_758 = tpu.memref_squeeze %dma_wait3A_757 : memref<1x128xi32, #tpu.memory_space<vmem>> -> memref<128xi32, #tpu.memory_space<vmem>>
    %dma_wait3A_759 = arith.constant 0 : i32
    %dma_wait3A_760 = arith.constant 0 : i32
    %dma_wait3A_761 = tpu.memref_slice %arg4[%dma_wait3A_759, %dma_wait3A_760] : memref<1000001x32xf32, #tpu.memory_space<hbm>> -> memref<1000001x32xf32, #tpu.memory_space<hbm>>
    tpu.wait_indirect_dma semaphore(%arg14 : memref<!tpu.dma_semaphore, #tpu.memory_space<semaphore_mem>>) src(%dma_wait3A_761 : memref<1000001x32xf32, #tpu.memory_space<hbm>>) dst(%dma_wait3A_755 : memref<128x32xf32, #tpu.memory_space<vmem>>)
    %dma_wait3A_762 = arith.constant 2 : i32
    %dma_wait3A_763 = arith.constant 256 : i32
    %dma_wait3A_764 = arith.constant 0 : i32
    %dma_wait3A_765 = tpu.memref_slice %arg10[%dma_wait3A_763, %dma_wait3A_764] : memref<512x32xf32, #tpu.memory_space<vmem>> -> memref<128x32xf32, #tpu.memory_space<vmem>>
    %dma_wait3A_766 = arith.constant 0 : i32
    %dma_wait3A_767 = tpu.memref_slice %arg7[%dma_wait3A_762, %dma_wait3A_766] : memref<4x128xi32, #tpu.memory_space<vmem>> -> memref<1x128xi32, #tpu.memory_space<vmem>>
    %dma_wait3A_768 = tpu.memref_squeeze %dma_wait3A_767 : memref<1x128xi32, #tpu.memory_space<vmem>> -> memref<128xi32, #tpu.memory_space<vmem>>
    %dma_wait3A_769 = arith.constant 0 : i32
    %dma_wait3A_770 = arith.constant 0 : i32
    %dma_wait3A_771 = tpu.memref_slice %arg3[%dma_wait3A_769, %dma_wait3A_770] : memref<1000001x32xf32, #tpu.memory_space<hbm>> -> memref<1000001x32xf32, #tpu.memory_space<hbm>>
    tpu.wait_indirect_dma semaphore(%arg14 : memref<!tpu.dma_semaphore, #tpu.memory_space<semaphore_mem>>) src(%dma_wait3A_771 : memref<1000001x32xf32, #tpu.memory_space<hbm>>) dst(%dma_wait3A_765 : memref<128x32xf32, #tpu.memory_space<vmem>>)
    %dma_wait3A_772 = arith.constant 2 : i32
    %dma_wait3A_773 = arith.constant 256 : i32
    %dma_wait3A_774 = arith.constant 0 : i32
    %dma_wait3A_775 = tpu.memref_slice %arg11[%dma_wait3A_773, %dma_wait3A_774] : memref<512x32xf32, #tpu.memory_space<vmem>> -> memref<128x32xf32, #tpu.memory_space<vmem>>
    %dma_wait3A_776 = arith.constant 0 : i32
    %dma_wait3A_777 = tpu.memref_slice %arg8[%dma_wait3A_772, %dma_wait3A_776] : memref<4x128xi32, #tpu.memory_space<vmem>> -> memref<1x128xi32, #tpu.memory_space<vmem>>
    %dma_wait3A_778 = tpu.memref_squeeze %dma_wait3A_777 : memref<1x128xi32, #tpu.memory_space<vmem>> -> memref<128xi32, #tpu.memory_space<vmem>>
    %dma_wait3A_779 = arith.constant 0 : i32
    %dma_wait3A_780 = arith.constant 0 : i32
    %dma_wait3A_781 = tpu.memref_slice %arg4[%dma_wait3A_779, %dma_wait3A_780] : memref<1000001x32xf32, #tpu.memory_space<hbm>> -> memref<1000001x32xf32, #tpu.memory_space<hbm>>
    tpu.wait_indirect_dma semaphore(%arg14 : memref<!tpu.dma_semaphore, #tpu.memory_space<semaphore_mem>>) src(%dma_wait3A_781 : memref<1000001x32xf32, #tpu.memory_space<hbm>>) dst(%dma_wait3A_775 : memref<128x32xf32, #tpu.memory_space<vmem>>)
    %dma_wait3A_782 = arith.constant 2 : i32
    %dma_wait3A_783 = arith.constant 256 : i32
    %dma_wait3A_784 = arith.constant 0 : i32
    %dma_wait3A_785 = tpu.memref_slice %arg12[%dma_wait3A_783, %dma_wait3A_784] : memref<512x32xf32, #tpu.memory_space<vmem>> -> memref<128x32xf32, #tpu.memory_space<vmem>>
    %dma_wait3A_786 = arith.constant 0 : i32
    %dma_wait3A_787 = tpu.memref_slice %arg9[%dma_wait3A_782, %dma_wait3A_786] : memref<4x128xi32, #tpu.memory_space<vmem>> -> memref<1x128xi32, #tpu.memory_space<vmem>>
    %dma_wait3A_788 = tpu.memref_squeeze %dma_wait3A_787 : memref<1x128xi32, #tpu.memory_space<vmem>> -> memref<128xi32, #tpu.memory_space<vmem>>
    %dma_wait3A_789 = arith.constant 0 : i32
    %dma_wait3A_790 = arith.constant 0 : i32
    %dma_wait3A_791 = tpu.memref_slice %arg4[%dma_wait3A_789, %dma_wait3A_790] : memref<1000001x32xf32, #tpu.memory_space<hbm>> -> memref<1000001x32xf32, #tpu.memory_space<hbm>>
    tpu.wait_indirect_dma semaphore(%arg14 : memref<!tpu.dma_semaphore, #tpu.memory_space<semaphore_mem>>) src(%dma_wait3A_791 : memref<1000001x32xf32, #tpu.memory_space<hbm>>) dst(%dma_wait3A_785 : memref<128x32xf32, #tpu.memory_space<vmem>>)
    %dma_wait3A_792 = arith.constant 3 : i32
    %dma_wait3A_793 = arith.constant 384 : i32
    %dma_wait3A_794 = arith.constant 0 : i32
    %dma_wait3A_795 = tpu.memref_slice %arg10[%dma_wait3A_793, %dma_wait3A_794] : memref<512x32xf32, #tpu.memory_space<vmem>> -> memref<128x32xf32, #tpu.memory_space<vmem>>
    %dma_wait3A_796 = arith.constant 0 : i32
    %dma_wait3A_797 = tpu.memref_slice %arg7[%dma_wait3A_792, %dma_wait3A_796] : memref<4x128xi32, #tpu.memory_space<vmem>> -> memref<1x128xi32, #tpu.memory_space<vmem>>
    %dma_wait3A_798 = tpu.memref_squeeze %dma_wait3A_797 : memref<1x128xi32, #tpu.memory_space<vmem>> -> memref<128xi32, #tpu.memory_space<vmem>>
    %dma_wait3A_799 = arith.constant 0 : i32
    %dma_wait3A_800 = arith.constant 0 : i32
    %dma_wait3A_801 = tpu.memref_slice %arg3[%dma_wait3A_799, %dma_wait3A_800] : memref<1000001x32xf32, #tpu.memory_space<hbm>> -> memref<1000001x32xf32, #tpu.memory_space<hbm>>
    tpu.wait_indirect_dma semaphore(%arg14 : memref<!tpu.dma_semaphore, #tpu.memory_space<semaphore_mem>>) src(%dma_wait3A_801 : memref<1000001x32xf32, #tpu.memory_space<hbm>>) dst(%dma_wait3A_795 : memref<128x32xf32, #tpu.memory_space<vmem>>)
    %dma_wait3A_802 = arith.constant 3 : i32
    %dma_wait3A_803 = arith.constant 384 : i32
    %dma_wait3A_804 = arith.constant 0 : i32
    %dma_wait3A_805 = tpu.memref_slice %arg11[%dma_wait3A_803, %dma_wait3A_804] : memref<512x32xf32, #tpu.memory_space<vmem>> -> memref<128x32xf32, #tpu.memory_space<vmem>>
    %dma_wait3A_806 = arith.constant 0 : i32
    %dma_wait3A_807 = tpu.memref_slice %arg8[%dma_wait3A_802, %dma_wait3A_806] : memref<4x128xi32, #tpu.memory_space<vmem>> -> memref<1x128xi32, #tpu.memory_space<vmem>>
    %dma_wait3A_808 = tpu.memref_squeeze %dma_wait3A_807 : memref<1x128xi32, #tpu.memory_space<vmem>> -> memref<128xi32, #tpu.memory_space<vmem>>
    %dma_wait3A_809 = arith.constant 0 : i32
    %dma_wait3A_810 = arith.constant 0 : i32
    %dma_wait3A_811 = tpu.memref_slice %arg4[%dma_wait3A_809, %dma_wait3A_810] : memref<1000001x32xf32, #tpu.memory_space<hbm>> -> memref<1000001x32xf32, #tpu.memory_space<hbm>>
    tpu.wait_indirect_dma semaphore(%arg14 : memref<!tpu.dma_semaphore, #tpu.memory_space<semaphore_mem>>) src(%dma_wait3A_811 : memref<1000001x32xf32, #tpu.memory_space<hbm>>) dst(%dma_wait3A_805 : memref<128x32xf32, #tpu.memory_space<vmem>>)
    %dma_wait3A_812 = arith.constant 3 : i32
    %dma_wait3A_813 = arith.constant 384 : i32
    %dma_wait3A_814 = arith.constant 0 : i32
    %dma_wait3A_815 = tpu.memref_slice %arg12[%dma_wait3A_813, %dma_wait3A_814] : memref<512x32xf32, #tpu.memory_space<vmem>> -> memref<128x32xf32, #tpu.memory_space<vmem>>
    %dma_wait3A_816 = arith.constant 0 : i32
    %dma_wait3A_817 = tpu.memref_slice %arg9[%dma_wait3A_812, %dma_wait3A_816] : memref<4x128xi32, #tpu.memory_space<vmem>> -> memref<1x128xi32, #tpu.memory_space<vmem>>
    %dma_wait3A_818 = tpu.memref_squeeze %dma_wait3A_817 : memref<1x128xi32, #tpu.memory_space<vmem>> -> memref<128xi32, #tpu.memory_space<vmem>>
    %dma_wait3A_819 = arith.constant 0 : i32
    %dma_wait3A_820 = arith.constant 0 : i32
    %dma_wait3A_821 = tpu.memref_slice %arg4[%dma_wait3A_819, %dma_wait3A_820] : memref<1000001x32xf32, #tpu.memory_space<hbm>> -> memref<1000001x32xf32, #tpu.memory_space<hbm>>
    tpu.wait_indirect_dma semaphore(%arg14 : memref<!tpu.dma_semaphore, #tpu.memory_space<semaphore_mem>>) src(%dma_wait3A_821 : memref<1000001x32xf32, #tpu.memory_space<hbm>>) dst(%dma_wait3A_815 : memref<128x32xf32, #tpu.memory_space<vmem>>)
    %scan3A = arith.constant 0 : i32
    %scan3A_822 = arith.constant 32 : i32
    %scan3A_823 = arith.addi %scan3A, %scan3A_822 : i32
    %scan3A_824 = arith.constant 1 : i32
    scf.for %scan3A_826 = %scan3A to %scan3A_823 step %scan3A_824  : i32 {
      %mul3A_827 = arith.constant 1 : i32
      %mul3A_828 = arith.muli %scan3A_826, %mul3A_827 : i32
      %add3A_829 = arith.constant 0 : i32
      %add3A_830 = arith.addi %add3A_829, %mul3A_828 : i32
      %mul3A_831 = arith.constant 16 : i32
      %mul3A_832 = arith.muli %add3A_830, %mul3A_831 : i32
      %add3A_833 = vector.broadcast %mul3A_832 : i32 to vector<16xi32>
      %add3A_834 = arith.addi %add3A_833, %iota3A : vector<16xi32>
      %broadcast_in_dim3A_835 = arith.constant 0.000000e+00 : f32
      %broadcast_in_dim3A_836 = vector.broadcast %broadcast_in_dim3A_835 : f32 to vector<16xf32>
      %broadcast_in_dim3A_837 = arith.constant 0 : i32
      %broadcast_in_dim3A_838 = vector.broadcast %broadcast_in_dim3A_837 : i32 to vector<16xi32>
      %gather3A_839 = tpu.vector_load_idx %arg10[%add3A_834, %broadcast_in_dim3A_838] : memref<512x32xf32, #tpu.memory_space<vmem>>[vector<16xi32>, vector<16xi32>], vector<16xf32>,
      %gather3A_840 = tpu.vector_load_idx %arg11[%add3A_834, %broadcast_in_dim3A_838] : memref<512x32xf32, #tpu.memory_space<vmem>>[vector<16xi32>, vector<16xi32>], vector<16xf32>,
      %gather3A_841 = tpu.vector_load_idx %arg12[%add3A_834, %broadcast_in_dim3A_838] : memref<512x32xf32, #tpu.memory_space<vmem>>[vector<16xi32>, vector<16xi32>], vector<16xf32>,
      %sub3A = arith.subf %gather3A_840, %gather3A_841 : vector<16xf32>
      %mul3A_842 = arith.mulf %gather3A_839, %sub3A : vector<16xf32>
      %add3A_843 = arith.addf %broadcast_in_dim3A_836, %mul3A_842 : vector<16xf32>
      %broadcast_in_dim3A_844 = arith.constant 1 : i32
      %broadcast_in_dim3A_845 = vector.broadcast %broadcast_in_dim3A_844 : i32 to vector<16xi32>
      %gather3A_846 = tpu.vector_load_idx %arg10[%add3A_834, %broadcast_in_dim3A_845] : memref<512x32xf32, #tpu.memory_space<vmem>>[vector<16xi32>, vector<16xi32>], vector<16xf32>,
      %gather3A_847 = tpu.vector_load_idx %arg11[%add3A_834, %broadcast_in_dim3A_845] : memref<512x32xf32, #tpu.memory_space<vmem>>[vector<16xi32>, vector<16xi32>], vector<16xf32>,
      %gather3A_848 = tpu.vector_load_idx %arg12[%add3A_834, %broadcast_in_dim3A_845] : memref<512x32xf32, #tpu.memory_space<vmem>>[vector<16xi32>, vector<16xi32>], vector<16xf32>,
      %sub3A_849 = arith.subf %gather3A_847, %gather3A_848 : vector<16xf32>
      %mul3A_850 = arith.mulf %gather3A_846, %sub3A_849 : vector<16xf32>
      %add3A_851 = arith.addf %add3A_843, %mul3A_850 : vector<16xf32>
      %broadcast_in_dim3A_852 = arith.constant 2 : i32
      %broadcast_in_dim3A_853 = vector.broadcast %broadcast_in_dim3A_852 : i32 to vector<16xi32>
      %gather3A_854 = tpu.vector_load_idx %arg10[%add3A_834, %broadcast_in_dim3A_853] : memref<512x32xf32, #tpu.memory_space<vmem>>[vector<16xi32>, vector<16xi32>], vector<16xf32>,
      %gather3A_855 = tpu.vector_load_idx %arg11[%add3A_834, %broadcast_in_dim3A_853] : memref<512x32xf32, #tpu.memory_space<vmem>>[vector<16xi32>, vector<16xi32>], vector<16xf32>,
      %gather3A_856 = tpu.vector_load_idx %arg12[%add3A_834, %broadcast_in_dim3A_853] : memref<512x32xf32, #tpu.memory_space<vmem>>[vector<16xi32>, vector<16xi32>], vector<16xf32>,
      %sub3A_857 = arith.subf %gather3A_855, %gather3A_856 : vector<16xf32>
      %mul3A_858 = arith.mulf %gather3A_854, %sub3A_857 : vector<16xf32>
      %add3A_859 = arith.addf %add3A_851, %mul3A_858 : vector<16xf32>
      %broadcast_in_dim3A_860 = arith.constant 3 : i32
      %broadcast_in_dim3A_861 = vector.broadcast %broadcast_in_dim3A_860 : i32 to vector<16xi32>
      %gather3A_862 = tpu.vector_load_idx %arg10[%add3A_834, %broadcast_in_dim3A_861] : memref<512x32xf32, #tpu.memory_space<vmem>>[vector<16xi32>, vector<16xi32>], vector<16xf32>,
      %gather3A_863 = tpu.vector_load_idx %arg11[%add3A_834, %broadcast_in_dim3A_861] : memref<512x32xf32, #tpu.memory_space<vmem>>[vector<16xi32>, vector<16xi32>], vector<16xf32>,
      %gather3A_864 = tpu.vector_load_idx %arg12[%add3A_834, %broadcast_in_dim3A_861] : memref<512x32xf32, #tpu.memory_space<vmem>>[vector<16xi32>, vector<16xi32>], vector<16xf32>,
      %sub3A_865 = arith.subf %gather3A_863, %gather3A_864 : vector<16xf32>
      %mul3A_866 = arith.mulf %gather3A_862, %sub3A_865 : vector<16xf32>
      %add3A_867 = arith.addf %add3A_859, %mul3A_866 : vector<16xf32>
      %broadcast_in_dim3A_868 = arith.constant 4 : i32
      %broadcast_in_dim3A_869 = vector.broadcast %broadcast_in_dim3A_868 : i32 to vector<16xi32>
      %gather3A_870 = tpu.vector_load_idx %arg10[%add3A_834, %broadcast_in_dim3A_869] : memref<512x32xf32, #tpu.memory_space<vmem>>[vector<16xi32>, vector<16xi32>], vector<16xf32>,
      %gather3A_871 = tpu.vector_load_idx %arg11[%add3A_834, %broadcast_in_dim3A_869] : memref<512x32xf32, #tpu.memory_space<vmem>>[vector<16xi32>, vector<16xi32>], vector<16xf32>,
      %gather3A_872 = tpu.vector_load_idx %arg12[%add3A_834, %broadcast_in_dim3A_869] : memref<512x32xf32, #tpu.memory_space<vmem>>[vector<16xi32>, vector<16xi32>], vector<16xf32>,
      %sub3A_873 = arith.subf %gather3A_871, %gather3A_872 : vector<16xf32>
      %mul3A_874 = arith.mulf %gather3A_870, %sub3A_873 : vector<16xf32>
      %add3A_875 = arith.addf %add3A_867, %mul3A_874 : vector<16xf32>
      %broadcast_in_dim3A_876 = arith.constant 5 : i32
      %broadcast_in_dim3A_877 = vector.broadcast %broadcast_in_dim3A_876 : i32 to vector<16xi32>
      %gather3A_878 = tpu.vector_load_idx %arg10[%add3A_834, %broadcast_in_dim3A_877] : memref<512x32xf32, #tpu.memory_space<vmem>>[vector<16xi32>, vector<16xi32>], vector<16xf32>,
      %gather3A_879 = tpu.vector_load_idx %arg11[%add3A_834, %broadcast_in_dim3A_877] : memref<512x32xf32, #tpu.memory_space<vmem>>[vector<16xi32>, vector<16xi32>], vector<16xf32>,
      %gather3A_880 = tpu.vector_load_idx %arg12[%add3A_834, %broadcast_in_dim3A_877] : memref<512x32xf32, #tpu.memory_space<vmem>>[vector<16xi32>, vector<16xi32>], vector<16xf32>,
      %sub3A_881 = arith.subf %gather3A_879, %gather3A_880 : vector<16xf32>
      %mul3A_882 = arith.mulf %gather3A_878, %sub3A_881 : vector<16xf32>
      %add3A_883 = arith.addf %add3A_875, %mul3A_882 : vector<16xf32>
      %broadcast_in_dim3A_884 = arith.constant 6 : i32
      %broadcast_in_dim3A_885 = vector.broadcast %broadcast_in_dim3A_884 : i32 to vector<16xi32>
      %gather3A_886 = tpu.vector_load_idx %arg10[%add3A_834, %broadcast_in_dim3A_885] : memref<512x32xf32, #tpu.memory_space<vmem>>[vector<16xi32>, vector<16xi32>], vector<16xf32>,
      %gather3A_887 = tpu.vector_load_idx %arg11[%add3A_834, %broadcast_in_dim3A_885] : memref<512x32xf32, #tpu.memory_space<vmem>>[vector<16xi32>, vector<16xi32>], vector<16xf32>,
      %gather3A_888 = tpu.vector_load_idx %arg12[%add3A_834, %broadcast_in_dim3A_885] : memref<512x32xf32, #tpu.memory_space<vmem>>[vector<16xi32>, vector<16xi32>], vector<16xf32>,
      %sub3A_889 = arith.subf %gather3A_887, %gather3A_888 : vector<16xf32>
      %mul3A_890 = arith.mulf %gather3A_886, %sub3A_889 : vector<16xf32>
      %add3A_891 = arith.addf %add3A_883, %mul3A_890 : vector<16xf32>
      %broadcast_in_dim3A_892 = arith.constant 7 : i32
      %broadcast_in_dim3A_893 = vector.broadcast %broadcast_in_dim3A_892 : i32 to vector<16xi32>
      %gather3A_894 = tpu.vector_load_idx %arg10[%add3A_834, %broadcast_in_dim3A_893] : memref<512x32xf32, #tpu.memory_space<vmem>>[vector<16xi32>, vector<16xi32>], vector<16xf32>,
      %gather3A_895 = tpu.vector_load_idx %arg11[%add3A_834, %broadcast_in_dim3A_893] : memref<512x32xf32, #tpu.memory_space<vmem>>[vector<16xi32>, vector<16xi32>], vector<16xf32>,
      %gather3A_896 = tpu.vector_load_idx %arg12[%add3A_834, %broadcast_in_dim3A_893] : memref<512x32xf32, #tpu.memory_space<vmem>>[vector<16xi32>, vector<16xi32>], vector<16xf32>,
      %sub3A_897 = arith.subf %gather3A_895, %gather3A_896 : vector<16xf32>
      %mul3A_898 = arith.mulf %gather3A_894, %sub3A_897 : vector<16xf32>
      %add3A_899 = arith.addf %add3A_891, %mul3A_898 : vector<16xf32>
      %broadcast_in_dim3A_900 = arith.constant 8 : i32
      %broadcast_in_dim3A_901 = vector.broadcast %broadcast_in_dim3A_900 : i32 to vector<16xi32>
      %gather3A_902 = tpu.vector_load_idx %arg10[%add3A_834, %broadcast_in_dim3A_901] : memref<512x32xf32, #tpu.memory_space<vmem>>[vector<16xi32>, vector<16xi32>], vector<16xf32>,
      %gather3A_903 = tpu.vector_load_idx %arg11[%add3A_834, %broadcast_in_dim3A_901] : memref<512x32xf32, #tpu.memory_space<vmem>>[vector<16xi32>, vector<16xi32>], vector<16xf32>,
      %gather3A_904 = tpu.vector_load_idx %arg12[%add3A_834, %broadcast_in_dim3A_901] : memref<512x32xf32, #tpu.memory_space<vmem>>[vector<16xi32>, vector<16xi32>], vector<16xf32>,
      %sub3A_905 = arith.subf %gather3A_903, %gather3A_904 : vector<16xf32>
      %mul3A_906 = arith.mulf %gather3A_902, %sub3A_905 : vector<16xf32>
      %add3A_907 = arith.addf %add3A_899, %mul3A_906 : vector<16xf32>
      %broadcast_in_dim3A_908 = arith.constant 9 : i32
      %broadcast_in_dim3A_909 = vector.broadcast %broadcast_in_dim3A_908 : i32 to vector<16xi32>
      %gather3A_910 = tpu.vector_load_idx %arg10[%add3A_834, %broadcast_in_dim3A_909] : memref<512x32xf32, #tpu.memory_space<vmem>>[vector<16xi32>, vector<16xi32>], vector<16xf32>,
      %gather3A_911 = tpu.vector_load_idx %arg11[%add3A_834, %broadcast_in_dim3A_909] : memref<512x32xf32, #tpu.memory_space<vmem>>[vector<16xi32>, vector<16xi32>], vector<16xf32>,
      %gather3A_912 = tpu.vector_load_idx %arg12[%add3A_834, %broadcast_in_dim3A_909] : memref<512x32xf32, #tpu.memory_space<vmem>>[vector<16xi32>, vector<16xi32>], vector<16xf32>,
      %sub3A_913 = arith.subf %gather3A_911, %gather3A_912 : vector<16xf32>
      %mul3A_914 = arith.mulf %gather3A_910, %sub3A_913 : vector<16xf32>
      %add3A_915 = arith.addf %add3A_907, %mul3A_914 : vector<16xf32>
      %broadcast_in_dim3A_916 = arith.constant 10 : i32
      %broadcast_in_dim3A_917 = vector.broadcast %broadcast_in_dim3A_916 : i32 to vector<16xi32>
      %gather3A_918 = tpu.vector_load_idx %arg10[%add3A_834, %broadcast_in_dim3A_917] : memref<512x32xf32, #tpu.memory_space<vmem>>[vector<16xi32>, vector<16xi32>], vector<16xf32>,
      %gather3A_919 = tpu.vector_load_idx %arg11[%add3A_834, %broadcast_in_dim3A_917] : memref<512x32xf32, #tpu.memory_space<vmem>>[vector<16xi32>, vector<16xi32>], vector<16xf32>,
      %gather3A_920 = tpu.vector_load_idx %arg12[%add3A_834, %broadcast_in_dim3A_917] : memref<512x32xf32, #tpu.memory_space<vmem>>[vector<16xi32>, vector<16xi32>], vector<16xf32>,
      %sub3A_921 = arith.subf %gather3A_919, %gather3A_920 : vector<16xf32>
      %mul3A_922 = arith.mulf %gather3A_918, %sub3A_921 : vector<16xf32>
      %add3A_923 = arith.addf %add3A_915, %mul3A_922 : vector<16xf32>
      %broadcast_in_dim3A_924 = arith.constant 11 : i32
      %broadcast_in_dim3A_925 = vector.broadcast %broadcast_in_dim3A_924 : i32 to vector<16xi32>
      %gather3A_926 = tpu.vector_load_idx %arg10[%add3A_834, %broadcast_in_dim3A_925] : memref<512x32xf32, #tpu.memory_space<vmem>>[vector<16xi32>, vector<16xi32>], vector<16xf32>,
      %gather3A_927 = tpu.vector_load_idx %arg11[%add3A_834, %broadcast_in_dim3A_925] : memref<512x32xf32, #tpu.memory_space<vmem>>[vector<16xi32>, vector<16xi32>], vector<16xf32>,
      %gather3A_928 = tpu.vector_load_idx %arg12[%add3A_834, %broadcast_in_dim3A_925] : memref<512x32xf32, #tpu.memory_space<vmem>>[vector<16xi32>, vector<16xi32>], vector<16xf32>,
      %sub3A_929 = arith.subf %gather3A_927, %gather3A_928 : vector<16xf32>
      %mul3A_930 = arith.mulf %gather3A_926, %sub3A_929 : vector<16xf32>
      %add3A_931 = arith.addf %add3A_923, %mul3A_930 : vector<16xf32>
      %broadcast_in_dim3A_932 = arith.constant 12 : i32
      %broadcast_in_dim3A_933 = vector.broadcast %broadcast_in_dim3A_932 : i32 to vector<16xi32>
      %gather3A_934 = tpu.vector_load_idx %arg10[%add3A_834, %broadcast_in_dim3A_933] : memref<512x32xf32, #tpu.memory_space<vmem>>[vector<16xi32>, vector<16xi32>], vector<16xf32>,
      %gather3A_935 = tpu.vector_load_idx %arg11[%add3A_834, %broadcast_in_dim3A_933] : memref<512x32xf32, #tpu.memory_space<vmem>>[vector<16xi32>, vector<16xi32>], vector<16xf32>,
      %gather3A_936 = tpu.vector_load_idx %arg12[%add3A_834, %broadcast_in_dim3A_933] : memref<512x32xf32, #tpu.memory_space<vmem>>[vector<16xi32>, vector<16xi32>], vector<16xf32>,
      %sub3A_937 = arith.subf %gather3A_935, %gather3A_936 : vector<16xf32>
      %mul3A_938 = arith.mulf %gather3A_934, %sub3A_937 : vector<16xf32>
      %add3A_939 = arith.addf %add3A_931, %mul3A_938 : vector<16xf32>
      %broadcast_in_dim3A_940 = arith.constant 13 : i32
      %broadcast_in_dim3A_941 = vector.broadcast %broadcast_in_dim3A_940 : i32 to vector<16xi32>
      %gather3A_942 = tpu.vector_load_idx %arg10[%add3A_834, %broadcast_in_dim3A_941] : memref<512x32xf32, #tpu.memory_space<vmem>>[vector<16xi32>, vector<16xi32>], vector<16xf32>,
      %gather3A_943 = tpu.vector_load_idx %arg11[%add3A_834, %broadcast_in_dim3A_941] : memref<512x32xf32, #tpu.memory_space<vmem>>[vector<16xi32>, vector<16xi32>], vector<16xf32>,
      %gather3A_944 = tpu.vector_load_idx %arg12[%add3A_834, %broadcast_in_dim3A_941] : memref<512x32xf32, #tpu.memory_space<vmem>>[vector<16xi32>, vector<16xi32>], vector<16xf32>,
      %sub3A_945 = arith.subf %gather3A_943, %gather3A_944 : vector<16xf32>
      %mul3A_946 = arith.mulf %gather3A_942, %sub3A_945 : vector<16xf32>
      %add3A_947 = arith.addf %add3A_939, %mul3A_946 : vector<16xf32>
      %broadcast_in_dim3A_948 = arith.constant 14 : i32
      %broadcast_in_dim3A_949 = vector.broadcast %broadcast_in_dim3A_948 : i32 to vector<16xi32>
      %gather3A_950 = tpu.vector_load_idx %arg10[%add3A_834, %broadcast_in_dim3A_949] : memref<512x32xf32, #tpu.memory_space<vmem>>[vector<16xi32>, vector<16xi32>], vector<16xf32>,
      %gather3A_951 = tpu.vector_load_idx %arg11[%add3A_834, %broadcast_in_dim3A_949] : memref<512x32xf32, #tpu.memory_space<vmem>>[vector<16xi32>, vector<16xi32>], vector<16xf32>,
      %gather3A_952 = tpu.vector_load_idx %arg12[%add3A_834, %broadcast_in_dim3A_949] : memref<512x32xf32, #tpu.memory_space<vmem>>[vector<16xi32>, vector<16xi32>], vector<16xf32>,
      %sub3A_953 = arith.subf %gather3A_951, %gather3A_952 : vector<16xf32>
      %mul3A_954 = arith.mulf %gather3A_950, %sub3A_953 : vector<16xf32>
      %add3A_955 = arith.addf %add3A_947, %mul3A_954 : vector<16xf32>
      %broadcast_in_dim3A_956 = arith.constant 15 : i32
      %broadcast_in_dim3A_957 = vector.broadcast %broadcast_in_dim3A_956 : i32 to vector<16xi32>
      %gather3A_958 = tpu.vector_load_idx %arg10[%add3A_834, %broadcast_in_dim3A_957] : memref<512x32xf32, #tpu.memory_space<vmem>>[vector<16xi32>, vector<16xi32>], vector<16xf32>,
      %gather3A_959 = tpu.vector_load_idx %arg11[%add3A_834, %broadcast_in_dim3A_957] : memref<512x32xf32, #tpu.memory_space<vmem>>[vector<16xi32>, vector<16xi32>], vector<16xf32>,
      %gather3A_960 = tpu.vector_load_idx %arg12[%add3A_834, %broadcast_in_dim3A_957] : memref<512x32xf32, #tpu.memory_space<vmem>>[vector<16xi32>, vector<16xi32>], vector<16xf32>,
      %sub3A_961 = arith.subf %gather3A_959, %gather3A_960 : vector<16xf32>
      %mul3A_962 = arith.mulf %gather3A_958, %sub3A_961 : vector<16xf32>
      %add3A_963 = arith.addf %add3A_955, %mul3A_962 : vector<16xf32>
      %broadcast_in_dim3A_964 = arith.constant 16 : i32
      %broadcast_in_dim3A_965 = vector.broadcast %broadcast_in_dim3A_964 : i32 to vector<16xi32>
      %gather3A_966 = tpu.vector_load_idx %arg10[%add3A_834, %broadcast_in_dim3A_965] : memref<512x32xf32, #tpu.memory_space<vmem>>[vector<16xi32>, vector<16xi32>], vector<16xf32>,
      %gather3A_967 = tpu.vector_load_idx %arg11[%add3A_834, %broadcast_in_dim3A_965] : memref<512x32xf32, #tpu.memory_space<vmem>>[vector<16xi32>, vector<16xi32>], vector<16xf32>,
      %gather3A_968 = tpu.vector_load_idx %arg12[%add3A_834, %broadcast_in_dim3A_965] : memref<512x32xf32, #tpu.memory_space<vmem>>[vector<16xi32>, vector<16xi32>], vector<16xf32>,
      %sub3A_969 = arith.subf %gather3A_967, %gather3A_968 : vector<16xf32>
      %mul3A_970 = arith.mulf %gather3A_966, %sub3A_969 : vector<16xf32>
      %add3A_971 = arith.addf %add3A_963, %mul3A_970 : vector<16xf32>
      %broadcast_in_dim3A_972 = arith.constant 17 : i32
      %broadcast_in_dim3A_973 = vector.broadcast %broadcast_in_dim3A_972 : i32 to vector<16xi32>
      %gather3A_974 = tpu.vector_load_idx %arg10[%add3A_834, %broadcast_in_dim3A_973] : memref<512x32xf32, #tpu.memory_space<vmem>>[vector<16xi32>, vector<16xi32>], vector<16xf32>,
      %gather3A_975 = tpu.vector_load_idx %arg11[%add3A_834, %broadcast_in_dim3A_973] : memref<512x32xf32, #tpu.memory_space<vmem>>[vector<16xi32>, vector<16xi32>], vector<16xf32>,
      %gather3A_976 = tpu.vector_load_idx %arg12[%add3A_834, %broadcast_in_dim3A_973] : memref<512x32xf32, #tpu.memory_space<vmem>>[vector<16xi32>, vector<16xi32>], vector<16xf32>,
      %sub3A_977 = arith.subf %gather3A_975, %gather3A_976 : vector<16xf32>
      %mul3A_978 = arith.mulf %gather3A_974, %sub3A_977 : vector<16xf32>
      %add3A_979 = arith.addf %add3A_971, %mul3A_978 : vector<16xf32>
      %broadcast_in_dim3A_980 = arith.constant 18 : i32
      %broadcast_in_dim3A_981 = vector.broadcast %broadcast_in_dim3A_980 : i32 to vector<16xi32>
      %gather3A_982 = tpu.vector_load_idx %arg10[%add3A_834, %broadcast_in_dim3A_981] : memref<512x32xf32, #tpu.memory_space<vmem>>[vector<16xi32>, vector<16xi32>], vector<16xf32>,
      %gather3A_983 = tpu.vector_load_idx %arg11[%add3A_834, %broadcast_in_dim3A_981] : memref<512x32xf32, #tpu.memory_space<vmem>>[vector<16xi32>, vector<16xi32>], vector<16xf32>,
      %gather3A_984 = tpu.vector_load_idx %arg12[%add3A_834, %broadcast_in_dim3A_981] : memref<512x32xf32, #tpu.memory_space<vmem>>[vector<16xi32>, vector<16xi32>], vector<16xf32>,
      %sub3A_985 = arith.subf %gather3A_983, %gather3A_984 : vector<16xf32>
      %mul3A_986 = arith.mulf %gather3A_982, %sub3A_985 : vector<16xf32>
      %add3A_987 = arith.addf %add3A_979, %mul3A_986 : vector<16xf32>
      %broadcast_in_dim3A_988 = arith.constant 19 : i32
      %broadcast_in_dim3A_989 = vector.broadcast %broadcast_in_dim3A_988 : i32 to vector<16xi32>
      %gather3A_990 = tpu.vector_load_idx %arg10[%add3A_834, %broadcast_in_dim3A_989] : memref<512x32xf32, #tpu.memory_space<vmem>>[vector<16xi32>, vector<16xi32>], vector<16xf32>,
      %gather3A_991 = tpu.vector_load_idx %arg11[%add3A_834, %broadcast_in_dim3A_989] : memref<512x32xf32, #tpu.memory_space<vmem>>[vector<16xi32>, vector<16xi32>], vector<16xf32>,
      %gather3A_992 = tpu.vector_load_idx %arg12[%add3A_834, %broadcast_in_dim3A_989] : memref<512x32xf32, #tpu.memory_space<vmem>>[vector<16xi32>, vector<16xi32>], vector<16xf32>,
      %sub3A_993 = arith.subf %gather3A_991, %gather3A_992 : vector<16xf32>
      %mul3A_994 = arith.mulf %gather3A_990, %sub3A_993 : vector<16xf32>
      %add3A_995 = arith.addf %add3A_987, %mul3A_994 : vector<16xf32>
      %broadcast_in_dim3A_996 = arith.constant 20 : i32
      %broadcast_in_dim3A_997 = vector.broadcast %broadcast_in_dim3A_996 : i32 to vector<16xi32>
      %gather3A_998 = tpu.vector_load_idx %arg10[%add3A_834, %broadcast_in_dim3A_997] : memref<512x32xf32, #tpu.memory_space<vmem>>[vector<16xi32>, vector<16xi32>], vector<16xf32>,
      %gather3A_999 = tpu.vector_load_idx %arg11[%add3A_834, %broadcast_in_dim3A_997] : memref<512x32xf32, #tpu.memory_space<vmem>>[vector<16xi32>, vector<16xi32>], vector<16xf32>,
      %gather3A_1000 = tpu.vector_load_idx %arg12[%add3A_834, %broadcast_in_dim3A_997] : memref<512x32xf32, #tpu.memory_space<vmem>>[vector<16xi32>, vector<16xi32>], vector<16xf32>,
      %sub3A_1001 = arith.subf %gather3A_999, %gather3A_1000 : vector<16xf32>
      %mul3A_1002 = arith.mulf %gather3A_998, %sub3A_1001 : vector<16xf32>
      %add3A_1003 = arith.addf %add3A_995, %mul3A_1002 : vector<16xf32>
      %broadcast_in_dim3A_1004 = arith.constant 21 : i32
      %broadcast_in_dim3A_1005 = vector.broadcast %broadcast_in_dim3A_1004 : i32 to vector<16xi32>
      %gather3A_1006 = tpu.vector_load_idx %arg10[%add3A_834, %broadcast_in_dim3A_1005] : memref<512x32xf32, #tpu.memory_space<vmem>>[vector<16xi32>, vector<16xi32>], vector<16xf32>,
      %gather3A_1007 = tpu.vector_load_idx %arg11[%add3A_834, %broadcast_in_dim3A_1005] : memref<512x32xf32, #tpu.memory_space<vmem>>[vector<16xi32>, vector<16xi32>], vector<16xf32>,
      %gather3A_1008 = tpu.vector_load_idx %arg12[%add3A_834, %broadcast_in_dim3A_1005] : memref<512x32xf32, #tpu.memory_space<vmem>>[vector<16xi32>, vector<16xi32>], vector<16xf32>,
      %sub3A_1009 = arith.subf %gather3A_1007, %gather3A_1008 : vector<16xf32>
      %mul3A_1010 = arith.mulf %gather3A_1006, %sub3A_1009 : vector<16xf32>
      %add3A_1011 = arith.addf %add3A_1003, %mul3A_1010 : vector<16xf32>
      %broadcast_in_dim3A_1012 = arith.constant 22 : i32
      %broadcast_in_dim3A_1013 = vector.broadcast %broadcast_in_dim3A_1012 : i32 to vector<16xi32>
      %gather3A_1014 = tpu.vector_load_idx %arg10[%add3A_834, %broadcast_in_dim3A_1013] : memref<512x32xf32, #tpu.memory_space<vmem>>[vector<16xi32>, vector<16xi32>], vector<16xf32>,
      %gather3A_1015 = tpu.vector_load_idx %arg11[%add3A_834, %broadcast_in_dim3A_1013] : memref<512x32xf32, #tpu.memory_space<vmem>>[vector<16xi32>, vector<16xi32>], vector<16xf32>,
      %gather3A_1016 = tpu.vector_load_idx %arg12[%add3A_834, %broadcast_in_dim3A_1013] : memref<512x32xf32, #tpu.memory_space<vmem>>[vector<16xi32>, vector<16xi32>], vector<16xf32>,
      %sub3A_1017 = arith.subf %gather3A_1015, %gather3A_1016 : vector<16xf32>
      %mul3A_1018 = arith.mulf %gather3A_1014, %sub3A_1017 : vector<16xf32>
      %add3A_1019 = arith.addf %add3A_1011, %mul3A_1018 : vector<16xf32>
      %broadcast_in_dim3A_1020 = arith.constant 23 : i32
      %broadcast_in_dim3A_1021 = vector.broadcast %broadcast_in_dim3A_1020 : i32 to vector<16xi32>
      %gather3A_1022 = tpu.vector_load_idx %arg10[%add3A_834, %broadcast_in_dim3A_1021] : memref<512x32xf32, #tpu.memory_space<vmem>>[vector<16xi32>, vector<16xi32>], vector<16xf32>,
      %gather3A_1023 = tpu.vector_load_idx %arg11[%add3A_834, %broadcast_in_dim3A_1021] : memref<512x32xf32, #tpu.memory_space<vmem>>[vector<16xi32>, vector<16xi32>], vector<16xf32>,
      %gather3A_1024 = tpu.vector_load_idx %arg12[%add3A_834, %broadcast_in_dim3A_1021] : memref<512x32xf32, #tpu.memory_space<vmem>>[vector<16xi32>, vector<16xi32>], vector<16xf32>,
      %sub3A_1025 = arith.subf %gather3A_1023, %gather3A_1024 : vector<16xf32>
      %mul3A_1026 = arith.mulf %gather3A_1022, %sub3A_1025 : vector<16xf32>
      %add3A_1027 = arith.addf %add3A_1019, %mul3A_1026 : vector<16xf32>
      %broadcast_in_dim3A_1028 = arith.constant 24 : i32
      %broadcast_in_dim3A_1029 = vector.broadcast %broadcast_in_dim3A_1028 : i32 to vector<16xi32>
      %gather3A_1030 = tpu.vector_load_idx %arg10[%add3A_834, %broadcast_in_dim3A_1029] : memref<512x32xf32, #tpu.memory_space<vmem>>[vector<16xi32>, vector<16xi32>], vector<16xf32>,
      %gather3A_1031 = tpu.vector_load_idx %arg11[%add3A_834, %broadcast_in_dim3A_1029] : memref<512x32xf32, #tpu.memory_space<vmem>>[vector<16xi32>, vector<16xi32>], vector<16xf32>,
      %gather3A_1032 = tpu.vector_load_idx %arg12[%add3A_834, %broadcast_in_dim3A_1029] : memref<512x32xf32, #tpu.memory_space<vmem>>[vector<16xi32>, vector<16xi32>], vector<16xf32>,
      %sub3A_1033 = arith.subf %gather3A_1031, %gather3A_1032 : vector<16xf32>
      %mul3A_1034 = arith.mulf %gather3A_1030, %sub3A_1033 : vector<16xf32>
      %add3A_1035 = arith.addf %add3A_1027, %mul3A_1034 : vector<16xf32>
      %broadcast_in_dim3A_1036 = arith.constant 25 : i32
      %broadcast_in_dim3A_1037 = vector.broadcast %broadcast_in_dim3A_1036 : i32 to vector<16xi32>
      %gather3A_1038 = tpu.vector_load_idx %arg10[%add3A_834, %broadcast_in_dim3A_1037] : memref<512x32xf32, #tpu.memory_space<vmem>>[vector<16xi32>, vector<16xi32>], vector<16xf32>,
      %gather3A_1039 = tpu.vector_load_idx %arg11[%add3A_834, %broadcast_in_dim3A_1037] : memref<512x32xf32, #tpu.memory_space<vmem>>[vector<16xi32>, vector<16xi32>], vector<16xf32>,
      %gather3A_1040 = tpu.vector_load_idx %arg12[%add3A_834, %broadcast_in_dim3A_1037] : memref<512x32xf32, #tpu.memory_space<vmem>>[vector<16xi32>, vector<16xi32>], vector<16xf32>,
      %sub3A_1041 = arith.subf %gather3A_1039, %gather3A_1040 : vector<16xf32>
      %mul3A_1042 = arith.mulf %gather3A_1038, %sub3A_1041 : vector<16xf32>
      %add3A_1043 = arith.addf %add3A_1035, %mul3A_1042 : vector<16xf32>
      %broadcast_in_dim3A_1044 = arith.constant 26 : i32
      %broadcast_in_dim3A_1045 = vector.broadcast %broadcast_in_dim3A_1044 : i32 to vector<16xi32>
      %gather3A_1046 = tpu.vector_load_idx %arg10[%add3A_834, %broadcast_in_dim3A_1045] : memref<512x32xf32, #tpu.memory_space<vmem>>[vector<16xi32>, vector<16xi32>], vector<16xf32>,
      %gather3A_1047 = tpu.vector_load_idx %arg11[%add3A_834, %broadcast_in_dim3A_1045] : memref<512x32xf32, #tpu.memory_space<vmem>>[vector<16xi32>, vector<16xi32>], vector<16xf32>,
      %gather3A_1048 = tpu.vector_load_idx %arg12[%add3A_834, %broadcast_in_dim3A_1045] : memref<512x32xf32, #tpu.memory_space<vmem>>[vector<16xi32>, vector<16xi32>], vector<16xf32>,
      %sub3A_1049 = arith.subf %gather3A_1047, %gather3A_1048 : vector<16xf32>
      %mul3A_1050 = arith.mulf %gather3A_1046, %sub3A_1049 : vector<16xf32>
      %add3A_1051 = arith.addf %add3A_1043, %mul3A_1050 : vector<16xf32>
      %broadcast_in_dim3A_1052 = arith.constant 27 : i32
      %broadcast_in_dim3A_1053 = vector.broadcast %broadcast_in_dim3A_1052 : i32 to vector<16xi32>
      %gather3A_1054 = tpu.vector_load_idx %arg10[%add3A_834, %broadcast_in_dim3A_1053] : memref<512x32xf32, #tpu.memory_space<vmem>>[vector<16xi32>, vector<16xi32>], vector<16xf32>,
      %gather3A_1055 = tpu.vector_load_idx %arg11[%add3A_834, %broadcast_in_dim3A_1053] : memref<512x32xf32, #tpu.memory_space<vmem>>[vector<16xi32>, vector<16xi32>], vector<16xf32>,
      %gather3A_1056 = tpu.vector_load_idx %arg12[%add3A_834, %broadcast_in_dim3A_1053] : memref<512x32xf32, #tpu.memory_space<vmem>>[vector<16xi32>, vector<16xi32>], vector<16xf32>,
      %sub3A_1057 = arith.subf %gather3A_1055, %gather3A_1056 : vector<16xf32>
      %mul3A_1058 = arith.mulf %gather3A_1054, %sub3A_1057 : vector<16xf32>
      %add3A_1059 = arith.addf %add3A_1051, %mul3A_1058 : vector<16xf32>
      %broadcast_in_dim3A_1060 = arith.constant 28 : i32
      %broadcast_in_dim3A_1061 = vector.broadcast %broadcast_in_dim3A_1060 : i32 to vector<16xi32>
      %gather3A_1062 = tpu.vector_load_idx %arg10[%add3A_834, %broadcast_in_dim3A_1061] : memref<512x32xf32, #tpu.memory_space<vmem>>[vector<16xi32>, vector<16xi32>], vector<16xf32>,
      %gather3A_1063 = tpu.vector_load_idx %arg11[%add3A_834, %broadcast_in_dim3A_1061] : memref<512x32xf32, #tpu.memory_space<vmem>>[vector<16xi32>, vector<16xi32>], vector<16xf32>,
      %gather3A_1064 = tpu.vector_load_idx %arg12[%add3A_834, %broadcast_in_dim3A_1061] : memref<512x32xf32, #tpu.memory_space<vmem>>[vector<16xi32>, vector<16xi32>], vector<16xf32>,
      %sub3A_1065 = arith.subf %gather3A_1063, %gather3A_1064 : vector<16xf32>
      %mul3A_1066 = arith.mulf %gather3A_1062, %sub3A_1065 : vector<16xf32>
      %add3A_1067 = arith.addf %add3A_1059, %mul3A_1066 : vector<16xf32>
      %broadcast_in_dim3A_1068 = arith.constant 29 : i32
      %broadcast_in_dim3A_1069 = vector.broadcast %broadcast_in_dim3A_1068 : i32 to vector<16xi32>
      %gather3A_1070 = tpu.vector_load_idx %arg10[%add3A_834, %broadcast_in_dim3A_1069] : memref<512x32xf32, #tpu.memory_space<vmem>>[vector<16xi32>, vector<16xi32>], vector<16xf32>,
      %gather3A_1071 = tpu.vector_load_idx %arg11[%add3A_834, %broadcast_in_dim3A_1069] : memref<512x32xf32, #tpu.memory_space<vmem>>[vector<16xi32>, vector<16xi32>], vector<16xf32>,
      %gather3A_1072 = tpu.vector_load_idx %arg12[%add3A_834, %broadcast_in_dim3A_1069] : memref<512x32xf32, #tpu.memory_space<vmem>>[vector<16xi32>, vector<16xi32>], vector<16xf32>,
      %sub3A_1073 = arith.subf %gather3A_1071, %gather3A_1072 : vector<16xf32>
      %mul3A_1074 = arith.mulf %gather3A_1070, %sub3A_1073 : vector<16xf32>
      %add3A_1075 = arith.addf %add3A_1067, %mul3A_1074 : vector<16xf32>
      %broadcast_in_dim3A_1076 = arith.constant 30 : i32
      %broadcast_in_dim3A_1077 = vector.broadcast %broadcast_in_dim3A_1076 : i32 to vector<16xi32>
      %gather3A_1078 = tpu.vector_load_idx %arg10[%add3A_834, %broadcast_in_dim3A_1077] : memref<512x32xf32, #tpu.memory_space<vmem>>[vector<16xi32>, vector<16xi32>], vector<16xf32>,
      %gather3A_1079 = tpu.vector_load_idx %arg11[%add3A_834, %broadcast_in_dim3A_1077] : memref<512x32xf32, #tpu.memory_space<vmem>>[vector<16xi32>, vector<16xi32>], vector<16xf32>,
      %gather3A_1080 = tpu.vector_load_idx %arg12[%add3A_834, %broadcast_in_dim3A_1077] : memref<512x32xf32, #tpu.memory_space<vmem>>[vector<16xi32>, vector<16xi32>], vector<16xf32>,
      %sub3A_1081 = arith.subf %gather3A_1079, %gather3A_1080 : vector<16xf32>
      %mul3A_1082 = arith.mulf %gather3A_1078, %sub3A_1081 : vector<16xf32>
      %add3A_1083 = arith.addf %add3A_1075, %mul3A_1082 : vector<16xf32>
      %broadcast_in_dim3A_1084 = arith.constant 31 : i32
      %broadcast_in_dim3A_1085 = vector.broadcast %broadcast_in_dim3A_1084 : i32 to vector<16xi32>
      %gather3A_1086 = tpu.vector_load_idx %arg10[%add3A_834, %broadcast_in_dim3A_1085] : memref<512x32xf32, #tpu.memory_space<vmem>>[vector<16xi32>, vector<16xi32>], vector<16xf32>,
      %gather3A_1087 = tpu.vector_load_idx %arg11[%add3A_834, %broadcast_in_dim3A_1085] : memref<512x32xf32, #tpu.memory_space<vmem>>[vector<16xi32>, vector<16xi32>], vector<16xf32>,
      %gather3A_1088 = tpu.vector_load_idx %arg12[%add3A_834, %broadcast_in_dim3A_1085] : memref<512x32xf32, #tpu.memory_space<vmem>>[vector<16xi32>, vector<16xi32>], vector<16xf32>,
      %sub3A_1089 = arith.subf %gather3A_1087, %gather3A_1088 : vector<16xf32>
      %mul3A_1090 = arith.mulf %gather3A_1086, %sub3A_1089 : vector<16xf32>
      %add3A_1091 = arith.addf %add3A_1083, %mul3A_1090 : vector<16xf32>
      %mul3A_1092 = arith.constant 16 : i32
      %mul3A_1093 = arith.muli %add3A_830, %mul3A_1092 : i32
      %swap3A_1094 = arith.index_cast %mul3A_1093 : i32 to index
      %swap3A_1095 = tpu.vector_load %arg13[%swap3A_1094] {strides = array<i32>} : memref<512xf32, #tpu.memory_space<vmem>>, vector<16xf32>,
      tpu.vector_store %arg13[%swap3A_1094], %add3A_1091 {strides = array<i32>} : memref<512xf32, #tpu.memory_space<vmem>>, vector<16xf32>,
    }
    %scan3A_825 = arith.constant 32 : i32
    "tpu.region"() ({
      %run_scoped3A = tpu.sem_alloc : memref<!tpu.dma_semaphore, #tpu.memory_space<semaphore_mem>>
      %dma_start3A_826 = tpu.memref_slice %arg5[%mul3A_2] : memref<16384xf32, #tpu.memory_space<hbm>> -> memref<512xf32, #tpu.memory_space<hbm>>
      %dma_start3A_827 = tpu.memref_slice %arg5[%mul3A_2] : memref<16384xf32, #tpu.memory_space<hbm>> -> memref<512xf32, #tpu.memory_space<hbm>>
      tpu.enqueue_dma source(%arg13 : memref<512xf32, #tpu.memory_space<vmem>>) target(%dma_start3A_827 : memref<512xf32, #tpu.memory_space<hbm>>) target_semaphore(%run_scoped3A : memref<!tpu.dma_semaphore, #tpu.memory_space<semaphore_mem>>)
      %dma_wait3A_828 = tpu.memref_slice %arg5[%mul3A_2] : memref<16384xf32, #tpu.memory_space<hbm>> -> memref<512xf32, #tpu.memory_space<hbm>>
      %dma_wait3A_829 = tpu.memref_slice %arg5[%mul3A_2] : memref<16384xf32, #tpu.memory_space<hbm>> -> memref<512xf32, #tpu.memory_space<hbm>>
      tpu.wait_dma2 semaphore(%run_scoped3A : memref<!tpu.dma_semaphore, #tpu.memory_space<semaphore_mem>>) src(%arg13 : memref<512xf32, #tpu.memory_space<vmem>>) dst(%dma_wait3A_829 : memref<512xf32, #tpu.memory_space<hbm>>)
      tpu.yield
    }) : () -> ()
    return
  }
}

module attributes {stable_mosaic.version = 14 : i64} {
  func.func @_tc_loss_body(%arg0: memref<128x128xf32, #tpu.memory_space<vmem>>, %arg1: memref<1x1xf32, #tpu.memory_space<smem>>) attributes {dimension_semantics = [], scalar_prefetch = 0 : i64, scratch_operands = 0 : i64, tpu.core_type = #tpu.core_type<tc>} {
    %get3A = arith.constant 0 : index
    %get3A_0 = arith.constant 0 : index
    %get3A_1 = vector.load %arg0[%get3A, %get3A_0] : memref<128x128xf32, #tpu.memory_space<vmem>>, vector<128x128xf32>
    %neg3A = arith.constant 0.000000e+00 : f32
    %neg3A_2 = vector.broadcast %neg3A : f32 to vector<128x128xf32>
    %neg3A_3 = arith.subf %neg3A_2, %get3A_1 : vector<128x128xf32>
    %max3A = arith.constant 0.000000e+00 : f32
    %max3A_4 = vector.broadcast %max3A : f32 to vector<128x128xf32>
    %max3A_5 = arith.maximumf %neg3A_3, %max3A_4 : vector<128x128xf32>
    %abs3A = math.absf %neg3A_3 : vector<128x128xf32>
    %neg3A_6 = arith.constant 0.000000e+00 : f32
    %neg3A_7 = vector.broadcast %neg3A_6 : f32 to vector<128x128xf32>
    %neg3A_8 = arith.subf %neg3A_7, %abs3A : vector<128x128xf32>
    %exp3A = math.exp %neg3A_8 : vector<128x128xf32>
    %add3A = arith.constant 1.000000e+00 : f32
    %add3A_9 = vector.broadcast %add3A : f32 to vector<128x128xf32>
    %add3A_10 = arith.addf %add3A_9, %exp3A : vector<128x128xf32>
    %log3A = math.log %add3A_10 : vector<128x128xf32>
    %add3A_11 = arith.addf %max3A_5, %log3A : vector<128x128xf32>
    %reduce_sum3A = vector.shape_cast %add3A_11 : vector<128x128xf32> to vector<1x128x128xf32>
    %reduce_sum3A_12 = arith.constant dense<0.000000e+00> : vector<1xf32>
    %reduce_sum3A_13 = vector.multi_reduction <add>, %reduce_sum3A, %reduce_sum3A_12 [1, 2] : vector<1x128x128xf32> to vector<1xf32>
    %reduce_sum3A_14 = vector.shape_cast %reduce_sum3A_13 : vector<1xf32> to vector<1x1x1xf32>
    %reduce_sum3A_15 = vector.extract %reduce_sum3A_14[0, 0, 0] : f32 from vector<1x1x1xf32>
    %mul3A = arith.constant 6.10351563E-5 : f32
    %mul3A_16 = arith.mulf %reduce_sum3A_15, %mul3A : f32
    %swap3A = arith.constant 0 : index
    %swap3A_17 = arith.constant 0 : index
    %swap3A_18 = memref.load %arg1[%swap3A, %swap3A_17] : memref<1x1xf32, #tpu.memory_space<smem>>
    memref.store %mul3A_16, %arg1[%swap3A, %swap3A_17] : memref<1x1xf32, #tpu.memory_space<smem>>
    return
  }
}

</mosaic_0001>

<sc_bundles>
// kernel: kernel.4.cloned.1.call-start
scs
__scs_entry_jumppad:
0x0: {  	(pc) =	sbr.rel $0x88, $3  }
0x1: {  	(tag) =	ssettag $0x0;
	lr =	simm.s32 $0x1  }
0x2: {  	[smem:$0x3F9E] =	sst lr;
	_ =	strace $0xD0000000  }
0x3: {  	_ = 	snop  }
0x4: {  	_ = 	snop  }
0x5: {  	_ = 	snop  }
0x6: {  	_ = 	snop  }
0x7: {  	_ = 	snop  }
__scs_overlays_trampoline_lowered:
0x8: {  	[smem:$0x3FAD] =	sst s0  }
0x9: {  	[smem:$0x3FAE] =	sst s1  }
0xa: {  	[smem:$0x3FAF] =	sst s2  }
0xb: {  	[smem:$0x3FB0] =	sst s3  }
0xc: {  	[smem:$0x3FB1] =	sst s4  }
0xd: {  	[smem:$0x3FB2] =	sst s5  }
0xe: {  	[smem:$0x3FB3] =	sst s6  }
0xf: {  	[smem:$0x3FB4] =	sst s7  }
0x10: {  	[smem:$0x3FB5] =	sst s8  }
0x11: {  	[smem:$0x3FB6] =	sst s9;
	s0 =	simm.s32 @!p0 $0x0  }
0x12: {  	s1 =	sld [smem:$0x3F9C];
	s0 =	simm.s32 @p0 $0x1  }
0x13: {  	[smem:$0x3FB7] =	sst s0;
	s0 =	simm.s32 @!p1 $0x0  }
0x14: {  	s2 =	sld [smem:$0x3F9B];
	s0 =	simm.s32 @p1 $0x1  }
0x15: {  	[smem:$0x3FB8] =	sst s0;
	s0 =	simm.s32 @!p2 $0x0  }
0x16: {  	s3 =	sld [smem:$0x3FDB];
	s0 =	simm.s32 @p2 $0x1  }
0x17: {  	s4 =	simm.s32 $0x1BF5;
	[smem:$0x3FBA] =	sst s0  }
0x18: {  	s0 =	sld [smem:$0x3F9D];
	_ =	swait.ge [sflag:s4], $0x0  }
0x19: {  	s7 =	sld [smem:$0x3F9E]  }
0x1a: {  	s8 =	sadd.s32 $0xFFFFE003, lr  }
0x1b: {  	s9 =	sadd.s32 $0xFFFFFEF7, lr;
	s5 =	simm.s32 $0xFFFFFFFF;
	p2 =	slt.u32 s8, $0xFFFFF086  }
0x1c: {  	p1 =	slt.u32 s9, $0xF7A;
	s5 =	simm.s32 @!p2 $0x0  }
0x1d: {  	s5 =	simm.s32 @p1 $0x1;
	p0 =	seq.s32 s7, s2  }
0x1e: {  	s7 =	smul.u32 @!p0 $0xF7A, s2;
	p2 =	seq.s32 @!p0 s5, $0x0  }
0x1f: {  	s9 =	smul.u32 $0xF7A, s1;
	s8 =	simm.s32 @!p0 $0x1BF5;
	p2 =	por !p2, p0  }
0x20: {  	[sflag:s8] =	ssyncset.s32 @!p0 $0xFFFFF086;
	s6 =	sadd.s32 @!p0 s3, s7;
	s7 =	simm.s32 @!p0 $0x108  }
0x21: {  	s3 =	sadd.s32 s3, s9;
	s6 =	sadd.s32 @!p0 $0x88, s6;
	s7 =	simm.s32 @p2 $0x1082  }
0x22: {  	[simem:s7], [sflag:s8] =	dma.local @!p0 [hbm:s6], $0xF7A  }
0x23: {  	s9 =	sor.u32 $0xD0000000, s2;
	s6 =	simm.s32 $0x108;
	_ =	swait.ge @!p0 [sflag:s8], $0x0  }
0x24: {  	s3 =	sadd.s32 $0x88, s3;
	s6 =	simm.s32 @!p1 $0x1082;
	[sflag:s4] =	ssyncset.s32 $0xFFFFF086  }
0x25: {  	[simem:s6], [sflag:s4] =	dma.local [hbm:s3], $0xF7A  }
0x26: {  	[smem:$0x3F9E] =	sst s1;
	(tag) =	ssettag s2;
	_ =	strace s9  }
0x27: {  	s1 =	sld [smem:$0x3FAE]  }
0x28: {  	s2 =	sld [smem:$0x3FAF]  }
0x29: {  	s4 =	sld [smem:$0x3FB1]  }
0x2a: {  	p0 =	seq.s32 s5, $0x0;
	s5 =	sld [smem:$0x3FB2]  }
0x2b: {  	s6 =	sld [smem:$0x3FB3]  }
0x2c: {  	s7 =	sld [smem:$0x3FB4]  }
0x2d: {  	s3 =	simm.s32 $0x108;
	s8 =	sld [smem:$0x3FB5]  }
0x2e: {  	s3 =	simm.s32 @!p0 $0x1082;
	s9 =	sld [smem:$0x3FB6]  }
0x2f: {  	lr =	sadd.s32 s0, s3;
	s0 =	sld [smem:$0x3FAD]  }
0x30: {  	s3 =	sld [smem:$0x3FB0]  }
0x31: {  	[smem:$0x3FB9] =	sst s10  }
0x32: {  	s10 =	sld [smem:$0x3FB7];
	_ =	sdelay $0x3  }
0x33: {  	p0 =	seq.s32 s10, $0x1;
	s10 =	sld [smem:$0x3FB9];
	_ =	sdelay $0x3  }
0x34: {  	[smem:$0x3FB9] =	sst s10  }
0x35: {  	s10 =	sld [smem:$0x3FB8];
	_ =	sdelay $0x3  }
0x36: {  	p1 =	seq.s32 s10, $0x1;
	s10 =	sld [smem:$0x3FB9];
	_ =	sdelay $0x3  }
0x37: {  	[smem:$0x3FB9] =	sst s10  }
0x38: {  	s10 =	sld [smem:$0x3FBA]  }
0x39: {  	_ = 	snop;
	(pc) =	sbr.ind lr, $3  }
0x3a: {  	_ = 	snop  }
0x3b: {  	_ = 	snop  }
0x3c: {  	p2 =	seq.s32 s10, $0x1;
	s10 =	sld [smem:$0x3FB9]  }
0x3d: {  	_ =	shalt  }
0x3e: {  	_ =	shalt  }
0x3f: {  	_ =	shalt  }
0x40: {  	_ =	shalt  }
0x41: {  	_ =	shalt  }
0x42: {  	_ =	shalt  }
0x43: {  	_ =	shalt  }
0x44: {  	_ =	shalt  }
0x45: {  	_ =	shalt  }
0x46: {  	_ =	shalt  }
0x47: {  	_ =	shalt  }
0x48: {  	_ =	shalt  }
0x49: {  	_ =	shalt  }
0x4a: {  	_ =	shalt  }
0x4b: {  	_ =	shalt  }
0x4c: {  	_ =	shalt  }
0x4d: {  	_ =	shalt  }
0x4e: {  	_ =	shalt  }
0x4f: {  	_ =	shalt  }
0x50: {  	_ =	shalt  }
0x51: {  	_ =	shalt  }
0x52: {  	_ =	shalt  }
0x53: {  	_ =	shalt  }
0x54: {  	_ =	shalt  }
0x55: {  	_ =	shalt  }
0x56: {  	_ =	shalt  }
0x57: {  	_ =	shalt  }
0x58: {  	_ =	shalt  }
0x59: {  	_ =	shalt  }
0x5a: {  	_ =	shalt  }
0x5b: {  	_ =	shalt  }
0x5c: {  	_ =	shalt  }
0x5d: {  	_ =	shalt  }
0x5e: {  	_ =	shalt  }
0x5f: {  	_ =	shalt  }
0x60: {  	_ =	shalt  }
0x61: {  	_ =	shalt  }
0x62: {  	_ =	shalt  }
0x63: {  	_ =	shalt  }
0x64: {  	_ =	shalt  }
0x65: {  	_ =	shalt  }
0x66: {  	_ =	shalt  }
0x67: {  	_ =	shalt  }
0x68: {  	_ =	shalt  }
0x69: {  	_ =	shalt  }
0x6a: {  	_ =	shalt  }
0x6b: {  	_ =	shalt  }
0x6c: {  	_ =	shalt  }
0x6d: {  	_ =	shalt  }
0x6e: {  	_ =	shalt  }
0x6f: {  	_ =	shalt  }
0x70: {  	_ =	shalt  }
0x71: {  	_ =	shalt  }
0x72: {  	_ =	shalt  }
0x73: {  	_ =	shalt  }
0x74: {  	_ =	shalt  }
0x75: {  	_ =	shalt  }
0x76: {  	_ =	shalt  }
0x77: {  	_ =	shalt  }
0x78: {  	_ =	shalt  }
0x79: {  	_ =	shalt  }
0x7a: {  	_ =	shalt  }
0x7b: {  	_ =	shalt  }
0x7c: {  	_ =	shalt  }
0x7d: {  	_ =	shalt  }
0x7e: {  	_ =	shalt  }
0x7f: {  	_ =	shalt  }
0x80: {  	_ =	shalt  }
0x81: {  	_ =	shalt  }
0x82: {  	_ =	shalt  }
0x83: {  	_ =	shalt  }
0x84: {  	_ =	shalt  }
0x85: {  	_ =	shalt  }
0x86: {  	_ =	shalt  }
0x87: {  	_ =	shalt  }
.Lfunc_end0:
.L_simem_size_0:
called_computation_lowered:
.L_overlay_start_0:
0x88: {  	s2 =	sld [smem:$0x3FD9]  }
0x89: {  	s3 =	sld [smem:$0x3FFE];
	_ =	sdelay $0x1  }
0x8a: {  	s1 =	srdreg.scid  }
0x8b: {  	s0 =	sand.u32 $0x1, s1  }
0x8c: {  	s16 =	sshll.u32 s0, $0xA;
	s2 =	sadd.s32 s3, s2  }
0x8d: {  	s2 =	sadd.s32 s2, s16  }
0x8e: {  	[smem:$0x3FC5] =	sst s2  }
0x8f: {  	_ = 	snop  }
0x90: {  	(tm) =	ssettm $0x1  }
0x91: {  	s17 =	sld [smem:$0x3FFB];
	_ =	sdelay $0x3  }
0x92: {  	_ =	strace s17  }
0x93: {  	s2 =	sld [smem:$0x3FFC];
	_ =	sdelay $0x3  }
0x94: {  	_ =	strace s2  }
0x95: {  	s2 =	sld [smem:$0x3FFD];
	_ =	sdelay $0x3  }
0x96: {  	_ =	strace s2  }
0x97: {  	_ =	strace $0x8FFFFFFF  }
0x98: {  	s18 =	sld [smem:$0x3FDB];
	_ =	sdelay $0x1  }
0x99: {  	s19 =	simm.s32 $_scs_section_size  }
0x9a: {  	s4 =	simm.s32 $_size__tile_overlayer_lowered;
	s5 =	simm.s32 $_tile_overlayer_lowered  }
0x9b: {  	s22 =	simm.s32 $0x1BFF;
	s21 =	sshll.u32 s5, $0x1;
	s2 =	sadd.s32 s19, s18  }
0x9c: {  	s6 =	simm.s32 $0x0;
	s20 =	sshll.u32 s4, $0x1;
	s4 =	sadd.s32 s21, s2  }
0x9d: {  	[timem:s6], [sflag:s22] =	dma.local [hbm:s4], s20  }
0x9e: {  	_ =	swait.ge [sflag:s22], s20  }
0x9f: {  	s3 =	ssub.s32 $0x0, s20;
	[sflag:s22] =	ssyncset.done $0x0  }
0xa0: {  	[sflag:s22] =	ssyncadd.s32 s3;
	_ =	sdelay $0x1  }
0xa1: {  	s23 =	simm.s32 $0x1B8B  }
0xa2: {  	_ =	swait.ge [sflag:s23], $0x1  }
0xa3: {  	[sflag:s23] =	ssyncset.done $0x0  }
0xa4: {  	s25 =	simm.s32 $0x1B8E;
	s24 =	sld [smem:$0x3FFE];
	[sflag:s23] =	ssyncadd.s32 $0xFFFFFFFF  }
0xa5: {  	s26 =	simm.s32 $execute0_lowered;
	[smem:$0x3FD2] =	sst s25  }
0xa6: {  	s4 =	sshll.u32 s26, $0x1;
	_ =	strace $0x80000046;
	[dreg:$0x1] =	wrdreg $0xFFFFFFFF  }
0xa7: {  	s28 =	simm.s32 $_size_execute0_lowered;
	s2 =	sadd.s32 s2, s4;
	[dreg:$0x0] =	wrdreg $0x0  }
0xa8: {  	s4 =	sshll.u32 s28, $0x1;
	[dreg:$0x2] =	wrdreg s2  }
0xa9: {  	[dreg:$0x3] =	wrdreg s4  }
0xaa: {  	[dreg:$0x4] =	wrdreg $0xC0  }
0xab: {  	_ =	task [dreg:s6], $0x5FFFF  }
0xac: {  	[dreg:$0x1] =	wrdreg $0xFFFFFFFF  }
0xad: {  	[dreg:$0x0] =	wrdreg $0x60  }
0xae: {  	[dreg:$0x2] =	wrdreg s24  }
0xaf: {  	[dreg:$0x3] =	wrdreg $0x9  }
0xb0: {  	_ =	task.clear_ibuf [dreg:s6], $0x4FFFF;
	_ =	strace $0x90000046  }
0xb1: {  	s29 =	simm.s32 $0x9;
	_ =	strace $0x80000048  }
0xb2: {  	_ =	swait.ge [sflag:s29], $0x1  }
0xb3: {  	[sflag:s29] =	ssyncadd.s32 $0xFFFFFFFF  }
0xb4: {  	_ =	strace $0x90000048  }
0xb5: {  	_ =	sfence  }
0xb6: {  	s30 =	sld [smem:$0x0];
	_ =	sdelay $0x2  }
0xb7: {  	s31 =	sshll.u32 s1, $0xD;
	s1 =	sshrl.u32 s1, $0x2  }
0xb8: {  	s3 =	sand.u32 $0x4000, s31;
	s1 =	sadd.s32 s1, s30  }
0xb9: {  	s0 =	sor.u32 s3, s0;
	s1 =	sshll.u32 s1, $0x11  }
0xba: {  	s0 =	sor.u32 s1, s0  }
0xbb: {  	s0 =	sadd.s32 $0x8F2B, s0  }
0xbc: {  	[sflag:s0] =	ssyncadd.remote.s32 $0x1  }
0xbd: {  	_ =	sfence.sel $0xFFFF  }
0xbe: {  	[dreg:$0x0] =	wrdreg $0xFFFFFFFF;
	(pc) =	sbr.abs _section_cstart, $3  }
0xbf: {  	[dreg:$0x1] =	wrdreg $0xFFFFFFFF  }
0xc0: {  	_ =	task.clear_ibuf [dreg:s6], $0x2FFFF;
	_ =	strace $0x9FFFFFFF  }
0xc1: {  	(tm) =	ssettm $0x7FFFFFFF  }
tec
execute0_lowered:
.L_overlay_start_1:
0x0: {  	(tag) =	ssettag $0x1  }
0x1: {  	v0 =	vlaneseq.u32  }
0x2: {  	v0 =	vmul.u32 $0x8, v0;
	_ =	sdelay $0x1  }
0x3: {  	v1 =	vor.u32 $0x1, v0  }
0x4: {  	v63 =	vor.u32 $0x2, v0;
	[tilespmem:$0x1FC00] =	vst v1  }
0x5: {  	v4 =	vor.u32 $0x80, v0;
	[tilespmem:$0x1FC10] =	vst v63  }
0x6: {  	v5 =	vor.u32 $0x81, v0;
	[tilespmem:$0x1FC20] =	vst v4  }
0x7: {  	v6 =	vor.u32 $0x82, v0;
	[tilespmem:$0x1FC30] =	vst v5  }
0x8: {  	v7 =	vor.u32 $0x100, v0;
	[tilespmem:$0x1FC40] =	vst v6  }
0x9: {  	v8 =	vor.u32 $0x101, v0;
	[tilespmem:$0x1FC50] =	vst v7  }
0xa: {  	v9 =	vor.u32 $0x102, v0;
	[tilespmem:$0x1FC60] =	vst v8  }
0xb: {  	v10 =	vor.u32 $0x180, v0;
	[tilespmem:$0x1FC70] =	vst v9  }
0xc: {  	v11 =	vor.u32 $0x181, v0;
	[tilespmem:$0x1FC80] =	vst v10  }
0xd: {  	v12 =	vor.u32 $0x182, v0;
	[tilespmem:$0x1FC90] =	vst v11  }
0xe: {  	v13 =	vor.u32 $0x200, v0;
	[tilespmem:$0x1FCA0] =	vst v12  }
0xf: {  	v14 =	vor.u32 $0x201, v0;
	[tilespmem:$0x1FCB0] =	vst v13  }
0x10: {  	v15 =	vor.u32 $0x202, v0;
	[tilespmem:$0x1FCC0] =	vst v14  }
0x11: {  	v16 =	vor.u32 $0x280, v0;
	[tilespmem:$0x1FCD0] =	vst v15  }
0x12: {  	v17 =	vor.u32 $0x281, v0;
	[tilespmem:$0x1FCE0] =	vst v16  }
0x13: {  	v18 =	vor.u32 $0x282, v0;
	[tilespmem:$0x1FCF0] =	vst v17  }
0x14: {  	v19 =	vor.u32 $0x300, v0;
	[tilespmem:$0x1FD00] =	vst v18  }
0x15: {  	v20 =	vor.u32 $0x301, v0;
	[tilespmem:$0x1FD10] =	vst v19  }
0x16: {  	v21 =	vor.u32 $0x302, v0;
	[tilespmem:$0x1FD20] =	vst v20  }
0x17: {  	s2 =	simm.s32 $0x0;
	v22 =	vor.u32 $0x380, v0;
	[tilespmem:$0x1FD30] =	vst v21  }
0x18: {  	[smem:$0x7FF] =	sst s2;
	v23 =	vor.u32 $0x381, v0;
	[tilespmem:$0x1FD40] =	vst v22  }
0x19: {  	s0 =	rddreg [dreg:$0x0];
	v24 =	vor.u32 $0x382, v0;
	_ =	strace $0x80000047;
	[tilespmem:$0x1FD50] =	vst v23  }
0x1a: {  	v25 =	vor.u32 $0x400, v0;
	[tilespmem:$0x1FD60] =	vst v24  }
0x1b: {  	v26 =	vor.u32 $0x401, v0;
	[tilespmem:$0x1FD70] =	vst v25  }
0x1c: {  	v27 =	vor.u32 $0x402, v0;
	[tilespmem:$0x1FD80] =	vst v26  }
0x1d: {  	v28 =	vor.u32 $0x480, v0;
	[tilespmem:$0x1FD90] =	vst v27  }
0x1e: {  	v29 =	vor.u32 $0x481, v0;
	[tilespmem:$0x1FDA0] =	vst v28  }
0x1f: {  	v30 =	vor.u32 $0x482, v0;
	[tilespmem:$0x1FDB0] =	vst v29  }
0x20: {  	v31 =	vor.u32 $0x500, v0;
	[tilespmem:$0x1FDC0] =	vst v30  }
0x21: {  	v32 =	vor.u32 $0x501, v0;
	[tilespmem:$0x1FDD0] =	vst v31  }
0x22: {  	v33 =	vor.u32 $0x502, v0;
	[tilespmem:$0x1FDE0] =	vst v32  }
0x23: {  	v34 =	vor.u32 $0x580, v0;
	[tilespmem:$0x1FDF0] =	vst v33  }
0x24: {  	v35 =	vor.u32 $0x581, v0;
	[tilespmem:$0x1FE00] =	vst v34  }
0x25: {  	v36 =	vor.u32 $0x582, v0;
	[tilespmem:$0x1FE10] =	vst v35  }
0x26: {  	v37 =	vor.u32 $0x600, v0;
	[tilespmem:$0x1FE20] =	vst v36  }
0x27: {  	v38 =	vor.u32 $0x601, v0;
	[tilespmem:$0x1FE30] =	vst v37  }
0x28: {  	v39 =	vor.u32 $0x602, v0;
	[tilespmem:$0x1FE40] =	vst v38  }
0x29: {  	v40 =	vor.u32 $0x680, v0;
	[tilespmem:$0x1FE50] =	vst v39  }
0x2a: {  	v41 =	vor.u32 $0x681, v0;
	[tilespmem:$0x1FE60] =	vst v40  }
0x2b: {  	v42 =	vor.u32 $0x682, v0;
	[tilespmem:$0x1FE70] =	vst v41  }
0x2c: {  	v43 =	vor.u32 $0x700, v0;
	[tilespmem:$0x1FE80] =	vst v42  }
0x2d: {  	v44 =	vor.u32 $0x701, v0;
	[tilespmem:$0x1FE90] =	vst v43  }
0x2e: {  	v45 =	vor.u32 $0x702, v0;
	[tilespmem:$0x1FEA0] =	vst v44  }
0x2f: {  	v46 =	vor.u32 $0x780, v0;
	[tilespmem:$0x1FEB0] =	vst v45  }
0x30: {  	v47 =	vor.u32 $0x781, v0;
	[tilespmem:$0x1FEC0] =	vst v46  }
0x31: {  	v48 =	vor.u32 $0x782, v0;
	[tilespmem:$0x1FED0] =	vst v47  }
0x32: {  	v49 =	vor.u32 $0x800, v0;
	[tilespmem:$0x1FEE0] =	vst v48  }
0x33: {  	v50 =	vor.u32 $0x801, v0;
	[tilespmem:$0x1FEF0] =	vst v49  }
0x34: {  	v51 =	vor.u32 $0x802, v0;
	[tilespmem:$0x1FF00] =	vst v50  }
0x35: {  	v52 =	vor.u32 $0x880, v0;
	[tilespmem:$0x1FF10] =	vst v51  }
0x36: {  	s1 =	srdreg.scid;
	v53 =	vor.u32 $0x881, v0;
	[tilespmem:$0x1FF20] =	vst v52  }
0x37: {  	s3 =	stileid.u32;
	s8 =	simm.s32 $0x2;
	s9 =	simm.s32 $0x80;
	v54 =	vor.u32 $0x882, v0;
	[tilespmem:$0x1FF30] =	vst v53  }
0x38: {  	s11 =	simm.s32 $0x1600;
	s13 =	simm.s32 $0x5600;
	s15 =	simm.s32 $0x9600;
	v55 =	vor.u32 $0x900, v0;
	[tilespmem:$0x1FF40] =	vst v54  }
0x39: {  	s19 =	simm.s32 $0x6600;
	s20 =	simm.s32 $0x1480;
	s21 =	simm.s32 $0xA600;
	v56 =	vor.u32 $0x901, v0;
	[tilespmem:$0x1FF50] =	vst v55  }
0x3a: {  	s22 =	simm.s32 $0x1100;
	s23 =	simm.s32 $0x3600;
	s24 =	simm.s32 $0x1300;
	v57 =	vor.u32 $0x902, v0;
	[tilespmem:$0x1FF60] =	vst v56  }
0x3b: {  	s25 =	simm.s32 $0x7600;
	s28 =	simm.s32 $0xB600;
	s29 =	simm.s32 $0x1180;
	v58 =	vor.u32 $0x980, v0;
	[tilespmem:$0x1FF70] =	vst v57  }
0x3c: {  	s30 =	simm.s32 $0x4600;
	s31 =	simm.s32 $0x1380;
	s10 =	simm.s32 $0xC600;
	v59 =	vor.u32 $0x981, v0;
	[tilespmem:$0x1FF80] =	vst v58  }
0x3d: {  	s12 =	simm.s32 $0x1;
	s14 =	simm.s32 $0xD600;
	s1 =	sand.u32 $0x1, s1;
	v60 =	vor.u32 $0x982, v0;
	[tilespmem:$0x1FF90] =	vst v59  }
0x3e: {  	s16 =	simm.s32 $0x0;
	s3 =	sshll.u32 s3, $0xA;
	s4 =	sshll.u32 s1, $0x9;
	v61 =	vor.u32 $0xA00, v0;
	[tilespmem:$0x1FFA0] =	vst v60  }
0x3f: {  	s1 =	ssub.s32 $0x2, s1;
	s4 =	sor.u32 s4, s3;
	s3 =	sadd.s32 $0x1313800, s0;
	v62 =	vor.u32 $0xA01, v0;
	[tilespmem:$0x1FFB0] =	vst v61  }
0x40: {  	s26 =	sshrl.u32 s1, $0x1;
	s5 =	sadd.s32 s4, s0;
	s6 =	sshrl.u32 s4, $0x3;
	v63 =	vor.u32 $0xA02, v0;
	[tilespmem:$0x1FFC0] =	vst v62  }
0x41: {  	s4 =	sadd.s32 $0xF42E00, s0;
	s1 =	ssub.s32 s1, s26;
	s26 =	simm.s32 $0x1500;
	[tilespmem:$0x1FFD0] =	vst v63  }
0x42: {  	s0 =	sadd.s32 s6, s0;
	s5 =	sadd.s32 $0x800, s5;
	s7 =	smax.u32 s1, $0x1;
	[tilespmem:$0x1FFE0] =	vst v0;
	v0 =	vor.u32 $0xA80, v0  }
0x43: {  	s1 =	simm.s32 $0x1580;
	s6 =	sadd.s32 $0x4800, s0;
	s0 =	simm.s32 $0x8600;
	[tilespmem:$0x1FFF0] =	vst v0  }
.LBB2_1:
0x44: {  	[tilespmem:s2], [sflag:$0x2] =	stream.linear.gather [hbm4b:s5+s2], $0x1000, $0x38;
	[tilespmem:$0xD800] =	vst v63  }
0x45: {  	_ =	swait.ge [sflag:s8], $0x1000  }
0x46: {  	v0 =	vld [tilespmem:$0x1FFE0];
	_ =	sdelay $0x5  }
0x47: {  	[sflag:s8] =	ssyncset.done $0x0;
	v1 =	vld [tilespmem:$0x1FC00]  }
0x48: {  	[sflag:s8] =	ssyncadd.s32 $0xFFFFF000  }
0x49: {  	v2 =	vld.idx.msk [tilespmem:v0+s2+$0x0], $0xffff;
	_ =	sdelay $0x3  }
0x4a: {  	v59 =	vld [tilespmem:$0x1FC10]  }
0x4b: {  	[tilespmem:$0x1000] =	vst v2  }
0x4c: {  	v2 =	vld.idx.msk [tilespmem:v1+s2+$0x0], $0xffff;
	_ =	sdelay $0x3  }
0x4d: {  	v60 =	vld [tilespmem:$0x1FC20]  }
0x4e: {  	[tilespmem:$0x1200] =	vst v2  }
0x4f: {  	v2 =	vld.idx.msk [tilespmem:v59+s2+$0x0], $0xffff;
	_ =	sdelay $0x3  }
0x50: {  	v61 =	vld [tilespmem:$0x1FC30]  }
0x51: {  	[tilespmem:$0x1400] =	vst v2  }
0x52: {  	v2 =	vld.idx.msk [tilespmem:v60+s2+$0x0], $0xffff;
	_ =	sdelay $0x3  }
0x53: {  	v62 =	vld [tilespmem:$0x1FC40]  }
0x54: {  	[tilespmem:$0x1010] =	vst v2  }
0x55: {  	v2 =	vld.idx.msk [tilespmem:v61+s2+$0x0], $0xffff;
	_ =	sdelay $0x3  }
0x56: {  	v63 =	vld [tilespmem:$0x1FC50]  }
0x57: {  	[tilespmem:$0x1210] =	vst v2  }
0x58: {  	v2 =	vld.idx.msk [tilespmem:v62+s2+$0x0], $0xffff;
	_ =	sdelay $0x3  }
0x59: {  	v32 =	vld [tilespmem:$0x1FC60]  }
0x5a: {  	[tilespmem:$0x1410] =	vst v2  }
0x5b: {  	v2 =	vld.idx.msk [tilespmem:v63+s2+$0x0], $0xffff;
	_ =	sdelay $0x3  }
0x5c: {  	v33 =	vld [tilespmem:$0x1FC70]  }
0x5d: {  	[tilespmem:$0x1020] =	vst v2  }
0x5e: {  	v2 =	vld.idx.msk [tilespmem:v32+s2+$0x0], $0xffff;
	_ =	sdelay $0x3  }
0x5f: {  	v34 =	vld [tilespmem:$0x1FC80]  }
0x60: {  	[tilespmem:$0x1220] =	vst v2  }
0x61: {  	v2 =	vld.idx.msk [tilespmem:v33+s2+$0x0], $0xffff;
	_ =	sdelay $0x3  }
0x62: {  	v35 =	vld [tilespmem:$0x1FC90]  }
0x63: {  	[tilespmem:$0x1420] =	vst v2  }
0x64: {  	v2 =	vld.idx.msk [tilespmem:v34+s2+$0x0], $0xffff;
	_ =	sdelay $0x3  }
0x65: {  	v36 =	vld [tilespmem:$0x1FCA0]  }
0x66: {  	[tilespmem:$0x1030] =	vst v2  }
0x67: {  	v2 =	vld.idx.msk [tilespmem:v35+s2+$0x0], $0xffff;
	_ =	sdelay $0x3  }
0x68: {  	v37 =	vld [tilespmem:$0x1FCB0]  }
0x69: {  	[tilespmem:$0x1230] =	vst v2  }
0x6a: {  	v2 =	vld.idx.msk [tilespmem:v36+s2+$0x0], $0xffff;
	_ =	sdelay $0x3  }
0x6b: {  	v38 =	vld [tilespmem:$0x1FCC0]  }
0x6c: {  	[tilespmem:$0x1430] =	vst v2  }
0x6d: {  	v2 =	vld.idx.msk [tilespmem:v37+s2+$0x0], $0xffff;
	_ =	sdelay $0x3  }
0x6e: {  	v39 =	vld [tilespmem:$0x1FCD0]  }
0x6f: {  	[tilespmem:$0x1040] =	vst v2  }
0x70: {  	v2 =	vld.idx.msk [tilespmem:v38+s2+$0x0], $0xffff;
	_ =	sdelay $0x3  }
0x71: {  	v40 =	vld [tilespmem:$0x1FCE0]  }
0x72: {  	[tilespmem:$0x1240] =	vst v2  }
0x73: {  	v2 =	vld.idx.msk [tilespmem:v39+s2+$0x0], $0xffff;
	_ =	sdelay $0x3  }
0x74: {  	v41 =	vld [tilespmem:$0x1FCF0]  }
0x75: {  	[tilespmem:$0x1440] =	vst v2  }
0x76: {  	v2 =	vld.idx.msk [tilespmem:v40+s2+$0x0], $0xffff;
	_ =	sdelay $0x3  }
0x77: {  	v42 =	vld [tilespmem:$0x1FD00]  }
0x78: {  	[tilespmem:$0x1050] =	vst v2  }
0x79: {  	v2 =	vld.idx.msk [tilespmem:v41+s2+$0x0], $0xffff;
	_ =	sdelay $0x3  }
0x7a: {  	v43 =	vld [tilespmem:$0x1FD10]  }
0x7b: {  	[tilespmem:$0x1250] =	vst v2  }
0x7c: {  	v2 =	vld.idx.msk [tilespmem:v42+s2+$0x0], $0xffff;
	_ =	sdelay $0x3  }
0x7d: {  	v44 =	vld [tilespmem:$0x1FD20]  }
0x7e: {  	[tilespmem:$0x1450] =	vst v2  }
0x7f: {  	v2 =	vld.idx.msk [tilespmem:v43+s2+$0x0], $0xffff;
	_ =	sdelay $0x3  }
0x80: {  	v45 =	vld [tilespmem:$0x1FD30]  }
0x81: {  	[tilespmem:$0x1060] =	vst v2  }
0x82: {  	v2 =	vld.idx.msk [tilespmem:v44+s2+$0x0], $0xffff;
	_ =	sdelay $0x3  }
0x83: {  	v46 =	vld [tilespmem:$0x1FD40]  }
0x84: {  	[tilespmem:$0x1260] =	vst v2  }
0x85: {  	v2 =	vld.idx.msk [tilespmem:v45+s2+$0x0], $0xffff;
	_ =	sdelay $0x3  }
0x86: {  	v47 =	vld [tilespmem:$0x1FD50]  }
0x87: {  	[tilespmem:$0x1460] =	vst v2  }
0x88: {  	v2 =	vld.idx.msk [tilespmem:v46+s2+$0x0], $0xffff;
	_ =	sdelay $0x3  }
0x89: {  	v48 =	vld [tilespmem:$0x1FD60]  }
0x8a: {  	[tilespmem:$0x1070] =	vst v2  }
0x8b: {  	v2 =	vld.idx.msk [tilespmem:v47+s2+$0x0], $0xffff;
	_ =	sdelay $0x3  }
0x8c: {  	v49 =	vld [tilespmem:$0x1FD70]  }
0x8d: {  	[tilespmem:$0x1270] =	vst v2  }
0x8e: {  	v2 =	vld.idx.msk [tilespmem:v48+s2+$0x0], $0xffff;
	_ =	sdelay $0x3  }
0x8f: {  	v50 =	vld [tilespmem:$0x1FD80]  }
0x90: {  	[tilespmem:$0x1470] =	vst v2  }
0x91: {  	v2 =	vld.idx.msk [tilespmem:v49+s2+$0x0], $0xffff;
	_ =	sdelay $0x3  }
0x92: {  	v51 =	vld [tilespmem:$0x1FD90]  }
0x93: {  	[tilespmem:$0x1080] =	vst v2  }
0x94: {  	v2 =	vld.idx.msk [tilespmem:v50+s2+$0x0], $0xffff;
	_ =	sdelay $0x3  }
0x95: {  	v52 =	vld [tilespmem:$0x1FDA0]  }
0x96: {  	[tilespmem:$0x1280] =	vst v2  }
0x97: {  	v2 =	vld.idx.msk [tilespmem:v51+s2+$0x0], $0xffff;
	_ =	sdelay $0x3  }
0x98: {  	v53 =	vld [tilespmem:$0x1FDB0]  }
0x99: {  	[tilespmem:$0x1480] =	vst v2  }
0x9a: {  	v2 =	vld.idx.msk [tilespmem:v52+s2+$0x0], $0xffff;
	_ =	sdelay $0x3  }
0x9b: {  	v54 =	vld [tilespmem:$0x1FDC0]  }
0x9c: {  	[tilespmem:$0x1090] =	vst v2  }
0x9d: {  	v2 =	vld.idx.msk [tilespmem:v53+s2+$0x0], $0xffff;
	_ =	sdelay $0x3  }
0x9e: {  	v55 =	vld [tilespmem:$0x1FDD0]  }
0x9f: {  	[tilespmem:$0x1290] =	vst v2  }
0xa0: {  	v2 =	vld.idx.msk [tilespmem:v54+s2+$0x0], $0xffff;
	_ =	sdelay $0x3  }
0xa1: {  	v56 =	vld [tilespmem:$0x1FDE0]  }
0xa2: {  	[tilespmem:$0x1490] =	vst v2  }
0xa3: {  	v2 =	vld.idx.msk [tilespmem:v55+s2+$0x0], $0xffff;
	_ =	sdelay $0x3  }
0xa4: {  	v57 =	vld [tilespmem:$0x1FDF0]  }
0xa5: {  	[tilespmem:$0x10A0] =	vst v2  }
0xa6: {  	v2 =	vld.idx.msk [tilespmem:v56+s2+$0x0], $0xffff;
	_ =	sdelay $0x3  }
0xa7: {  	v58 =	vld [tilespmem:$0x1FE00]  }
0xa8: {  	[tilespmem:$0x12A0] =	vst v2  }
0xa9: {  	v2 =	vld.idx.msk [tilespmem:v57+s2+$0x0], $0xffff;
	_ =	sdelay $0x3  }
0xaa: {  	v59 =	vld [tilespmem:$0x1FE10]  }
0xab: {  	[tilespmem:$0x14A0] =	vst v2  }
0xac: {  	v2 =	vld.idx.msk [tilespmem:v58+s2+$0x0], $0xffff;
	_ =	sdelay $0x3  }
0xad: {  	v60 =	vld [tilespmem:$0x1FE20]  }
0xae: {  	[tilespmem:$0x10B0] =	vst v2  }
0xaf: {  	v2 =	vld.idx.msk [tilespmem:v59+s2+$0x0], $0xffff;
	_ =	sdelay $0x3  }
0xb0: {  	v61 =	vld [tilespmem:$0x1FE30]  }
0xb1: {  	[tilespmem:$0x12B0] =	vst v2  }
0xb2: {  	v2 =	vld.idx.msk [tilespmem:v60+s2+$0x0], $0xffff;
	_ =	sdelay $0x3  }
0xb3: {  	v62 =	vld [tilespmem:$0x1FE40]  }
0xb4: {  	[tilespmem:$0x14B0] =	vst v2  }
0xb5: {  	v2 =	vld.idx.msk [tilespmem:v61+s2+$0x0], $0xffff;
	_ =	sdelay $0x3  }
0xb6: {  	v63 =	vld [tilespmem:$0x1FE50]  }
0xb7: {  	[tilespmem:$0x10C0] =	vst v2  }
0xb8: {  	v2 =	vld.idx.msk [tilespmem:v62+s2+$0x0], $0xffff;
	_ =	sdelay $0x3  }
0xb9: {  	v32 =	vld [tilespmem:$0x1FE60]  }
0xba: {  	[tilespmem:$0x12C0] =	vst v2  }
0xbb: {  	v2 =	vld.idx.msk [tilespmem:v63+s2+$0x0], $0xffff;
	_ =	sdelay $0x3  }
0xbc: {  	v33 =	vld [tilespmem:$0x1FE70]  }
0xbd: {  	[tilespmem:$0x14C0] =	vst v2  }
0xbe: {  	v2 =	vld.idx.msk [tilespmem:v32+s2+$0x0], $0xffff;
	_ =	sdelay $0x3  }
0xbf: {  	v34 =	vld [tilespmem:$0x1FE80]  }
0xc0: {  	[tilespmem:$0x10D0] =	vst v2  }
0xc1: {  	v2 =	vld.idx.msk [tilespmem:v33+s2+$0x0], $0xffff;
	_ =	sdelay $0x3  }
0xc2: {  	v35 =	vld [tilespmem:$0x1FE90]  }
0xc3: {  	[tilespmem:$0x12D0] =	vst v2  }
0xc4: {  	v2 =	vld.idx.msk [tilespmem:v34+s2+$0x0], $0xffff;
	_ =	sdelay $0x3  }
0xc5: {  	v36 =	vld [tilespmem:$0x1FEA0]  }
0xc6: {  	[tilespmem:$0x14D0] =	vst v2  }
0xc7: {  	v2 =	vld.idx.msk [tilespmem:v35+s2+$0x0], $0xffff;
	_ =	sdelay $0x3  }
0xc8: {  	v37 =	vld [tilespmem:$0x1FEB0]  }
0xc9: {  	[tilespmem:$0x10E0] =	vst v2  }
0xca: {  	v2 =	vld.idx.msk [tilespmem:v36+s2+$0x0], $0xffff;
	_ =	sdelay $0x3  }
0xcb: {  	v38 =	vld [tilespmem:$0x1FEC0]  }
0xcc: {  	[tilespmem:$0x12E0] =	vst v2  }
0xcd: {  	v2 =	vld.idx.msk [tilespmem:v37+s2+$0x0], $0xffff;
	_ =	sdelay $0x3  }
0xce: {  	v39 =	vld [tilespmem:$0x1FED0]  }
0xcf: {  	[tilespmem:$0x14E0] =	vst v2  }
0xd0: {  	v2 =	vld.idx.msk [tilespmem:v38+s2+$0x0], $0xffff;
	_ =	sdelay $0x3  }
0xd1: {  	v40 =	vld [tilespmem:$0x1FEE0]  }
0xd2: {  	[tilespmem:$0x10F0] =	vst v2  }
0xd3: {  	v2 =	vld.idx.msk [tilespmem:v39+s2+$0x0], $0xffff;
	_ =	sdelay $0x3  }
0xd4: {  	v41 =	vld [tilespmem:$0x1FEF0]  }
0xd5: {  	[tilespmem:$0x12F0] =	vst v2  }
0xd6: {  	v2 =	vld.idx.msk [tilespmem:v40+s2+$0x0], $0xffff;
	_ =	sdelay $0x3  }
0xd7: {  	v42 =	vld [tilespmem:$0x1FF00]  }
0xd8: {  	[tilespmem:$0x14F0] =	vst v2  }
0xd9: {  	v2 =	vld.idx.msk [tilespmem:v41+s2+$0x0], $0xffff;
	_ =	sdelay $0x3  }
0xda: {  	v43 =	vld [tilespmem:$0x1FF10]  }
0xdb: {  	[tilespmem:$0x1100] =	vst v2  }
0xdc: {  	v2 =	vld.idx.msk [tilespmem:v42+s2+$0x0], $0xffff;
	_ =	sdelay $0x3  }
0xdd: {  	v44 =	vld [tilespmem:$0x1FF20]  }
0xde: {  	[tilespmem:$0x1300] =	vst v2  }
0xdf: {  	v2 =	vld.idx.msk [tilespmem:v43+s2+$0x0], $0xffff;
	_ =	sdelay $0x3  }
0xe0: {  	v45 =	vld [tilespmem:$0x1FF30]  }
0xe1: {  	[tilespmem:$0x1500] =	vst v2  }
0xe2: {  	v2 =	vld.idx.msk [tilespmem:v44+s2+$0x0], $0xffff;
	_ =	sdelay $0x3  }
0xe3: {  	v46 =	vld [tilespmem:$0x1FF40]  }
0xe4: {  	[tilespmem:$0x1110] =	vst v2  }
0xe5: {  	v2 =	vld.idx.msk [tilespmem:v45+s2+$0x0], $0xffff;
	_ =	sdelay $0x3  }
0xe6: {  	v47 =	vld [tilespmem:$0x1FF50]  }
0xe7: {  	[tilespmem:$0x1310] =	vst v2  }
0xe8: {  	v2 =	vld.idx.msk [tilespmem:v46+s2+$0x0], $0xffff;
	_ =	sdelay $0x3  }
0xe9: {  	v48 =	vld [tilespmem:$0x1FF60]  }
0xea: {  	[tilespmem:$0x1510] =	vst v2  }
0xeb: {  	v2 =	vld.idx.msk [tilespmem:v47+s2+$0x0], $0xffff;
	_ =	sdelay $0x3  }
0xec: {  	v49 =	vld [tilespmem:$0x1FF70]  }
0xed: {  	[tilespmem:$0x1120] =	vst v2  }
0xee: {  	v2 =	vld.idx.msk [tilespmem:v48+s2+$0x0], $0xffff;
	_ =	sdelay $0x3  }
0xef: {  	v50 =	vld [tilespmem:$0x1FF80]  }
0xf0: {  	[tilespmem:$0x1320] =	vst v2  }
0xf1: {  	v2 =	vld.idx.msk [tilespmem:v49+s2+$0x0], $0xffff;
	_ =	sdelay $0x3  }
0xf2: {  	v51 =	vld [tilespmem:$0x1FF90]  }
0xf3: {  	[tilespmem:$0x1520] =	vst v2  }
0xf4: {  	v2 =	vld.idx.msk [tilespmem:v50+s2+$0x0], $0xffff;
	_ =	sdelay $0x3  }
0xf5: {  	v52 =	vld [tilespmem:$0x1FFA0]  }
0xf6: {  	[tilespmem:$0x1130] =	vst v2  }
0xf7: {  	v2 =	vld.idx.msk [tilespmem:v51+s2+$0x0], $0xffff;
	_ =	sdelay $0x3  }
0xf8: {  	v53 =	vld [tilespmem:$0x1FFB0]  }
0xf9: {  	[tilespmem:$0x1330] =	vst v2  }
0xfa: {  	v2 =	vld.idx.msk [tilespmem:v52+s2+$0x0], $0xffff;
	_ =	sdelay $0x3  }
0xfb: {  	v54 =	vld [tilespmem:$0x1FFC0]  }
0xfc: {  	[tilespmem:$0x1530] =	vst v2  }
0xfd: {  	v2 =	vld.idx.msk [tilespmem:v53+s2+$0x0], $0xffff;
	_ =	sdelay $0x3  }
0xfe: {  	v55 =	vld [tilespmem:$0x1FFD0]  }
0xff: {  	[tilespmem:$0x1140] =	vst v2  }
0x100: {  	v2 =	vld.idx.msk [tilespmem:v54+s2+$0x0], $0xffff;
	_ =	sdelay $0x3  }
0x101: {  	v56 =	vld [tilespmem:$0x1FFF0]  }
0x102: {  	[tilespmem:$0x1340] =	vst v2  }
0x103: {  	v2 =	vld.idx.msk [tilespmem:v55+s2+$0x0], $0xffff;
	_ =	sdelay $0x4  }
0x104: {  	[tilespmem:$0x1540] =	vst v2  }
0x105: {  	v2 =	vld.idx.msk [tilespmem:v56+s2+$0x0], $0xffff  }
0x106: {  	v3 =	vor.u32 $0xA81, v0;
	_ =	sdelay $0x3  }
0x107: {  	[tilespmem:$0x1150] =	vst v2  }
0x108: {  	v2 =	vld.idx.msk [tilespmem:v3+s2+$0x0], $0xffff  }
0x109: {  	v3 =	vor.u32 $0xA82, v0;
	_ =	sdelay $0x3  }
0x10a: {  	[tilespmem:$0x1350] =	vst v2  }
0x10b: {  	v2 =	vld.idx.msk [tilespmem:v3+s2+$0x0], $0xffff  }
0x10c: {  	v3 =	vor.u32 $0xB00, v0;
	_ =	sdelay $0x3  }
0x10d: {  	[tilespmem:$0x1550] =	vst v2  }
0x10e: {  	v2 =	vld.idx.msk [tilespmem:v3+s2+$0x0], $0xffff  }
0x10f: {  	v3 =	vor.u32 $0xB01, v0;
	_ =	sdelay $0x3  }
0x110: {  	[tilespmem:$0x1160] =	vst v2  }
0x111: {  	v2 =	vld.idx.msk [tilespmem:v3+s2+$0x0], $0xffff  }
0x112: {  	v3 =	vor.u32 $0xB02, v0;
	_ =	sdelay $0x3  }
0x113: {  	[tilespmem:$0x1360] =	vst v2  }
0x114: {  	v2 =	vld.idx.msk [tilespmem:v3+s2+$0x0], $0xffff  }
0x115: {  	v3 =	vor.u32 $0xB80, v0;
	_ =	sdelay $0x3  }
0x116: {  	[tilespmem:$0x1560] =	vst v2  }
0x117: {  	v2 =	vld.idx.msk [tilespmem:v3+s2+$0x0], $0xffff  }
0x118: {  	v3 =	vor.u32 $0xB81, v0;
	_ =	sdelay $0x3  }
0x119: {  	[tilespmem:$0x1170] =	vst v2  }
0x11a: {  	v2 =	vld.idx.msk [tilespmem:v3+s2+$0x0], $0xffff  }
0x11b: {  	v3 =	vor.u32 $0xB82, v0;
	_ =	sdelay $0x3  }
0x11c: {  	[tilespmem:$0x1370] =	vst v2  }
0x11d: {  	v2 =	vld.idx.msk [tilespmem:v3+s2+$0x0], $0xffff  }
0x11e: {  	v3 =	vor.u32 $0xC00, v0;
	_ =	sdelay $0x3  }
0x11f: {  	[tilespmem:$0x1570] =	vst v2  }
0x120: {  	v2 =	vld.idx.msk [tilespmem:v3+s2+$0x0], $0xffff  }
0x121: {  	v3 =	vor.u32 $0xC01, v0;
	_ =	sdelay $0x3  }
0x122: {  	[tilespmem:$0x1180] =	vst v2  }
0x123: {  	v2 =	vld.idx.msk [tilespmem:v3+s2+$0x0], $0xffff  }
0x124: {  	v3 =	vor.u32 $0xC02, v0;
	_ =	sdelay $0x3  }
0x125: {  	[tilespmem:$0x1380] =	vst v2  }
0x126: {  	v2 =	vld.idx.msk [tilespmem:v3+s2+$0x0], $0xffff  }
0x127: {  	v3 =	vor.u32 $0xC80, v0;
	_ =	sdelay $0x3  }
0x128: {  	[tilespmem:$0x1580] =	vst v2  }
0x129: {  	v2 =	vld.idx.msk [tilespmem:v3+s2+$0x0], $0xffff  }
0x12a: {  	v3 =	vor.u32 $0xC81, v0;
	_ =	sdelay $0x3  }
0x12b: {  	[tilespmem:$0x1190] =	vst v2  }
0x12c: {  	v2 =	vld.idx.msk [tilespmem:v3+s2+$0x0], $0xffff  }
0x12d: {  	v3 =	vor.u32 $0xC82, v0;
	_ =	sdelay $0x3  }
0x12e: {  	[tilespmem:$0x1390] =	vst v2  }
0x12f: {  	v2 =	vld.idx.msk [tilespmem:v3+s2+$0x0], $0xffff  }
0x130: {  	v3 =	vor.u32 $0xD00, v0;
	_ =	sdelay $0x3  }
0x131: {  	[tilespmem:$0x1590] =	vst v2  }
0x132: {  	v2 =	vld.idx.msk [tilespmem:v3+s2+$0x0], $0xffff  }
0x133: {  	v3 =	vor.u32 $0xD01, v0;
	_ =	sdelay $0x3  }
0x134: {  	[tilespmem:$0x11A0] =	vst v2  }
0x135: {  	v2 =	vld.idx.msk [tilespmem:v3+s2+$0x0], $0xffff  }
0x136: {  	v3 =	vor.u32 $0xD02, v0;
	_ =	sdelay $0x3  }
0x137: {  	[tilespmem:$0x13A0] =	vst v2  }
0x138: {  	v2 =	vld.idx.msk [tilespmem:v3+s2+$0x0], $0xffff  }
0x139: {  	v3 =	vor.u32 $0xD80, v0;
	_ =	sdelay $0x3  }
0x13a: {  	[tilespmem:$0x15A0] =	vst v2  }
0x13b: {  	v2 =	vld.idx.msk [tilespmem:v3+s2+$0x0], $0xffff  }
0x13c: {  	v3 =	vor.u32 $0xD81, v0;
	_ =	sdelay $0x3  }
0x13d: {  	[tilespmem:$0x11B0] =	vst v2  }
0x13e: {  	v2 =	vld.idx.msk [tilespmem:v3+s2+$0x0], $0xffff  }
0x13f: {  	v3 =	vor.u32 $0xD82, v0;
	_ =	sdelay $0x3  }
0x140: {  	[tilespmem:$0x13B0] =	vst v2  }
0x141: {  	v2 =	vld.idx.msk [tilespmem:v3+s2+$0x0], $0xffff  }
0x142: {  	v3 =	vor.u32 $0xE00, v0;
	_ =	sdelay $0x3  }
0x143: {  	[tilespmem:$0x15B0] =	vst v2  }
0x144: {  	v2 =	vld.idx.msk [tilespmem:v3+s2+$0x0], $0xffff  }
0x145: {  	v3 =	vor.u32 $0xE01, v0;
	_ =	sdelay $0x3  }
0x146: {  	[tilespmem:$0x11C0] =	vst v2  }
0x147: {  	v2 =	vld.idx.msk [tilespmem:v3+s2+$0x0], $0xffff  }
0x148: {  	v3 =	vor.u32 $0xE02, v0;
	_ =	sdelay $0x3  }
0x149: {  	[tilespmem:$0x13C0] =	vst v2  }
0x14a: {  	v2 =	vld.idx.msk [tilespmem:v3+s2+$0x0], $0xffff  }
0x14b: {  	v3 =	vor.u32 $0xE80, v0;
	_ =	sdelay $0x3  }
0x14c: {  	[tilespmem:$0x15C0] =	vst v2  }
0x14d: {  	v2 =	vld.idx.msk [tilespmem:v3+s2+$0x0], $0xffff  }
0x14e: {  	v3 =	vor.u32 $0xE81, v0;
	_ =	sdelay $0x3  }
0x14f: {  	[tilespmem:$0x11D0] =	vst v2  }
0x150: {  	v2 =	vld.idx.msk [tilespmem:v3+s2+$0x0], $0xffff  }
0x151: {  	v3 =	vor.u32 $0xE82, v0;
	_ =	sdelay $0x3  }
0x152: {  	[tilespmem:$0x13D0] =	vst v2  }
0x153: {  	v2 =	vld.idx.msk [tilespmem:v3+s2+$0x0], $0xffff  }
0x154: {  	v3 =	vor.u32 $0xF00, v0;
	_ =	sdelay $0x3  }
0x155: {  	[tilespmem:$0x15D0] =	vst v2  }
0x156: {  	v2 =	vld.idx.msk [tilespmem:v3+s2+$0x0], $0xffff  }
0x157: {  	v3 =	vor.u32 $0xF01, v0;
	_ =	sdelay $0x3  }
0x158: {  	[tilespmem:$0x11E0] =	vst v2  }
0x159: {  	v2 =	vld.idx.msk [tilespmem:v3+s2+$0x0], $0xffff  }
0x15a: {  	v3 =	vor.u32 $0xF02, v0;
	_ =	sdelay $0x3  }
0x15b: {  	[tilespmem:$0x13E0] =	vst v2  }
0x15c: {  	v2 =	vld.idx.msk [tilespmem:v3+s2+$0x0], $0xffff  }
0x15d: {  	v3 =	vor.u32 $0xF80, v0;
	_ =	sdelay $0x3  }
0x15e: {  	[tilespmem:$0x15E0] =	vst v2  }
0x15f: {  	v2 =	vld.idx.msk [tilespmem:v3+s2+$0x0], $0xffff  }
0x160: {  	v3 =	vor.u32 $0xF81, v0;
	_ =	sdelay $0x3  }
0x161: {  	[tilespmem:$0x11F0] =	vst v2  }
0x162: {  	v2 =	vld.idx.msk [tilespmem:v3+s2+$0x0], $0xffff  }
0x163: {  	v3 =	vor.u32 $0xF82, v0;
	_ =	sdelay $0x3  }
0x164: {  	[tilespmem:$0x13F0] =	vst v2  }
0x165: {  	v2 =	vld.idx.msk [tilespmem:v3+s2+$0x0], $0xffff;
	_ =	sdelay $0x4  }
0x166: {  	s17 =	simm.s32 $0x1000;
	[tilespmem:$0x15F0] =	vst v2  }
0x167: {  	[tilespmem:s11], [sflag:$0x1] =	stream.indirect.gather [hbm4b:s3+s9], $0x20, s17, s9, $0xb8;
	[tilespmem:$0xD800] =	vst v63  }
0x168: {  	s18 =	simm.s32 $0x1200  }
0x169: {  	[tilespmem:s13], [sflag:$0x1] =	stream.indirect.gather [hbm4b:s4+s9], $0x20, s18, s9, $0xb8;
	[tilespmem:$0xD800] =	vst v63  }
0x16a: {  	s18 =	simm.s32 $0x1400  }
0x16b: {  	[tilespmem:s15], [sflag:$0x1] =	stream.indirect.gather [hbm4b:s4+s9], $0x20, s18, s9, $0xb8;
	[tilespmem:$0xD800] =	vst v63  }
0x16c: {  	s17 =	simm.s32 $0x1080;
	s18 =	simm.s32 $0x2600  }
0x16d: {  	[tilespmem:s18], [sflag:$0x1] =	stream.indirect.gather [hbm4b:s3+s9], $0x20, s17, s9, $0xb8;
	[tilespmem:$0xD800] =	vst v63  }
0x16e: {  	s18 =	simm.s32 $0x1280  }
0x16f: {  	[tilespmem:s19], [sflag:$0x1] =	stream.indirect.gather [hbm4b:s4+s9], $0x20, s18, s9, $0xb8;
	[tilespmem:$0xD800] =	vst v63  }
0x170: {  	_ = 	snop  }
0x171: {  	[tilespmem:s21], [sflag:$0x1] =	stream.indirect.gather [hbm4b:s4+s9], $0x20, s20, s9, $0xb8;
	[tilespmem:$0xD800] =	vst v63  }
0x172: {  	_ = 	snop  }
0x173: {  	[tilespmem:s23], [sflag:$0x1] =	stream.indirect.gather [hbm4b:s3+s9], $0x20, s22, s9, $0xb8;
	[tilespmem:$0xD800] =	vst v63  }
0x174: {  	_ = 	snop  }
0x175: {  	[tilespmem:s25], [sflag:$0x1] =	stream.indirect.gather [hbm4b:s4+s9], $0x20, s24, s9, $0xb8;
	[tilespmem:$0xD800] =	vst v63  }
0x176: {  	_ = 	snop  }
0x177: {  	[tilespmem:s28], [sflag:$0x1] =	stream.indirect.gather [hbm4b:s4+s9], $0x20, s26, s9, $0xb8;
	[tilespmem:$0xD800] =	vst v63  }
0x178: {  	_ = 	snop  }
0x179: {  	[tilespmem:s30], [sflag:$0x1] =	stream.indirect.gather [hbm4b:s3+s9], $0x20, s29, s9, $0xb8;
	[tilespmem:$0xD800] =	vst v63  }
0x17a: {  	_ = 	snop  }
0x17b: {  	[tilespmem:s0], [sflag:$0x1] =	stream.indirect.gather [hbm4b:s4+s9], $0x20, s31, s9, $0xb8;
	[tilespmem:$0xD800] =	vst v63  }
0x17c: {  	_ = 	snop  }
0x17d: {  	[tilespmem:s10], [sflag:$0x1] =	stream.indirect.gather [hbm4b:s4+s9], $0x20, s1, s9, $0xb8;
	[tilespmem:$0xD800] =	vst v63  }
0x17e: {  	_ =	swait.ge [sflag:s12], $0x1000  }
0x17f: {  	[sflag:s12] =	ssyncset.done $0x0  }
0x180: {  	[sflag:s12] =	ssyncadd.s32 $0xFFFFF000  }
0x181: {  	_ =	swait.ge [sflag:s12], $0x1000  }
0x182: {  	[sflag:s12] =	ssyncset.done $0x0  }
0x183: {  	[sflag:s12] =	ssyncadd.s32 $0xFFFFF000  }
0x184: {  	_ =	swait.ge [sflag:s12], $0x1000  }
0x185: {  	[sflag:s12] =	ssyncset.done $0x0  }
0x186: {  	[sflag:s12] =	ssyncadd.s32 $0xFFFFF000  }
0x187: {  	_ =	swait.ge [sflag:s12], $0x1000  }
0x188: {  	[sflag:s12] =	ssyncset.done $0x0  }
0x189: {  	[sflag:s12] =	ssyncadd.s32 $0xFFFFF000  }
0x18a: {  	_ =	swait.ge [sflag:s12], $0x1000  }
0x18b: {  	[sflag:s12] =	ssyncset.done $0x0  }
0x18c: {  	[sflag:s12] =	ssyncadd.s32 $0xFFFFF000  }
0x18d: {  	_ =	swait.ge [sflag:s12], $0x1000  }
0x18e: {  	[sflag:s12] =	ssyncset.done $0x0  }
0x18f: {  	[sflag:s12] =	ssyncadd.s32 $0xFFFFF000  }
0x190: {  	_ =	swait.ge [sflag:s12], $0x1000  }
0x191: {  	[sflag:s12] =	ssyncset.done $0x0  }
0x192: {  	[sflag:s12] =	ssyncadd.s32 $0xFFFFF000  }
0x193: {  	_ =	swait.ge [sflag:s12], $0x1000  }
0x194: {  	[sflag:s12] =	ssyncset.done $0x0  }
0x195: {  	[sflag:s12] =	ssyncadd.s32 $0xFFFFF000  }
0x196: {  	_ =	swait.ge [sflag:s12], $0x1000  }
0x197: {  	[sflag:s12] =	ssyncset.done $0x0  }
0x198: {  	[sflag:s12] =	ssyncadd.s32 $0xFFFFF000  }
0x199: {  	v57 =	vlaneseq.u32;
	_ =	swait.ge [sflag:s12], $0x1000  }
0x19a: {  	v3 =	vmov s2;
	v2 =	vmul.u32 $0x20, v57;
	[sflag:s12] =	ssyncset.done $0x0  }
0x19b: {  	v3 =	vshll.u32 v3, $0x5;
	[sflag:s12] =	ssyncadd.s32 $0xFFFFF000  }
0x19c: {  	v8 =	vor.u32 v2, v3;
	_ =	swait.ge [sflag:s12], $0x1000  }
0x19d: {  	v5 =	vor.u32 $0x1E, v8;
	[sflag:s12] =	ssyncset.done $0x0  }
0x19e: {  	v7 =	vor.u32 $0x1D, v8;
	[sflag:s12] =	ssyncadd.s32 $0xFFFFF000  }
0x19f: {  	v10 =	vor.u32 $0x1C, v8;
	_ =	swait.ge [sflag:s12], $0x1000  }
0x1a0: {  	v12 =	vor.u32 $0x1B, v8;
	[sflag:s12] =	ssyncset.done $0x0  }
0x1a1: {  	v14 =	vor.u32 $0x1A, v8;
	[sflag:s12] =	ssyncadd.s32 $0xFFFFF000  }
0x1a2: {  	v15 =	vor.u32 $0x19, v8;
	v58 =	vld.idx.msk [tilespmem:v5+s11+$0x0], $0xffff  }
0x1a3: {  	v17 =	vor.u32 $0x18, v8;
	v59 =	vld.idx.msk [tilespmem:v7+s11+$0x0], $0xffff  }
0x1a4: {  	v19 =	vor.u32 $0x17, v8;
	v6 =	vld.idx.msk [tilespmem:v10+s11+$0x0], $0xffff  }
0x1a5: {  	v21 =	vor.u32 $0x16, v8;
	v9 =	vld.idx.msk [tilespmem:v12+s11+$0x0], $0xffff  }
0x1a6: {  	v23 =	vor.u32 $0x15, v8;
	v11 =	vld.idx.msk [tilespmem:v14+s11+$0x0], $0xffff  }
0x1a7: {  	v25 =	vor.u32 $0x14, v8;
	v13 =	vld.idx.msk [tilespmem:v15+s11+$0x0], $0xffff  }
0x1a8: {  	v27 =	vor.u32 $0x13, v8;
	v16 =	vld.idx.msk [tilespmem:v17+s11+$0x0], $0xffff  }
0x1a9: {  	v29 =	vor.u32 $0x12, v8;
	v18 =	vld.idx.msk [tilespmem:v19+s11+$0x0], $0xffff  }
0x1aa: {  	v30 =	vor.u32 $0x11, v8;
	v20 =	vld.idx.msk [tilespmem:v21+s11+$0x0], $0xffff  }
0x1ab: {  	v31 =	vor.u32 $0x10, v8;
	v22 =	vld.idx.msk [tilespmem:v23+s11+$0x0], $0xffff  }
0x1ac: {  	v32 =	vor.u32 $0xF, v8;
	v24 =	vld.idx.msk [tilespmem:v25+s11+$0x0], $0xffff  }
0x1ad: {  	v33 =	vor.u32 $0xE, v8;
	v26 =	vld.idx.msk [tilespmem:v27+s11+$0x0], $0xffff  }
0x1ae: {  	v34 =	vor.u32 $0xD, v8;
	v28 =	vld.idx.msk [tilespmem:v29+s11+$0x0], $0xffff  }
0x1af: {  	v35 =	vor.u32 $0xC, v8;
	v36 =	vld.idx.msk [tilespmem:v30+s11+$0x0], $0xffff  }
0x1b0: {  	v37 =	vor.u32 $0xB, v8;
	v38 =	vld.idx.msk [tilespmem:v31+s11+$0x0], $0xffff  }
0x1b1: {  	v39 =	vor.u32 $0xA, v8;
	v40 =	vld.idx.msk [tilespmem:v32+s11+$0x0], $0xffff  }
0x1b2: {  	v41 =	vor.u32 $0x9, v8;
	v42 =	vld.idx.msk [tilespmem:v33+s11+$0x0], $0xffff  }
0x1b3: {  	v44 =	vor.u32 $0x4, v8;
	v43 =	vld.idx.msk [tilespmem:v34+s11+$0x0], $0xffff  }
0x1b4: {  	v46 =	vor.u32 $0x3, v8;
	v45 =	vld.idx.msk [tilespmem:v35+s11+$0x0], $0xffff  }
0x1b5: {  	v48 =	vor.u32 $0x2, v8;
	v47 =	vld.idx.msk [tilespmem:v37+s11+$0x0], $0xffff  }
0x1b6: {  	v50 =	vor.u32 $0x1, v8;
	v49 =	vld.idx.msk [tilespmem:v39+s11+$0x0], $0xffff  }
0x1b7: {  	v51 =	vld.idx.msk [tilespmem:v41+s11+$0x0], $0xffff  }
0x1b8: {  	v52 =	vld.idx.msk [tilespmem:v44+s11+$0x0], $0xffff  }
0x1b9: {  	v53 =	vld.idx.msk [tilespmem:v46+s11+$0x0], $0xffff  }
0x1ba: {  	v54 =	vld.idx.msk [tilespmem:v48+s11+$0x0], $0xffff  }
0x1bb: {  	v55 =	vld.idx.msk [tilespmem:v50+s11+$0x0], $0xffff  }
0x1bc: {  	v56 =	vld.idx.msk [tilespmem:v8+s11+$0x0], $0xffff  }
0x1bd: {  	v57 =	vld.idx.msk [tilespmem:v8+s13+$0x0], $0xffff  }
0x1be: {  	v60 =	vld.idx.msk [tilespmem:v48+s13+$0x0], $0xffff  }
0x1bf: {  	v48 =	vld.idx.msk [tilespmem:v48+s15+$0x0], $0xffff  }
0x1c0: {  	v63 =	vld.idx.msk [tilespmem:v46+s13+$0x0], $0xffff  }
0x1c1: {  	v46 =	vld.idx.msk [tilespmem:v46+s15+$0x0], $0xffff  }
0x1c2: {  	v61 =	vor.u32 $0x8, v8;
	v1 =	vld.idx.msk [tilespmem:v44+s13+$0x0], $0xffff  }
0x1c3: {  	v62 =	vor.u32 $0x7, v8;
	v44 =	vld.idx.msk [tilespmem:v44+s15+$0x0], $0xffff  }
0x1c4: {  	[tilespmem:$0x1FBC0] =	vst v58;
	v58 =	vld.idx.msk [tilespmem:v8+s15+$0x0], $0xffff  }
0x1c5: {  	[tilespmem:$0x1FBB0] =	vst v59;
	v59 =	vld.idx.msk [tilespmem:v50+s13+$0x0], $0xffff  }
0x1c6: {  	v50 =	vld.idx.msk [tilespmem:v50+s15+$0x0], $0xffff  }
0x1c7: {  	v0 =	vor.u32 $0x5, v8;
	v4 =	vld.idx.msk [tilespmem:v61+s11+$0x0], $0xffff  }
0x1c8: {  	v3 =	vld.idx.msk [tilespmem:v62+s11+$0x0], $0xffff  }
0x1c9: {  	v1 =	vsub.f32 v1, v44;
	v44 =	vld.idx.msk [tilespmem:v62+s13+$0x0], $0xffff;
	v57 =	vsub.f32 v57, v58  }
0x1ca: {  	v46 =	vsub.f32 v63, v46;
	v63 =	vld.idx.msk [tilespmem:v62+s15+$0x0], $0xffff;
	v58 =	vor.u32 $0x6, v8  }
0x1cb: {  	v62 =	vld.idx.msk [tilespmem:v37+s13+$0x0], $0xffff;
	v50 =	vsub.f32 v59, v50;
	v56 =	vmul.f32 v57, v56  }
0x1cc: {  	v59 =	vld.idx.msk [tilespmem:v0+s13+$0x0], $0xffff  }
0x1cd: {  	v48 =	vsub.f32 v60, v48;
	v57 =	vld.idx.msk [tilespmem:v0+s11+$0x0], $0xffff;
	v50 =	vmul.f32 v50, v55;
	v60 =	vadd.f32 $0.0e+00, v56  }
0x1ce: {  	v0 =	vld.idx.msk [tilespmem:v0+s15+$0x0], $0xffff  }
0x1cf: {  	v48 =	vmul.f32 v48, v54;
	v54 =	vld.idx.msk [tilespmem:v58+s13+$0x0], $0xffff;
	v50 =	vadd.f32 v50, v60  }
0x1d0: {  	v60 =	vld.idx.msk [tilespmem:v58+s15+$0x0], $0xffff  }
0x1d1: {  	v37 =	vld.idx.msk [tilespmem:v37+s15+$0x0], $0xffff;
	v46 =	vmul.f32 v46, v53;
	v48 =	vadd.f32 v48, v50  }
0x1d2: {  	v56 =	vld.idx.msk [tilespmem:v58+s11+$0x0], $0xffff  }
0x1d3: {  	v1 =	vmul.f32 v1, v52;
	v52 =	vld.idx.msk [tilespmem:v61+s15+$0x0], $0xffff;
	v0 =	vsub.f32 v59, v0;
	v46 =	vadd.f32 v46, v48  }
0x1d4: {  	v48 =	vld.idx.msk [tilespmem:v61+s13+$0x0], $0xffff  }
0x1d5: {  	v58 =	vld.idx.msk [tilespmem:v41+s13+$0x0], $0xffff;
	v0 =	vmul.f32 v0, v57;
	v59 =	vsub.f32 v54, v60;
	v1 =	vadd.f32 v1, v46  }
0x1d6: {  	v41 =	vld.idx.msk [tilespmem:v41+s15+$0x0], $0xffff  }
0x1d7: {  	v44 =	vsub.f32 v44, v63;
	v60 =	vld.idx.msk [tilespmem:v39+s13+$0x0], $0xffff;
	v61 =	vmul.f32 v59, v56;
	v0 =	vadd.f32 v0, v1  }
0x1d8: {  	v39 =	vld.idx.msk [tilespmem:v39+s15+$0x0], $0xffff  }
0x1d9: {  	v63 =	vmul.f32 v44, v3;
	v55 =	vld.idx.msk [tilespmem:v34+s13+$0x0], $0xffff;
	v3 =	vsub.f32 v48, v52;
	v0 =	vadd.f32 v61, v0  }
0x1da: {  	v34 =	vld.idx.msk [tilespmem:v34+s15+$0x0], $0xffff  }
0x1db: {  	v52 =	vld.idx.msk [tilespmem:v35+s13+$0x0], $0xffff;
	v53 =	vmul.f32 v3, v4;
	v3 =	vsub.f32 v58, v41;
	v0 =	vadd.f32 v63, v0  }
0x1dc: {  	v4 =	vld.idx.msk [tilespmem:v35+s15+$0x0], $0xffff  }
0x1dd: {  	v57 =	vld.idx.msk [tilespmem:v33+s13+$0x0], $0xffff;
	v56 =	vmul.f32 v3, v51;
	v3 =	vsub.f32 v60, v39;
	v0 =	vadd.f32 v53, v0  }
0x1de: {  	v33 =	vld.idx.msk [tilespmem:v33+s15+$0x0], $0xffff  }
0x1df: {  	v59 =	vld.idx.msk [tilespmem:v32+s13+$0x0], $0xffff;
	v58 =	vmul.f32 v3, v49;
	v3 =	vsub.f32 v62, v37;
	v0 =	vadd.f32 v56, v0  }
0x1e0: {  	v61 =	vld.idx.msk [tilespmem:v31+s13+$0x0], $0xffff  }
0x1e1: {  	v31 =	vld.idx.msk [tilespmem:v31+s15+$0x0], $0xffff;
	v60 =	vmul.f32 v3, v47;
	v3 =	vsub.f32 v52, v4;
	v0 =	vadd.f32 v58, v0  }
0x1e2: {  	v4 =	vld.idx.msk [tilespmem:v32+s15+$0x0], $0xffff  }
0x1e3: {  	v63 =	vld.idx.msk [tilespmem:v30+s13+$0x0], $0xffff;
	v62 =	vmul.f32 v3, v45;
	v3 =	vsub.f32 v55, v34;
	v0 =	vadd.f32 v60, v0  }
0x1e4: {  	v30 =	vld.idx.msk [tilespmem:v30+s15+$0x0], $0xffff  }
0x1e5: {  	v60 =	vld [tilespmem:$0x1FBC0];
	v41 =	vmul.f32 v3, v43;
	v3 =	vsub.f32 v57, v33;
	v0 =	vadd.f32 v62, v0  }
0x1e6: {  	v43 =	vld.idx.msk [tilespmem:v29+s13+$0x0], $0xffff  }
0x1e7: {  	v44 =	vmul.f32 v3, v42;
	v3 =	vsub.f32 v59, v4;
	v4 =	vld.idx.msk [tilespmem:v29+s15+$0x0], $0xffff;
	v0 =	vadd.f32 v41, v0  }
0x1e8: {  	v29 =	vld.idx.msk [tilespmem:v27+s13+$0x0], $0xffff  }
0x1e9: {  	v27 =	vld.idx.msk [tilespmem:v27+s15+$0x0], $0xffff;
	v45 =	vmul.f32 v3, v40;
	v3 =	vsub.f32 v61, v31;
	v0 =	vadd.f32 v44, v0  }
0x1ea: {  	v59 =	vld [tilespmem:$0x1FBB0]  }
0x1eb: {  	v31 =	vld.idx.msk [tilespmem:v25+s13+$0x0], $0xffff;
	v46 =	vmul.f32 v3, v38;
	v3 =	vsub.f32 v63, v30;
	v0 =	vadd.f32 v45, v0  }
0x1ec: {  	v25 =	vld.idx.msk [tilespmem:v25+s15+$0x0], $0xffff  }
0x1ed: {  	v30 =	vld.idx.msk [tilespmem:v23+s13+$0x0], $0xffff;
	v47 =	vmul.f32 v3, v36;
	v3 =	vsub.f32 v43, v4;
	v0 =	vadd.f32 v46, v0  }
0x1ee: {  	v4 =	vld.idx.msk [tilespmem:v23+s15+$0x0], $0xffff  }
0x1ef: {  	v23 =	vld.idx.msk [tilespmem:v21+s13+$0x0], $0xffff;
	v48 =	vmul.f32 v3, v28;
	v3 =	vsub.f32 v29, v27;
	v0 =	vadd.f32 v47, v0  }
0x1f0: {  	v21 =	vld.idx.msk [tilespmem:v21+s15+$0x0], $0xffff  }
0x1f1: {  	v27 =	vld.idx.msk [tilespmem:v19+s13+$0x0], $0xffff;
	v49 =	vmul.f32 v3, v26;
	v3 =	vsub.f32 v31, v25;
	v0 =	vadd.f32 v48, v0  }
0x1f2: {  	v19 =	vld.idx.msk [tilespmem:v19+s15+$0x0], $0xffff  }
0x1f3: {  	v25 =	vld.idx.msk [tilespmem:v17+s13+$0x0], $0xffff;
	v50 =	vmul.f32 v3, v24;
	v3 =	vsub.f32 v30, v4;
	v0 =	vadd.f32 v49, v0  }
0x1f4: {  	v4 =	vld.idx.msk [tilespmem:v17+s15+$0x0], $0xffff  }
0x1f5: {  	v17 =	vld.idx.msk [tilespmem:v15+s13+$0x0], $0xffff;
	v51 =	vmul.f32 v3, v22;
	v3 =	vsub.f32 v23, v21;
	v0 =	vadd.f32 v50, v0  }
0x1f6: {  	v15 =	vld.idx.msk [tilespmem:v15+s15+$0x0], $0xffff  }
0x1f7: {  	v21 =	vld.idx.msk [tilespmem:v14+s13+$0x0], $0xffff;
	v52 =	vmul.f32 v3, v20;
	v3 =	vsub.f32 v27, v19;
	v0 =	vadd.f32 v51, v0  }
0x1f8: {  	v14 =	vld.idx.msk [tilespmem:v14+s15+$0x0], $0xffff  }
0x1f9: {  	v19 =	vld.idx.msk [tilespmem:v12+s13+$0x0], $0xffff;
	v53 =	vmul.f32 v3, v18;
	v3 =	vsub.f32 v25, v4;
	v0 =	vadd.f32 v52, v0  }
0x1fa: {  	v4 =	vld.idx.msk [tilespmem:v12+s15+$0x0], $0xffff  }
0x1fb: {  	v12 =	vld.idx.msk [tilespmem:v10+s13+$0x0], $0xffff;
	v54 =	vmul.f32 v3, v16;
	v3 =	vsub.f32 v17, v15;
	v0 =	vadd.f32 v53, v0  }
0x1fc: {  	v8 =	vor.u32 $0x1F, v8;
	v10 =	vld.idx.msk [tilespmem:v10+s15+$0x0], $0xffff  }
0x1fd: {  	v15 =	vld.idx.msk [tilespmem:v7+s13+$0x0], $0xffff;
	v55 =	vmul.f32 v3, v13;
	v3 =	vsub.f32 v21, v14;
	v0 =	vadd.f32 v54, v0  }
0x1fe: {  	v7 =	vld.idx.msk [tilespmem:v7+s15+$0x0], $0xffff  }
0x1ff: {  	v13 =	vld.idx.msk [tilespmem:v5+s13+$0x0], $0xffff;
	v56 =	vmul.f32 v3, v11;
	v3 =	vsub.f32 v19, v4;
	v0 =	vadd.f32 v55, v0  }
0x200: {  	v4 =	vld.idx.msk [tilespmem:v5+s15+$0x0], $0xffff  }
0x201: {  	v5 =	vld.idx.msk [tilespmem:v8+s13+$0x0], $0xffff;
	v57 =	vmul.f32 v3, v9;
	v3 =	vsub.f32 v12, v10;
	v0 =	vadd.f32 v56, v0  }
0x202: {  	v9 =	vld.idx.msk [tilespmem:v8+s15+$0x0], $0xffff  }
0x203: {  	s18 =	simm.s32 $0x10;
	v58 =	vmul.f32 v3, v6;
	v3 =	vsub.f32 v15, v7;
	v0 =	vadd.f32 v57, v0  }
0x204: {  	v6 =	vld.idx.msk [tilespmem:v8+s11+$0x0], $0xffff;
	v7 =	vmov s18  }
0x205: {  	v1 =	vmul.f32 v3, v59;
	v3 =	vsub.f32 v13, v4;
	v0 =	vadd.f32 v58, v0  }
0x206: {  	v4 =	vshll.u32 v7, $0x5  }
0x207: {  	v0 =	vadd.f32 v1, v0;
	v1 =	vmul.f32 v3, v60;
	v3 =	vsub.f32 v5, v9  }
0x208: {  	v8 =	vor.u32 v2, v4  }
0x209: {  	v4 =	vor.u32 $0x1E, v8;
	v0 =	vadd.f32 v1, v0;
	v61 =	vmul.f32 v3, v6  }
0x20a: {  	v7 =	vor.u32 $0x1D, v8  }
0x20b: {  	v9 =	vor.u32 $0x1C, v8;
	v0 =	vadd.f32 v61, v0  }
0x20c: {  	v12 =	vor.u32 $0x1B, v8  }
0x20d: {  	v14 =	vor.u32 $0x1A, v8;
	[tilespmem:s14+$0x0] =	vst v0  }
0x20e: {  	v15 =	vor.u32 $0x19, v8;
	v63 =	vld.idx.msk [tilespmem:v4+s11+$0x0], $0xffff  }
0x20f: {  	v17 =	vor.u32 $0x18, v8;
	v10 =	vld.idx.msk [tilespmem:v7+s11+$0x0], $0xffff  }
0x210: {  	v19 =	vor.u32 $0x17, v8;
	v0 =	vld.idx.msk [tilespmem:v9+s11+$0x0], $0xffff  }
0x211: {  	v21 =	vor.u32 $0x16, v8;
	v62 =	vld.idx.msk [tilespmem:v12+s11+$0x0], $0xffff  }
0x212: {  	v23 =	vor.u32 $0x15, v8;
	v11 =	vld.idx.msk [tilespmem:v14+s11+$0x0], $0xffff  }
0x213: {  	v25 =	vor.u32 $0x14, v8;
	v13 =	vld.idx.msk [tilespmem:v15+s11+$0x0], $0xffff  }
0x214: {  	v27 =	vor.u32 $0x13, v8;
	v16 =	vld.idx.msk [tilespmem:v17+s11+$0x0], $0xffff  }
0x215: {  	v29 =	vor.u32 $0x12, v8;
	v18 =	vld.idx.msk [tilespmem:v19+s11+$0x0], $0xffff  }
0x216: {  	v31 =	vor.u32 $0x11, v8;
	v20 =	vld.idx.msk [tilespmem:v21+s11+$0x0], $0xffff  }
0x217: {  	v33 =	vor.u32 $0x10, v8;
	v22 =	vld.idx.msk [tilespmem:v23+s11+$0x0], $0xffff  }
0x218: {  	v35 =	vor.u32 $0xF, v8;
	v24 =	vld.idx.msk [tilespmem:v25+s11+$0x0], $0xffff  }
0x219: {  	v37 =	vor.u32 $0xE, v8;
	v26 =	vld.idx.msk [tilespmem:v27+s11+$0x0], $0xffff  }
0x21a: {  	v39 =	vor.u32 $0xD, v8;
	v28 =	vld.idx.msk [tilespmem:v29+s11+$0x0], $0xffff  }
0x21b: {  	v41 =	vor.u32 $0xC, v8;
	v30 =	vld.idx.msk [tilespmem:v31+s11+$0x0], $0xffff  }
0x21c: {  	v43 =	vor.u32 $0xB, v8;
	v32 =	vld.idx.msk [tilespmem:v33+s11+$0x0], $0xffff  }
0x21d: {  	v45 =	vor.u32 $0xA, v8;
	v34 =	vld.idx.msk [tilespmem:v35+s11+$0x0], $0xffff  }
0x21e: {  	v48 =	vor.u32 $0x9, v8;
	v36 =	vld.idx.msk [tilespmem:v37+s11+$0x0], $0xffff  }
0x21f: {  	v50 =	vor.u32 $0x8, v8;
	v38 =	vld.idx.msk [tilespmem:v39+s11+$0x0], $0xffff  }
0x220: {  	v52 =	vor.u32 $0x7, v8;
	v40 =	vld.idx.msk [tilespmem:v41+s11+$0x0], $0xffff  }
0x221: {  	v54 =	vor.u32 $0x6, v8;
	v42 =	vld.idx.msk [tilespmem:v43+s11+$0x0], $0xffff  }
0x222: {  	v55 =	vor.u32 $0x5, v8;
	v44 =	vld.idx.msk [tilespmem:v45+s11+$0x0], $0xffff  }
0x223: {  	v46 =	vld.idx.msk [tilespmem:v48+s11+$0x0], $0xffff  }
0x224: {  	v47 =	vld.idx.msk [tilespmem:v50+s11+$0x0], $0xffff  }
0x225: {  	[tilespmem:$0x1FBD0] =	vst v2;
	v49 =	vld.idx.msk [tilespmem:v52+s11+$0x0], $0xffff  }
0x226: {  	v56 =	vor.u32 $0x4, v8;
	v51 =	vld.idx.msk [tilespmem:v54+s11+$0x0], $0xffff;
	[tilespmem:$0x1FBE0] =	vst v0  }
0x227: {  	s17 =	simm.s32 $0xD600;
	s18 =	simm.s32 $0x20;
	v57 =	vor.u32 $0x3, v8;
	v58 =	vor.u32 $0x2, v8;
	v59 =	vor.u32 $0x1, v8;
	v53 =	vld.idx.msk [tilespmem:v55+s11+$0x0], $0xffff;
	[tilespmem:$0x1FBF0] =	vst v62  }
.LBB2_2:
0x228: {  	_ =	sdelay $0x2  }
0x229: {  	v0 =	vld.idx.msk [tilespmem:v56+s11+$0x0], $0xffff  }
0x22a: {  	v1 =	vld.idx.msk [tilespmem:v57+s11+$0x0], $0xffff  }
0x22b: {  	v60 =	vld.idx.msk [tilespmem:v58+s11+$0x0], $0xffff  }
0x22c: {  	v61 =	vld.idx.msk [tilespmem:v59+s11+$0x0], $0xffff  }
0x22d: {  	v2 =	vld.idx.msk [tilespmem:v8+s15+$0x0], $0xffff  }
0x22e: {  	v3 =	vld.idx.msk [tilespmem:v59+s13+$0x0], $0xffff  }
0x22f: {  	v59 =	vld.idx.msk [tilespmem:v59+s15+$0x0], $0xffff  }
0x230: {  	v5 =	vld.idx.msk [tilespmem:v58+s13+$0x0], $0xffff  }
0x231: {  	[tilespmem:$0x1FBA0] =	vst v63;
	v63 =	vld.idx.msk [tilespmem:v8+s13+$0x0], $0xffff  }
0x232: {  	v58 =	vld.idx.msk [tilespmem:v58+s15+$0x0], $0xffff  }
0x233: {  	v62 =	vld.idx.msk [tilespmem:v8+s11+$0x0], $0xffff  }
0x234: {  	v6 =	vld.idx.msk [tilespmem:v57+s13+$0x0], $0xffff  }
0x235: {  	v57 =	vld.idx.msk [tilespmem:v57+s15+$0x0], $0xffff  }
0x236: {  	v3 =	vsub.f32 v3, v59;
	v59 =	vld.idx.msk [tilespmem:v55+s13+$0x0], $0xffff;
	v2 =	vsub.f32 v63, v2  }
0x237: {  	v5 =	vsub.f32 v5, v58;
	v58 =	vld.idx.msk [tilespmem:v54+s13+$0x0], $0xffff  }
0x238: {  	v3 =	vmul.f32 v3, v61;
	v61 =	vld.idx.msk [tilespmem:v48+s13+$0x0], $0xffff;
	v2 =	vmul.f32 v2, v62  }
0x239: {  	v62 =	vld.idx.msk [tilespmem:v55+s15+$0x0], $0xffff  }
0x23a: {  	v63 =	vld.idx.msk [tilespmem:v56+s13+$0x0], $0xffff;
	v2 =	vadd.f32 $0.0e+00, v2  }
0x23b: {  	v56 =	vld.idx.msk [tilespmem:v56+s15+$0x0], $0xffff  }
0x23c: {  	v2 =	vadd.f32 v3, v2;
	v3 =	vmul.f32 v5, v60;
	v5 =	vsub.f32 v6, v57;
	v6 =	vld.idx.msk [tilespmem:v54+s15+$0x0], $0xffff  }
0x23d: {  	v57 =	vld.idx.msk [tilespmem:v52+s13+$0x0], $0xffff  }
0x23e: {  	v60 =	vsub.f32 v59, v62;
	v59 =	vld.idx.msk [tilespmem:v41+s13+$0x0], $0xffff  }
0x23f: {  	v1 =	vmul.f32 v5, v1;
	v5 =	vld.idx.msk [tilespmem:v52+s15+$0x0], $0xffff  }
0x240: {  	v2 =	vadd.f32 v3, v2;
	v3 =	vsub.f32 v63, v56;
	v52 =	vld.idx.msk [tilespmem:v50+s13+$0x0], $0xffff  }
0x241: {  	v56 =	vld.idx.msk [tilespmem:v43+s13+$0x0], $0xffff  }
0x242: {  	v1 =	vadd.f32 v1, v2;
	v0 =	vmul.f32 v3, v0;
	v3 =	vld.idx.msk [tilespmem:v50+s15+$0x0], $0xffff  }
0x243: {  	v50 =	vld.idx.msk [tilespmem:v35+s13+$0x0], $0xffff  }
0x244: {  	v62 =	vmul.f32 v60, v53;
	v63 =	vsub.f32 v58, v6;
	v6 =	vld.idx.msk [tilespmem:v48+s15+$0x0], $0xffff;
	v0 =	vadd.f32 v0, v1  }
0x245: {  	v48 =	vld.idx.msk [tilespmem:v45+s13+$0x0], $0xffff  }
0x246: {  	v53 =	vmul.f32 v63, v51;
	v55 =	vsub.f32 v57, v5;
	v5 =	vld.idx.msk [tilespmem:v45+s15+$0x0], $0xffff;
	v0 =	vadd.f32 v62, v0  }
0x247: {  	v58 =	vsub.f32 v52, v3;
	v3 =	vld.idx.msk [tilespmem:v43+s15+$0x0], $0xffff  }
0x248: {  	v62 =	vld.idx.msk [tilespmem:v39+s13+$0x0], $0xffff;
	v57 =	vmul.f32 v55, v49;
	v0 =	vadd.f32 v53, v0  }
0x249: {  	v61 =	vsub.f32 v61, v6;
	v6 =	vld.idx.msk [tilespmem:v41+s15+$0x0], $0xffff  }
0x24a: {  	v60 =	vmul.f32 v58, v47;
	v47 =	vld.idx.msk [tilespmem:v37+s13+$0x0], $0xffff;
	v0 =	vadd.f32 v57, v0  }
0x24b: {  	v63 =	vmul.f32 v61, v46;
	v46 =	vsub.f32 v48, v5;
	v5 =	vld.idx.msk [tilespmem:v39+s15+$0x0], $0xffff  }
0x24c: {  	v0 =	vadd.f32 v60, v0;
	v49 =	vsub.f32 v56, v3;
	v3 =	vld.idx.msk [tilespmem:v37+s15+$0x0], $0xffff  }
0x24d: {  	v53 =	vld.idx.msk [tilespmem:v33+s13+$0x0], $0xffff  }
0x24e: {  	v48 =	vmul.f32 v46, v44;
	v56 =	vld.idx.msk [tilespmem:v31+s13+$0x0], $0xffff;
	v0 =	vadd.f32 v63, v0  }
0x24f: {  	v52 =	vsub.f32 v59, v6;
	v6 =	vld.idx.msk [tilespmem:v35+s15+$0x0], $0xffff  }
0x250: {  	v51 =	vmul.f32 v49, v42;
	v55 =	vsub.f32 v62, v5;
	v5 =	vld.idx.msk [tilespmem:v33+s15+$0x0], $0xffff;
	v0 =	vadd.f32 v48, v0  }
0x251: {  	v58 =	vsub.f32 v47, v3;
	v3 =	vld.idx.msk [tilespmem:v31+s15+$0x0], $0xffff  }
0x252: {  	v54 =	vmul.f32 v52, v40;
	v31 =	vld.idx.msk [tilespmem:v29+s13+$0x0], $0xffff;
	v0 =	vadd.f32 v51, v0  }
0x253: {  	v57 =	vmul.f32 v55, v38;
	v55 =	vld [tilespmem:$0x1FBE0]  }
0x254: {  	v60 =	vsub.f32 v50, v6;
	v6 =	vld.idx.msk [tilespmem:v29+s15+$0x0], $0xffff;
	v0 =	vadd.f32 v54, v0  }
0x255: {  	v29 =	vld.idx.msk [tilespmem:v27+s13+$0x0], $0xffff  }
0x256: {  	v59 =	vmul.f32 v58, v36;
	v62 =	vsub.f32 v53, v5;
	v5 =	vld.idx.msk [tilespmem:v27+s15+$0x0], $0xffff;
	v0 =	vadd.f32 v57, v0  }
0x257: {  	v61 =	vmul.f32 v60, v34;
	v27 =	vld.idx.msk [tilespmem:v25+s13+$0x0], $0xffff  }
0x258: {  	v63 =	vmul.f32 v62, v32;
	v32 =	vsub.f32 v56, v3;
	v3 =	vld.idx.msk [tilespmem:v25+s15+$0x0], $0xffff;
	v0 =	vadd.f32 v59, v0  }
0x259: {  	v25 =	vld.idx.msk [tilespmem:v23+s13+$0x0], $0xffff  }
0x25a: {  	v34 =	vsub.f32 v31, v6;
	v6 =	vld.idx.msk [tilespmem:v23+s15+$0x0], $0xffff;
	v0 =	vadd.f32 v61, v0  }
0x25b: {  	v23 =	vld.idx.msk [tilespmem:v21+s13+$0x0], $0xffff  }
0x25c: {  	v33 =	vmul.f32 v32, v30;
	v36 =	vsub.f32 v29, v5;
	v5 =	vld.idx.msk [tilespmem:v21+s15+$0x0], $0xffff;
	v0 =	vadd.f32 v63, v0  }
0x25d: {  	v21 =	vld.idx.msk [tilespmem:v19+s13+$0x0], $0xffff  }
0x25e: {  	v35 =	vmul.f32 v34, v28;
	v38 =	vsub.f32 v27, v3;
	v3 =	vld.idx.msk [tilespmem:v19+s15+$0x0], $0xffff;
	v0 =	vadd.f32 v33, v0  }
0x25f: {  	v19 =	vld.idx.msk [tilespmem:v17+s13+$0x0], $0xffff  }
0x260: {  	v37 =	vmul.f32 v36, v26;
	v40 =	vsub.f32 v25, v6;
	v6 =	vld.idx.msk [tilespmem:v17+s15+$0x0], $0xffff;
	v0 =	vadd.f32 v35, v0  }
0x261: {  	v17 =	vld.idx.msk [tilespmem:v15+s13+$0x0], $0xffff  }
0x262: {  	v39 =	vmul.f32 v38, v24;
	v42 =	vsub.f32 v23, v5;
	v5 =	vld.idx.msk [tilespmem:v15+s15+$0x0], $0xffff;
	v0 =	vadd.f32 v37, v0  }
0x263: {  	v15 =	vld.idx.msk [tilespmem:v14+s13+$0x0], $0xffff  }
0x264: {  	v41 =	vmul.f32 v40, v22;
	v44 =	vsub.f32 v21, v3;
	v3 =	vld.idx.msk [tilespmem:v14+s15+$0x0], $0xffff;
	v0 =	vadd.f32 v39, v0  }
0x265: {  	v14 =	vld.idx.msk [tilespmem:v12+s13+$0x0], $0xffff  }
0x266: {  	v43 =	vmul.f32 v42, v20;
	v46 =	vsub.f32 v19, v6;
	v6 =	vld.idx.msk [tilespmem:v12+s15+$0x0], $0xffff;
	v0 =	vadd.f32 v41, v0  }
0x267: {  	v8 =	vor.u32 $0x1F, v8;
	v12 =	vld.idx.msk [tilespmem:v9+s13+$0x0], $0xffff  }
0x268: {  	v45 =	vmul.f32 v44, v18;
	v48 =	vsub.f32 v17, v5;
	v5 =	vld.idx.msk [tilespmem:v9+s15+$0x0], $0xffff;
	v0 =	vadd.f32 v43, v0  }
0x269: {  	v53 =	vld [tilespmem:$0x1FBF0]  }
0x26a: {  	v47 =	vmul.f32 v46, v16;
	v9 =	vld.idx.msk [tilespmem:v7+s13+$0x0], $0xffff;
	v0 =	vadd.f32 v45, v0  }
0x26b: {  	v50 =	vsub.f32 v15, v3;
	v3 =	vld.idx.msk [tilespmem:v7+s15+$0x0], $0xffff  }
0x26c: {  	v49 =	vmul.f32 v48, v13;
	v52 =	vsub.f32 v14, v6;
	v6 =	vld.idx.msk [tilespmem:v8+s13+$0x0], $0xffff;
	v0 =	vadd.f32 v47, v0  }
0x26d: {  	v54 =	vsub.f32 v12, v5;
	v5 =	vld.idx.msk [tilespmem:v8+s15+$0x0], $0xffff  }
0x26e: {  	v7 =	vld.idx.msk [tilespmem:v4+s13+$0x0], $0xffff;
	v51 =	vmul.f32 v50, v11;
	v0 =	vadd.f32 v49, v0  }
0x26f: {  	v4 =	vld.idx.msk [tilespmem:v4+s15+$0x0], $0xffff  }
0x270: {  	v1 =	vmul.f32 v52, v53;
	v0 =	vadd.f32 v51, v0  }
0x271: {  	v59 =	vld [tilespmem:$0x1FBA0];
	v56 =	vsub.f32 v9, v3  }
0x272: {  	v60 =	vsub.f32 v6, v5;
	v5 =	vld [tilespmem:$0x1FBD0];
	v0 =	vadd.f32 v1, v0;
	v1 =	vmul.f32 v54, v55  }
0x273: {  	v3 =	vld.idx.msk [tilespmem:v8+s11+$0x0], $0xffff  }
0x274: {  	v58 =	vsub.f32 v7, v4;
	v57 =	vmul.f32 v56, v10;
	v0 =	vadd.f32 v1, v0  }
0x275: {  	v8 =	vmov s18  }
0x276: {  	v4 =	vshll.u32 v8, $0x5;
	v1 =	vmul.f32 v58, v59;
	v0 =	vadd.f32 v57, v0  }
0x277: {  	v8 =	vor.u32 v5, v4  }
0x278: {  	v61 =	vmul.f32 v60, v3;
	v4 =	vor.u32 $0x1E, v8;
	v0 =	vadd.f32 v1, v0  }
0x279: {  	v7 =	vor.u32 $0x1D, v8  }
0x27a: {  	v9 =	vor.u32 $0x1C, v8;
	v0 =	vadd.f32 v61, v0  }
0x27b: {  	s17 =	sadd.s32 $0x10, s17;
	v12 =	vor.u32 $0x1B, v8  }
0x27c: {  	v14 =	vor.u32 $0x1A, v8;
	[tilespmem:s17+$0x0] =	vst v0  }
0x27d: {  	v15 =	vor.u32 $0x19, v8;
	v63 =	vld.idx.msk [tilespmem:v4+s11+$0x0], $0xffff  }
0x27e: {  	v17 =	vor.u32 $0x18, v8;
	v10 =	vld.idx.msk [tilespmem:v7+s11+$0x0], $0xffff  }
0x27f: {  	v19 =	vor.u32 $0x17, v8;
	v0 =	vld.idx.msk [tilespmem:v9+s11+$0x0], $0xffff  }
0x280: {  	v21 =	vor.u32 $0x16, v8;
	v62 =	vld.idx.msk [tilespmem:v12+s11+$0x0], $0xffff  }
0x281: {  	v23 =	vor.u32 $0x15, v8;
	v11 =	vld.idx.msk [tilespmem:v14+s11+$0x0], $0xffff  }
0x282: {  	v25 =	vor.u32 $0x14, v8;
	v13 =	vld.idx.msk [tilespmem:v15+s11+$0x0], $0xffff  }
0x283: {  	v27 =	vor.u32 $0x13, v8;
	v16 =	vld.idx.msk [tilespmem:v17+s11+$0x0], $0xffff  }
0x284: {  	v29 =	vor.u32 $0x12, v8;
	v18 =	vld.idx.msk [tilespmem:v19+s11+$0x0], $0xffff  }
0x285: {  	v31 =	vor.u32 $0x11, v8;
	v20 =	vld.idx.msk [tilespmem:v21+s11+$0x0], $0xffff  }
0x286: {  	v33 =	vor.u32 $0x10, v8;
	v22 =	vld.idx.msk [tilespmem:v23+s11+$0x0], $0xffff  }
0x287: {  	v35 =	vor.u32 $0xF, v8;
	v24 =	vld.idx.msk [tilespmem:v25+s11+$0x0], $0xffff  }
0x288: {  	v37 =	vor.u32 $0xE, v8;
	v26 =	vld.idx.msk [tilespmem:v27+s11+$0x0], $0xffff  }
0x289: {  	v39 =	vor.u32 $0xD, v8;
	v28 =	vld.idx.msk [tilespmem:v29+s11+$0x0], $0xffff  }
0x28a: {  	v41 =	vor.u32 $0xC, v8;
	v30 =	vld.idx.msk [tilespmem:v31+s11+$0x0], $0xffff  }
0x28b: {  	v43 =	vor.u32 $0xB, v8;
	v32 =	vld.idx.msk [tilespmem:v33+s11+$0x0], $0xffff  }
0x28c: {  	v45 =	vor.u32 $0xA, v8;
	v34 =	vld.idx.msk [tilespmem:v35+s11+$0x0], $0xffff  }
0x28d: {  	v48 =	vor.u32 $0x9, v8;
	v36 =	vld.idx.msk [tilespmem:v37+s11+$0x0], $0xffff  }
0x28e: {  	v50 =	vor.u32 $0x8, v8;
	v38 =	vld.idx.msk [tilespmem:v39+s11+$0x0], $0xffff  }
0x28f: {  	v52 =	vor.u32 $0x7, v8;
	v40 =	vld.idx.msk [tilespmem:v41+s11+$0x0], $0xffff  }
0x290: {  	v54 =	vor.u32 $0x6, v8;
	v42 =	vld.idx.msk [tilespmem:v43+s11+$0x0], $0xffff  }
0x291: {  	p0 =	sne.s32 s18, $0x1F0;
	v55 =	vor.u32 $0x5, v8;
	v44 =	vld.idx.msk [tilespmem:v45+s11+$0x0], $0xffff  }
.Ltmp0:
0x292: {  	v46 =	vld.idx.msk [tilespmem:v48+s11+$0x0], $0xffff;
	(pc) =	sbr.rel @p0 .LBB2_2-.Ltmp0, $4  }
0x293: {  	v47 =	vld.idx.msk [tilespmem:v50+s11+$0x0], $0xffff  }
0x294: {  	v49 =	vld.idx.msk [tilespmem:v52+s11+$0x0], $0xffff  }
0x295: {  	v56 =	vor.u32 $0x4, v8;
	v51 =	vld.idx.msk [tilespmem:v54+s11+$0x0], $0xffff;
	[tilespmem:$0x1FBE0] =	vst v0  }
0x296: {  	s18 =	sadd.s32 $0x10, s18;
	v58 =	vor.u32 $0x2, v8;
	v59 =	vor.u32 $0x1, v8;
	v57 =	vor.u32 $0x3, v8;
	v53 =	vld.idx.msk [tilespmem:v55+s11+$0x0], $0xffff;
	[tilespmem:$0x1FBF0] =	vst v62  }
0x297: {  	_ =	sdelay $0x3  }
0x298: {  	v0 =	vld.idx.msk [tilespmem:v58+s11+$0x0], $0xffff  }
0x299: {  	v1 =	vld.idx.msk [tilespmem:v59+s11+$0x0], $0xffff  }
0x29a: {  	v2 =	vld.idx.msk [tilespmem:v8+s11+$0x0], $0xffff  }
0x29b: {  	v3 =	vld.idx.msk [tilespmem:v8+s13+$0x0], $0xffff  }
0x29c: {  	v5 =	vld.idx.msk [tilespmem:v8+s15+$0x0], $0xffff  }
0x29d: {  	v6 =	vld.idx.msk [tilespmem:v59+s13+$0x0], $0xffff  }
0x29e: {  	v59 =	vld.idx.msk [tilespmem:v59+s15+$0x0], $0xffff  }
0x29f: {  	v60 =	vld.idx.msk [tilespmem:v58+s13+$0x0], $0xffff  }
0x2a0: {  	v58 =	vld.idx.msk [tilespmem:v58+s15+$0x0], $0xffff  }
0x2a1: {  	v61 =	vld.idx.msk [tilespmem:v57+s11+$0x0], $0xffff  }
0x2a2: {  	v62 =	vld.idx.msk [tilespmem:v57+s13+$0x0], $0xffff  }
0x2a3: {  	v3 =	vsub.f32 v3, v5;
	v5 =	vld.idx.msk [tilespmem:v57+s15+$0x0], $0xffff  }
0x2a4: {  	v57 =	vld.idx.msk [tilespmem:v56+s11+$0x0], $0xffff  }
0x2a5: {  	v2 =	vmul.f32 v3, v2;
	v3 =	vsub.f32 v6, v59;
	v6 =	vld.idx.msk [tilespmem:v56+s13+$0x0], $0xffff  }
0x2a6: {  	v56 =	vld.idx.msk [tilespmem:v56+s15+$0x0], $0xffff  }
0x2a7: {  	v60 =	vsub.f32 v60, v58;
	v58 =	vld.idx.msk [tilespmem:v55+s13+$0x0], $0xffff  }
0x2a8: {  	v55 =	vld.idx.msk [tilespmem:v55+s15+$0x0], $0xffff  }
0x2a9: {  	v1 =	vmul.f32 v3, v1;
	v2 =	vadd.f32 $0.0e+00, v2;
	v3 =	vld.idx.msk [tilespmem:v54+s13+$0x0], $0xffff  }
0x2aa: {  	v62 =	vsub.f32 v62, v5;
	v5 =	vld.idx.msk [tilespmem:v54+s15+$0x0], $0xffff  }
0x2ab: {  	v0 =	vmul.f32 v60, v0;
	v1 =	vadd.f32 v1, v2;
	v60 =	vsub.f32 v6, v56;
	v6 =	vld.idx.msk [tilespmem:v52+s13+$0x0], $0xffff  }
0x2ac: {  	v52 =	vld.idx.msk [tilespmem:v52+s15+$0x0], $0xffff  }
0x2ad: {  	v59 =	vmul.f32 v62, v61;
	v62 =	vsub.f32 v58, v55;
	v58 =	vld.idx.msk [tilespmem:v50+s15+$0x0], $0xffff;
	v0 =	vadd.f32 v0, v1  }
0x2ae: {  	v56 =	vld.idx.msk [tilespmem:v43+s13+$0x0], $0xffff  }
0x2af: {  	v61 =	vmul.f32 v60, v57;
	v57 =	vld.idx.msk [tilespmem:v50+s13+$0x0], $0xffff;
	v0 =	vadd.f32 v59, v0  }
0x2b0: {  	v59 =	vmul.f32 v62, v53;
	v60 =	vsub.f32 v3, v5;
	v62 =	vld.idx.msk [tilespmem:v48+s15+$0x0], $0xffff  }
0x2b1: {  	v0 =	vadd.f32 v61, v0;
	v61 =	vld.idx.msk [tilespmem:v48+s13+$0x0], $0xffff  }
0x2b2: {  	v48 =	vmul.f32 v60, v51;
	v51 =	vsub.f32 v6, v52;
	v6 =	vld.idx.msk [tilespmem:v45+s13+$0x0], $0xffff  }
0x2b3: {  	v52 =	vld.idx.msk [tilespmem:v45+s15+$0x0], $0xffff;
	v0 =	vadd.f32 v59, v0  }
0x2b4: {  	v60 =	vld.idx.msk [tilespmem:v41+s13+$0x0], $0xffff  }
0x2b5: {  	v53 =	vmul.f32 v51, v49;
	v55 =	vsub.f32 v57, v58;
	v57 =	vld.idx.msk [tilespmem:v43+s15+$0x0], $0xffff;
	v0 =	vadd.f32 v48, v0  }
0x2b6: {  	v51 =	vld.idx.msk [tilespmem:v37+s13+$0x0], $0xffff  }
0x2b7: {  	v58 =	vmul.f32 v55, v47;
	v47 =	vld.idx.msk [tilespmem:v39+s15+$0x0], $0xffff;
	v59 =	vsub.f32 v61, v62;
	v0 =	vadd.f32 v53, v0  }
0x2b8: {  	v61 =	vld.idx.msk [tilespmem:v41+s15+$0x0], $0xffff  }
0x2b9: {  	v55 =	vld.idx.msk [tilespmem:v35+s13+$0x0], $0xffff;
	v45 =	vsub.f32 v6, v52;
	v62 =	vmul.f32 v59, v46;
	v0 =	vadd.f32 v58, v0  }
0x2ba: {  	v46 =	vld.idx.msk [tilespmem:v39+s13+$0x0], $0xffff  }
0x2bb: {  	v52 =	vld.idx.msk [tilespmem:v37+s15+$0x0], $0xffff;
	v49 =	vmul.f32 v45, v44;
	v50 =	vsub.f32 v56, v57;
	v0 =	vadd.f32 v62, v0  }
0x2bc: {  	v37 =	vld.idx.msk [tilespmem:v31+s13+$0x0], $0xffff  }
0x2bd: {  	v41 =	vld.idx.msk [tilespmem:v29+s13+$0x0], $0xffff;
	v53 =	vmul.f32 v50, v42;
	v54 =	vsub.f32 v60, v61;
	v0 =	vadd.f32 v49, v0  }
0x2be: {  	v56 =	vld.idx.msk [tilespmem:v35+s15+$0x0], $0xffff  }
0x2bf: {  	v59 =	vld.idx.msk [tilespmem:v33+s13+$0x0], $0xffff;
	v57 =	vmul.f32 v54, v40;
	v58 =	vsub.f32 v46, v47;
	v0 =	vadd.f32 v53, v0  }
0x2c0: {  	v60 =	vld.idx.msk [tilespmem:v33+s15+$0x0], $0xffff  }
0x2c1: {  	v45 =	vld.idx.msk [tilespmem:v27+s13+$0x0], $0xffff;
	v62 =	vsub.f32 v51, v52;
	v61 =	vmul.f32 v58, v38;
	v0 =	vadd.f32 v57, v0  }
0x2c2: {  	v38 =	vld.idx.msk [tilespmem:v31+s15+$0x0], $0xffff  }
0x2c3: {  	v35 =	vld.idx.msk [tilespmem:v14+s13+$0x0], $0xffff;
	v39 =	vmul.f32 v62, v36;
	v40 =	vsub.f32 v55, v56;
	v0 =	vadd.f32 v61, v0  }
0x2c4: {  	v42 =	vld.idx.msk [tilespmem:v29+s15+$0x0], $0xffff  }
0x2c5: {  	v50 =	vld.idx.msk [tilespmem:v25+s15+$0x0], $0xffff;
	v43 =	vmul.f32 v40, v34;
	v44 =	vsub.f32 v59, v60;
	v0 =	vadd.f32 v39, v0  }
0x2c6: {  	v46 =	vld.idx.msk [tilespmem:v27+s15+$0x0], $0xffff  }
0x2c7: {  	v49 =	vld.idx.msk [tilespmem:v25+s13+$0x0], $0xffff;
	v47 =	vmul.f32 v44, v32;
	v48 =	vsub.f32 v37, v38;
	v0 =	vadd.f32 v43, v0  }
0x2c8: {  	v54 =	vld.idx.msk [tilespmem:v23+s15+$0x0], $0xffff  }
0x2c9: {  	v62 =	vld.idx.msk [tilespmem:v19+s15+$0x0], $0xffff;
	v52 =	vsub.f32 v41, v42;
	v51 =	vmul.f32 v48, v30;
	v0 =	vadd.f32 v47, v0  }
0x2ca: {  	v53 =	vld.idx.msk [tilespmem:v23+s13+$0x0], $0xffff  }
0x2cb: {  	v58 =	vld.idx.msk [tilespmem:v21+s15+$0x0], $0xffff;
	v55 =	vmul.f32 v52, v28;
	v56 =	vsub.f32 v45, v46;
	v0 =	vadd.f32 v51, v0  }
0x2cc: {  	v57 =	vld.idx.msk [tilespmem:v21+s13+$0x0], $0xffff  }
0x2cd: {  	v27 =	vld.idx.msk [tilespmem:v17+s13+$0x0], $0xffff;
	v60 =	vsub.f32 v49, v50;
	v59 =	vmul.f32 v56, v26;
	v0 =	vadd.f32 v55, v0  }
0x2ce: {  	v61 =	vld.idx.msk [tilespmem:v19+s13+$0x0], $0xffff  }
0x2cf: {  	v36 =	vld.idx.msk [tilespmem:v14+s15+$0x0], $0xffff;
	v25 =	vmul.f32 v60, v24;
	v26 =	vsub.f32 v53, v54;
	v0 =	vadd.f32 v59, v0  }
0x2d0: {  	v28 =	vld.idx.msk [tilespmem:v17+s15+$0x0], $0xffff  }
0x2d1: {  	v31 =	vld.idx.msk [tilespmem:v15+s13+$0x0], $0xffff;
	v29 =	vmul.f32 v26, v22;
	v30 =	vsub.f32 v57, v58;
	v0 =	vadd.f32 v25, v0  }
0x2d2: {  	v32 =	vld.idx.msk [tilespmem:v15+s15+$0x0], $0xffff  }
0x2d3: {  	v40 =	vld.idx.msk [tilespmem:v12+s15+$0x0], $0xffff;
	v33 =	vmul.f32 v30, v20;
	v34 =	vsub.f32 v61, v62;
	v0 =	vadd.f32 v29, v0  }
0x2d4: {  	v45 =	vld.idx.msk [tilespmem:v9+s15+$0x0], $0xffff  }
0x2d5: {  	v49 =	vld.idx.msk [tilespmem:v7+s15+$0x0], $0xffff;
	v38 =	vsub.f32 v27, v28;
	v37 =	vmul.f32 v34, v18;
	v0 =	vadd.f32 v33, v0  }
0x2d6: {  	v39 =	vld.idx.msk [tilespmem:v12+s13+$0x0], $0xffff  }
0x2d7: {  	v54 =	vld [tilespmem:$0x1FBF0];
	v42 =	vsub.f32 v31, v32;
	v41 =	vmul.f32 v38, v16;
	v0 =	vadd.f32 v37, v0  }
0x2d8: {  	v44 =	vor.u32 $0x1F, v8;
	v43 =	vld.idx.msk [tilespmem:v9+s13+$0x0], $0xffff  }
0x2d9: {  	v48 =	vld.idx.msk [tilespmem:v7+s13+$0x0], $0xffff;
	v46 =	vmul.f32 v42, v13;
	v47 =	vsub.f32 v35, v36;
	v0 =	vadd.f32 v41, v0  }
0x2da: {  	v58 =	vld [tilespmem:$0x1FBE0]  }
0x2db: {  	v52 =	vld.idx.msk [tilespmem:v4+s13+$0x0], $0xffff;
	v50 =	vmul.f32 v47, v11;
	v51 =	vsub.f32 v39, v40;
	v0 =	vadd.f32 v46, v0  }
0x2dc: {  	v53 =	vld.idx.msk [tilespmem:v4+s15+$0x0], $0xffff  }
0x2dd: {  	v57 =	vld.idx.msk [tilespmem:v44+s15+$0x0], $0xffff;
	v56 =	vsub.f32 v43, v45;
	v1 =	vmul.f32 v51, v54;
	v0 =	vadd.f32 v50, v0  }
0x2de: {  	v55 =	vld.idx.msk [tilespmem:v44+s13+$0x0], $0xffff  }
0x2df: {  	v59 =	vsub.f32 v48, v49;
	v0 =	vadd.f32 v1, v0;
	v1 =	vmul.f32 v56, v58  }
0x2e0: {  	v60 =	vld.idx.msk [tilespmem:v44+s11+$0x0], $0xffff  }
0x2e1: {  	v3 =	vsub.f32 v52, v53;
	v61 =	vmul.f32 v59, v10;
	v0 =	vadd.f32 v1, v0;
	_ =	sdelay $0x1  }
0x2e2: {  	v62 =	vmul.f32 v3, v63;
	v2 =	vsub.f32 v55, v57;
	v0 =	vadd.f32 v61, v0;
	_ =	sdelay $0x1  }
0x2e3: {  	v63 =	vmul.f32 v2, v60;
	v0 =	vadd.f32 v62, v0;
	_ =	sdelay $0x1  }
0x2e4: {  	s16 =	sadd.s32 $0x1, s16;
	v0 =	vadd.f32 v63, v0  }
0x2e5: {  	s17 =	sadd.s32 $0x10, s17;
	p0 =	sne.s32 s16, s7  }
.Ltmp1:
0x2e6: {  	[tilespmem:s17+$0x0] =	vst v0;
	(pc) =	sbr.rel @p0 .LBB2_1-.Ltmp1, $4  }
0x2e7: {  	[hbm4b:s6+s2] =	stream.linear.scatter [tilespmem:s14], [sflag:$0x2], $0x200, $0x38;
	[tilespmem:$0xD800] =	vst v63  }
0x2e8: {  	_ =	swait.ge [sflag:s8], $0x200  }
0x2e9: {  	[sflag:s8] =	ssyncset.done $0x0  }
0x2ea: {  	[sflag:s8] =	ssyncadd.s32 $0xFFFFFE00  }
0x2eb: {  	_ =	sfence.sel $0x180000  }
0x2ec: {  	[bflag:$0x0] =	sbarrier.arrive $0xFFFF  }
0x2ed: {  	_ =	strace $0x90000047  }
0x2ee: {  	s0 =	stileid.u32;
	[bflag:$0x2] =	sbarrier.arrive $0xFFFF  }
0x2ef: {  	p0 =	sne.s32 s0, $0x0;
	s0 =	rddreg [dreg:$0x1]  }
0x2f0: {  	s0 =	sadd.s32 @!p0 $0x100000, s0  }
0x2f1: {  	[sflag:s0] =	ssyncadd.tile.s32 @!p0 $0x1;
	_ =	shalt  }
.Lfunc_end2:
_tile_overlayer_lowered:
.L_overlay_start_2:
0x2f2: {  	(tag) =	ssettag $0x2  }
0x2f3: {  	s0 =	rddreg [dreg:$0x0];
	s2 =	stileid.u32  }
0x2f4: {  	s1 =	rddreg [dreg:$0x1];
	p0 =	sne.s32 s2, $0x0  }
0x2f5: {  	s3 =	rddreg [dreg:$0x2];
	[bflag:$0x3] =	sbarrier.arrive $0xFFFF;
	s2 =	simm.s32 @!p0 $0x1C02  }
0x2f6: {  	[timem:s3], [sflag:s2] =	dma.local @!p0 [hbm:s0], s1  }
0x2f7: {  	s0 =	simm.s32 @!p0 $0x2  }
0x2f8: {  	_ =	swait.ge @!p0 [sflag:s0], s1  }
0x2f9: {  	s1 =	ssub.s32 @!p0 $0x0, s1;
	[sflag:s0] =	ssyncset.done @!p0 $0x0  }
0x2fa: {  	[sflag:s0] =	ssyncadd.s32 @!p0 s1  }
0x2fb: {  	[bflag:$0x3] =	sbarrier.arrive $0xFFFF  }
0x2fc: {  	_ =	shalt  }

</sc_bundles>
